<compile_context>
chip_gen: v7x
topology: tpu7x:2x2x1
jax: 0.10.2.dev20260603
libtpu: 0.0.44.dev20260713+nightly
codegen_flags: <defaults>
</compile_context>

<pallas_src>
import numpy as np
import jax
import jax.numpy as jnp
from jax import lax
from jax.experimental import pallas as pl
from jax.experimental.pallas import tpu as pltpu
from jax.experimental.pallas import tpu_sc as plsc

_D = 64
_S = 20
_M = 50
_B = 1024

_NC, _NS = 2, 16
_NW = _NC * _NS
_ROWS = _B * _M
_RPW = _ROWS // _NW
_CH = 80
_NCH = _RPW // _CH
_G = _CH * _S
_GPART = [(j * 128, 128) for j in range(12)] + [(1536, 64)]

_DEINT = np.arange(_D).reshape(2, 16, 2).transpose(0, 2, 1).reshape(-1)


def _pos_enc_deint():
    j = np.arange(1, _S + 1, dtype=np.float32)[:, None]
    k = np.arange(1, _D + 1, dtype=np.float32)[None, :]
    enc = (1.0 - j / _S) - (k / _D) * (1.0 - 2.0 * j / _S)
    return jnp.asarray(enc[:, _DEINT])


def _body(x_hbm, table_hbm, te_hbm, w_hbm, out_hbm,
          idx0, idx1, rows0, rows1, out0, out1, te_v, w_v,
          sem0, sem1, semi0, semi1, semo0, semo1):
    wid = lax.axis_index("s") * _NC + lax.axis_index("c")
    base = wid * _RPW
    pltpu.sync_copy(w_hbm, w_v)
    pltpu.sync_copy(te_hbm, te_v)
    idx_b, rows_b, sem_b = (idx0, idx1), (rows0, rows1), (sem0, sem1)
    out_b, semi_b, semo_b = (out0, out1), (semi0, semi1), (semo0, semo1)

    def fire_idx(c, b):
        pltpu.make_async_copy(
            x_hbm.at[pl.ds((base + c * _CH) * _S, _G)], idx_b[b], semi_b[b]
        ).start()

    def fire_gathers(c, b):
        pltpu.make_async_copy(
            x_hbm.at[pl.ds(0, _G)], idx_b[b], semi_b[b]
        ).wait()
        for off, sz in _GPART:
            pltpu.make_async_copy(
                table_hbm.at[idx_b[b].at[pl.ds(off, sz)]],
                rows_b[b].at[pl.ds(off, sz)],
                sem_b[b],
            ).start()

    def drain(b):
        pltpu.make_async_copy(
            table_hbm.at[pl.ds(0, _G)], rows_b[b], sem_b[b]
        ).wait()

    def compute(c, b):
        rows_v = rows_b[b]
        out_v = out_b[b]
        m0 = lax.rem(c * _CH, _M)

        @pl.when(c >= 2)
        def _():
            pltpu.make_async_copy(
                out_v, out_hbm.at[pl.ds(0, _CH)], semo_b[b]
            ).wait()

        def row(r, carry2):
            r0 = r * _S
            mr = lax.rem(m0 + r, _M)
            rsplat = jnp.full((16,), r, jnp.int32)
            for jj in range(_D // 32):
                la, lb = pl.ds(jj * 32, 16), pl.ds(jj * 32 + 16, 16)
                acc_a = te_v[mr, la]
                acc_b = te_v[mr, lb]
                for k in range(_S):
                    ab = rows_v[r0 + k, pl.ds(jj * 32, 32)]
                    a, b2 = plsc.unpack(ab, format=plsc.PackFormat.INTERLEAVED)
                    acc_a = acc_a + a * w_v[k, la]
                    acc_b = acc_b + b2 * w_v[k, lb]
                even = lax.iota(jnp.int32, 16) * 2 + jj * 32
                plsc.store_scatter(out_v, [rsplat, even], acc_a)
                plsc.store_scatter(out_v, [rsplat, even + 1], acc_b)
            return carry2

        lax.fori_loop(0, _CH, row, 0)
        pltpu.make_async_copy(
            out_v, out_hbm.at[pl.ds(base + c * _CH, _CH)], semo_b[b]
        ).start()

    fire_idx(0, 0)
    fire_idx(1, 1)
    fire_gathers(0, 0)
    fire_gathers(1, 1)

    def pair(i, carry):
        for b in range(2):
            c = i * 2 + b

            drain(b)

            @pl.when(c + 2 < _NCH)
            def _():
                fire_idx(c + 2, b)

            compute(c, b)

            @pl.when(c + 2 < _NCH)
            def _():
                fire_gathers(c + 2, b)
        return carry

    lax.fori_loop(0, _NCH // 2, pair, 0)
    pltpu.make_async_copy(out0, out_hbm.at[pl.ds(0, _CH)], semo0).wait()
    pltpu.make_async_copy(out1, out_hbm.at[pl.ds(0, _CH)], semo1).wait()


def kernel(x, embedding, temporal_embedding):
    table = embedding.astype(jnp.bfloat16)
    te = temporal_embedding[:, jnp.asarray(_DEINT)]
    mesh = plsc.VectorSubcoreMesh(core_axis_name="c", subcore_axis_name="s")
    out = pl.kernel(
        _body,
        mesh=mesh,
        compiler_params=pltpu.CompilerParams(
            use_tc_tiling_on_sc=False, needs_layout_passes=False
        ),
        out_type=jax.ShapeDtypeStruct((_ROWS, _D), jnp.float32),
        scratch_types=[
            pltpu.VMEM((_G,), jnp.int32),
            pltpu.VMEM((_G,), jnp.int32),
            pltpu.VMEM((_G, _D), jnp.bfloat16),
            pltpu.VMEM((_G, _D), jnp.bfloat16),
            pltpu.VMEM((_CH, _D), jnp.float32),
            pltpu.VMEM((_CH, _D), jnp.float32),
            pltpu.VMEM((_M, _D), jnp.float32),
            pltpu.VMEM((_S, _D), jnp.float32),
            pltpu.SemaphoreType.DMA,
            pltpu.SemaphoreType.DMA,
            pltpu.SemaphoreType.DMA,
            pltpu.SemaphoreType.DMA,
            pltpu.SemaphoreType.DMA,
            pltpu.SemaphoreType.DMA,
        ],
    )(x.reshape(-1), table, te, _pos_enc_deint())
    return out.reshape(_B, _M, _D)

# --- scband reference (transcript-rebuilt; emitter-appended) ---
"""Pipeline reference for scband-memory-9182640079163 (READ-ONLY COPY).

The authoritative reference and input builder live on the scoring server;
editing this copy changes nothing except your own understanding.
"""

import jax, jax.numpy as jnp
import numpy as np

VOCAB = 100000
D = 64        # embedding_size
S = 20        # sentence_size
M = 50        # memory_size
B = 1024      # batch


def position_encoding(embedding_size, sentence_size):
    # Classic MemN2N position encoding: l_kj = (1 - j/J) - (k/d)(1 - 2j/J)
    J = sentence_size
    d = embedding_size
    j = np.arange(1, J + 1, dtype=np.float32)[:, None]   # [S, 1]
    k = np.arange(1, d + 1, dtype=np.float32)[None, :]   # [1, D]
    enc = (1.0 - j / J) - (k / d) * (1.0 - 2.0 * j / J)
    return jnp.asarray(enc, dtype=jnp.float32)            # [S, D]


def setup_inputs(seed: int = 0) -> dict:
    key = jax.random.key(seed)
    k1, k2, k3 = jax.random.split(key, 3)
    x = jax.random.randint(k1, (B, M, S), 0, VOCAB, dtype=jnp.int32)
    embedding = jax.random.normal(k2, (VOCAB, D), dtype=jnp.float32)
    temporal_embedding = jax.random.normal(k3, (M, D), dtype=jnp.float32)
    return {"x": x, "embedding": embedding, "temporal_embedding": temporal_embedding}


def reference(x, embedding, temporal_embedding):
    # _embed: lookup then reshape to [B, M, S, D]
    emb = jnp.take(embedding, x.reshape(-1, S), axis=0).reshape(-1, M, S, D)
    pe = position_encoding(D, S)                          # [S, D]
    # temporal_encoding: temporal_embedding over arange(M) -> the table itself [M, D]
    te = jnp.take(temporal_embedding, jnp.arange(M), axis=0)
    return (pe * emb).sum(2) + te                         # [B, M, D]

if __name__ == "__main__":
    import jax
    _d = setup_inputs()
    print(jax.jit(kernel)(*tuple(_d.values())))

</pallas_src>

<mosaic_0001>
#map = affine_map<(d0, d1) -> (0)>
#map1 = affine_map<(d0, d1) -> (0, 0)>
module attributes {stable_mosaic.version = 14 : i64} {
  func.func @_body(%arg0: i32, %arg1: i32, %arg2: memref<1024000xi32, #tpu.memory_space<hbm>>, %arg3: memref<100000x64xbf16, #tpu.memory_space<hbm>>, %arg4: memref<50x64xf32, #tpu.memory_space<hbm>>, %arg5: memref<20x64xf32, #tpu.memory_space<hbm>>, %arg6: memref<51200x64xf32, #tpu.memory_space<hbm>>, %arg7: memref<1600xi32, #tpu.memory_space<vmem>>, %arg8: memref<1600xi32, #tpu.memory_space<vmem>>, %arg9: memref<1600x64xbf16, #tpu.memory_space<vmem>>, %arg10: memref<1600x64xbf16, #tpu.memory_space<vmem>>, %arg11: memref<80x64xf32, #tpu.memory_space<vmem>>, %arg12: memref<80x64xf32, #tpu.memory_space<vmem>>, %arg13: memref<50x64xf32, #tpu.memory_space<vmem>>, %arg14: memref<20x64xf32, #tpu.memory_space<vmem>>, %arg15: memref<!tpu.dma_semaphore, #tpu.memory_space<semaphore_mem>>, %arg16: memref<!tpu.dma_semaphore, #tpu.memory_space<semaphore_mem>>, %arg17: memref<!tpu.dma_semaphore, #tpu.memory_space<semaphore_mem>>, %arg18: memref<!tpu.dma_semaphore, #tpu.memory_space<semaphore_mem>>, %arg19: memref<!tpu.dma_semaphore, #tpu.memory_space<semaphore_mem>>, %arg20: memref<!tpu.dma_semaphore, #tpu.memory_space<semaphore_mem>>) attributes {dimension_semantics = [#tpu.dimension_semantics<core_parallel>, #tpu.dimension_semantics<subcore_parallel>], iteration_bounds = array<i64: 2, 16>, scalar_prefetch = 0 : i64, scratch_operands = 14 : i64, tpu.core_type = #tpu.core_type<sc_vector_subcore>, window_params = [{transform_indices = #map}, {transform_indices = #map1}, {transform_indices = #map1}, {transform_indices = #map1}, {transform_indices = #map1}]} {
    %mul3A = arith.constant 2 : i32
    %mul3A_0 = arith.muli %arg1, %mul3A : i32
    %add3A = arith.addi %mul3A_0, %arg0 : i32
    %mul3A_1 = arith.constant 1600 : i32
    %mul3A_2 = arith.muli %add3A, %mul3A_1 : i32
    "tpu.region"() ({
      %run_scoped3A = tpu.sem_alloc : memref<!tpu.dma_semaphore, #tpu.memory_space<semaphore_mem>>
      tpu.enqueue_dma source(%arg5 : memref<20x64xf32, #tpu.memory_space<hbm>>) target(%arg14 : memref<20x64xf32, #tpu.memory_space<vmem>>) target_semaphore(%run_scoped3A : memref<!tpu.dma_semaphore, #tpu.memory_space<semaphore_mem>>)
      tpu.wait_dma2 semaphore(%run_scoped3A : memref<!tpu.dma_semaphore, #tpu.memory_space<semaphore_mem>>) src(%arg5 : memref<20x64xf32, #tpu.memory_space<hbm>>) dst(%arg14 : memref<20x64xf32, #tpu.memory_space<vmem>>)
      tpu.yield
    }) : () -> ()
    "tpu.region"() ({
      %run_scoped3A = tpu.sem_alloc : memref<!tpu.dma_semaphore, #tpu.memory_space<semaphore_mem>>
      tpu.enqueue_dma source(%arg4 : memref<50x64xf32, #tpu.memory_space<hbm>>) target(%arg13 : memref<50x64xf32, #tpu.memory_space<vmem>>) target_semaphore(%run_scoped3A : memref<!tpu.dma_semaphore, #tpu.memory_space<semaphore_mem>>)
      tpu.wait_dma2 semaphore(%run_scoped3A : memref<!tpu.dma_semaphore, #tpu.memory_space<semaphore_mem>>) src(%arg4 : memref<50x64xf32, #tpu.memory_space<hbm>>) dst(%arg13 : memref<50x64xf32, #tpu.memory_space<vmem>>)
      tpu.yield
    }) : () -> ()
    %add3A_3 = arith.constant 0 : i32
    %add3A_4 = arith.addi %mul3A_2, %add3A_3 : i32
    %mul3A_5 = arith.constant 20 : i32
    %mul3A_6 = arith.muli %add3A_4, %mul3A_5 : i32
    %dma_start3A = tpu.memref_slice %arg2[%mul3A_6] : memref<1024000xi32, #tpu.memory_space<hbm>> -> memref<1600xi32, #tpu.memory_space<hbm>>
    %dma_start3A_7 = tpu.memref_slice %arg2[%mul3A_6] : memref<1024000xi32, #tpu.memory_space<hbm>> -> memref<1600xi32, #tpu.memory_space<hbm>>
    tpu.enqueue_dma source(%dma_start3A_7 : memref<1600xi32, #tpu.memory_space<hbm>>) target(%arg7 : memref<1600xi32, #tpu.memory_space<vmem>>) target_semaphore(%arg17 : memref<!tpu.dma_semaphore, #tpu.memory_space<semaphore_mem>>)
    %add3A_8 = arith.constant 80 : i32
    %add3A_9 = arith.addi %mul3A_2, %add3A_8 : i32
    %mul3A_10 = arith.constant 20 : i32
    %mul3A_11 = arith.muli %add3A_9, %mul3A_10 : i32
    %dma_start3A_12 = tpu.memref_slice %arg2[%mul3A_11] : memref<1024000xi32, #tpu.memory_space<hbm>> -> memref<1600xi32, #tpu.memory_space<hbm>>
    %dma_start3A_13 = tpu.memref_slice %arg2[%mul3A_11] : memref<1024000xi32, #tpu.memory_space<hbm>> -> memref<1600xi32, #tpu.memory_space<hbm>>
    tpu.enqueue_dma source(%dma_start3A_13 : memref<1600xi32, #tpu.memory_space<hbm>>) target(%arg8 : memref<1600xi32, #tpu.memory_space<vmem>>) target_semaphore(%arg18 : memref<!tpu.dma_semaphore, #tpu.memory_space<semaphore_mem>>)
    %dma_wait3A = arith.constant 0 : i32
    %dma_wait3A_14 = tpu.memref_slice %arg2[%dma_wait3A] : memref<1024000xi32, #tpu.memory_space<hbm>> -> memref<1600xi32, #tpu.memory_space<hbm>>
    %dma_wait3A_15 = arith.constant 0 : i32
    %dma_wait3A_16 = tpu.memref_slice %arg2[%dma_wait3A_15] : memref<1024000xi32, #tpu.memory_space<hbm>> -> memref<1600xi32, #tpu.memory_space<hbm>>
    tpu.wait_dma2 semaphore(%arg17 : memref<!tpu.dma_semaphore, #tpu.memory_space<semaphore_mem>>) src(%dma_wait3A_16 : memref<1600xi32, #tpu.memory_space<hbm>>) dst(%arg7 : memref<1600xi32, #tpu.memory_space<vmem>>)
    %dma_start3A_17 = arith.constant 0 : i32
    %dma_start3A_18 = arith.constant 0 : i32
    %dma_start3A_19 = tpu.memref_slice %arg9[%dma_start3A_17, %dma_start3A_18] : memref<1600x64xbf16, #tpu.memory_space<vmem>> -> memref<128x64xbf16, #tpu.memory_space<vmem>>
    %dma_start3A_20 = arith.constant 0 : i32
    %dma_start3A_21 = tpu.memref_slice %arg7[%dma_start3A_20] : memref<1600xi32, #tpu.memory_space<vmem>> -> memref<128xi32, #tpu.memory_space<vmem>>
    %dma_start3A_22 = arith.constant 0 : i32
    %dma_start3A_23 = arith.constant 0 : i32
    %dma_start3A_24 = tpu.memref_slice %arg3[%dma_start3A_22, %dma_start3A_23] : memref<100000x64xbf16, #tpu.memory_space<hbm>> -> memref<100000x64xbf16, #tpu.memory_space<hbm>>
    tpu.enqueue_indirect_dma source(%dma_start3A_24 : memref<100000x64xbf16, #tpu.memory_space<hbm>>) target(%dma_start3A_19 : memref<128x64xbf16, #tpu.memory_space<vmem>>) offsets(%dma_start3A_21 : memref<128xi32, #tpu.memory_space<vmem>>) semaphore(%arg15 : memref<!tpu.dma_semaphore, #tpu.memory_space<semaphore_mem>>)
    %dma_start3A_25 = arith.constant 128 : i32
    %dma_start3A_26 = arith.constant 0 : i32
    %dma_start3A_27 = tpu.memref_slice %arg9[%dma_start3A_25, %dma_start3A_26] : memref<1600x64xbf16, #tpu.memory_space<vmem>> -> memref<128x64xbf16, #tpu.memory_space<vmem>>
    %dma_start3A_28 = arith.constant 128 : i32
    %dma_start3A_29 = tpu.memref_slice %arg7[%dma_start3A_28] : memref<1600xi32, #tpu.memory_space<vmem>> -> memref<128xi32, #tpu.memory_space<vmem>>
    %dma_start3A_30 = arith.constant 0 : i32
    %dma_start3A_31 = arith.constant 0 : i32
    %dma_start3A_32 = tpu.memref_slice %arg3[%dma_start3A_30, %dma_start3A_31] : memref<100000x64xbf16, #tpu.memory_space<hbm>> -> memref<100000x64xbf16, #tpu.memory_space<hbm>>
    tpu.enqueue_indirect_dma source(%dma_start3A_32 : memref<100000x64xbf16, #tpu.memory_space<hbm>>) target(%dma_start3A_27 : memref<128x64xbf16, #tpu.memory_space<vmem>>) offsets(%dma_start3A_29 : memref<128xi32, #tpu.memory_space<vmem>>) semaphore(%arg15 : memref<!tpu.dma_semaphore, #tpu.memory_space<semaphore_mem>>)
    %dma_start3A_33 = arith.constant 256 : i32
    %dma_start3A_34 = arith.constant 0 : i32
    %dma_start3A_35 = tpu.memref_slice %arg9[%dma_start3A_33, %dma_start3A_34] : memref<1600x64xbf16, #tpu.memory_space<vmem>> -> memref<128x64xbf16, #tpu.memory_space<vmem>>
    %dma_start3A_36 = arith.constant 256 : i32
    %dma_start3A_37 = tpu.memref_slice %arg7[%dma_start3A_36] : memref<1600xi32, #tpu.memory_space<vmem>> -> memref<128xi32, #tpu.memory_space<vmem>>
    %dma_start3A_38 = arith.constant 0 : i32
    %dma_start3A_39 = arith.constant 0 : i32
    %dma_start3A_40 = tpu.memref_slice %arg3[%dma_start3A_38, %dma_start3A_39] : memref<100000x64xbf16, #tpu.memory_space<hbm>> -> memref<100000x64xbf16, #tpu.memory_space<hbm>>
    tpu.enqueue_indirect_dma source(%dma_start3A_40 : memref<100000x64xbf16, #tpu.memory_space<hbm>>) target(%dma_start3A_35 : memref<128x64xbf16, #tpu.memory_space<vmem>>) offsets(%dma_start3A_37 : memref<128xi32, #tpu.memory_space<vmem>>) semaphore(%arg15 : memref<!tpu.dma_semaphore, #tpu.memory_space<semaphore_mem>>)
    %dma_start3A_41 = arith.constant 384 : i32
    %dma_start3A_42 = arith.constant 0 : i32
    %dma_start3A_43 = tpu.memref_slice %arg9[%dma_start3A_41, %dma_start3A_42] : memref<1600x64xbf16, #tpu.memory_space<vmem>> -> memref<128x64xbf16, #tpu.memory_space<vmem>>
    %dma_start3A_44 = arith.constant 384 : i32
    %dma_start3A_45 = tpu.memref_slice %arg7[%dma_start3A_44] : memref<1600xi32, #tpu.memory_space<vmem>> -> memref<128xi32, #tpu.memory_space<vmem>>
    %dma_start3A_46 = arith.constant 0 : i32
    %dma_start3A_47 = arith.constant 0 : i32
    %dma_start3A_48 = tpu.memref_slice %arg3[%dma_start3A_46, %dma_start3A_47] : memref<100000x64xbf16, #tpu.memory_space<hbm>> -> memref<100000x64xbf16, #tpu.memory_space<hbm>>
    tpu.enqueue_indirect_dma source(%dma_start3A_48 : memref<100000x64xbf16, #tpu.memory_space<hbm>>) target(%dma_start3A_43 : memref<128x64xbf16, #tpu.memory_space<vmem>>) offsets(%dma_start3A_45 : memref<128xi32, #tpu.memory_space<vmem>>) semaphore(%arg15 : memref<!tpu.dma_semaphore, #tpu.memory_space<semaphore_mem>>)
    %dma_start3A_49 = arith.constant 512 : i32
    %dma_start3A_50 = arith.constant 0 : i32
    %dma_start3A_51 = tpu.memref_slice %arg9[%dma_start3A_49, %dma_start3A_50] : memref<1600x64xbf16, #tpu.memory_space<vmem>> -> memref<128x64xbf16, #tpu.memory_space<vmem>>
    %dma_start3A_52 = arith.constant 512 : i32
    %dma_start3A_53 = tpu.memref_slice %arg7[%dma_start3A_52] : memref<1600xi32, #tpu.memory_space<vmem>> -> memref<128xi32, #tpu.memory_space<vmem>>
    %dma_start3A_54 = arith.constant 0 : i32
    %dma_start3A_55 = arith.constant 0 : i32
    %dma_start3A_56 = tpu.memref_slice %arg3[%dma_start3A_54, %dma_start3A_55] : memref<100000x64xbf16, #tpu.memory_space<hbm>> -> memref<100000x64xbf16, #tpu.memory_space<hbm>>
    tpu.enqueue_indirect_dma source(%dma_start3A_56 : memref<100000x64xbf16, #tpu.memory_space<hbm>>) target(%dma_start3A_51 : memref<128x64xbf16, #tpu.memory_space<vmem>>) offsets(%dma_start3A_53 : memref<128xi32, #tpu.memory_space<vmem>>) semaphore(%arg15 : memref<!tpu.dma_semaphore, #tpu.memory_space<semaphore_mem>>)
    %dma_start3A_57 = arith.constant 640 : i32
    %dma_start3A_58 = arith.constant 0 : i32
    %dma_start3A_59 = tpu.memref_slice %arg9[%dma_start3A_57, %dma_start3A_58] : memref<1600x64xbf16, #tpu.memory_space<vmem>> -> memref<128x64xbf16, #tpu.memory_space<vmem>>
    %dma_start3A_60 = arith.constant 640 : i32
    %dma_start3A_61 = tpu.memref_slice %arg7[%dma_start3A_60] : memref<1600xi32, #tpu.memory_space<vmem>> -> memref<128xi32, #tpu.memory_space<vmem>>
    %dma_start3A_62 = arith.constant 0 : i32
    %dma_start3A_63 = arith.constant 0 : i32
    %dma_start3A_64 = tpu.memref_slice %arg3[%dma_start3A_62, %dma_start3A_63] : memref<100000x64xbf16, #tpu.memory_space<hbm>> -> memref<100000x64xbf16, #tpu.memory_space<hbm>>
    tpu.enqueue_indirect_dma source(%dma_start3A_64 : memref<100000x64xbf16, #tpu.memory_space<hbm>>) target(%dma_start3A_59 : memref<128x64xbf16, #tpu.memory_space<vmem>>) offsets(%dma_start3A_61 : memref<128xi32, #tpu.memory_space<vmem>>) semaphore(%arg15 : memref<!tpu.dma_semaphore, #tpu.memory_space<semaphore_mem>>)
    %dma_start3A_65 = arith.constant 768 : i32
    %dma_start3A_66 = arith.constant 0 : i32
    %dma_start3A_67 = tpu.memref_slice %arg9[%dma_start3A_65, %dma_start3A_66] : memref<1600x64xbf16, #tpu.memory_space<vmem>> -> memref<128x64xbf16, #tpu.memory_space<vmem>>
    %dma_start3A_68 = arith.constant 768 : i32
    %dma_start3A_69 = tpu.memref_slice %arg7[%dma_start3A_68] : memref<1600xi32, #tpu.memory_space<vmem>> -> memref<128xi32, #tpu.memory_space<vmem>>
    %dma_start3A_70 = arith.constant 0 : i32
    %dma_start3A_71 = arith.constant 0 : i32
    %dma_start3A_72 = tpu.memref_slice %arg3[%dma_start3A_70, %dma_start3A_71] : memref<100000x64xbf16, #tpu.memory_space<hbm>> -> memref<100000x64xbf16, #tpu.memory_space<hbm>>
    tpu.enqueue_indirect_dma source(%dma_start3A_72 : memref<100000x64xbf16, #tpu.memory_space<hbm>>) target(%dma_start3A_67 : memref<128x64xbf16, #tpu.memory_space<vmem>>) offsets(%dma_start3A_69 : memref<128xi32, #tpu.memory_space<vmem>>) semaphore(%arg15 : memref<!tpu.dma_semaphore, #tpu.memory_space<semaphore_mem>>)
    %dma_start3A_73 = arith.constant 896 : i32
    %dma_start3A_74 = arith.constant 0 : i32
    %dma_start3A_75 = tpu.memref_slice %arg9[%dma_start3A_73, %dma_start3A_74] : memref<1600x64xbf16, #tpu.memory_space<vmem>> -> memref<128x64xbf16, #tpu.memory_space<vmem>>
    %dma_start3A_76 = arith.constant 896 : i32
    %dma_start3A_77 = tpu.memref_slice %arg7[%dma_start3A_76] : memref<1600xi32, #tpu.memory_space<vmem>> -> memref<128xi32, #tpu.memory_space<vmem>>
    %dma_start3A_78 = arith.constant 0 : i32
    %dma_start3A_79 = arith.constant 0 : i32
    %dma_start3A_80 = tpu.memref_slice %arg3[%dma_start3A_78, %dma_start3A_79] : memref<100000x64xbf16, #tpu.memory_space<hbm>> -> memref<100000x64xbf16, #tpu.memory_space<hbm>>
    tpu.enqueue_indirect_dma source(%dma_start3A_80 : memref<100000x64xbf16, #tpu.memory_space<hbm>>) target(%dma_start3A_75 : memref<128x64xbf16, #tpu.memory_space<vmem>>) offsets(%dma_start3A_77 : memref<128xi32, #tpu.memory_space<vmem>>) semaphore(%arg15 : memref<!tpu.dma_semaphore, #tpu.memory_space<semaphore_mem>>)
    %dma_start3A_81 = arith.constant 1024 : i32
    %dma_start3A_82 = arith.constant 0 : i32
    %dma_start3A_83 = tpu.memref_slice %arg9[%dma_start3A_81, %dma_start3A_82] : memref<1600x64xbf16, #tpu.memory_space<vmem>> -> memref<128x64xbf16, #tpu.memory_space<vmem>>
    %dma_start3A_84 = arith.constant 1024 : i32
    %dma_start3A_85 = tpu.memref_slice %arg7[%dma_start3A_84] : memref<1600xi32, #tpu.memory_space<vmem>> -> memref<128xi32, #tpu.memory_space<vmem>>
    %dma_start3A_86 = arith.constant 0 : i32
    %dma_start3A_87 = arith.constant 0 : i32
    %dma_start3A_88 = tpu.memref_slice %arg3[%dma_start3A_86, %dma_start3A_87] : memref<100000x64xbf16, #tpu.memory_space<hbm>> -> memref<100000x64xbf16, #tpu.memory_space<hbm>>
    tpu.enqueue_indirect_dma source(%dma_start3A_88 : memref<100000x64xbf16, #tpu.memory_space<hbm>>) target(%dma_start3A_83 : memref<128x64xbf16, #tpu.memory_space<vmem>>) offsets(%dma_start3A_85 : memref<128xi32, #tpu.memory_space<vmem>>) semaphore(%arg15 : memref<!tpu.dma_semaphore, #tpu.memory_space<semaphore_mem>>)
    %dma_start3A_89 = arith.constant 1152 : i32
    %dma_start3A_90 = arith.constant 0 : i32
    %dma_start3A_91 = tpu.memref_slice %arg9[%dma_start3A_89, %dma_start3A_90] : memref<1600x64xbf16, #tpu.memory_space<vmem>> -> memref<128x64xbf16, #tpu.memory_space<vmem>>
    %dma_start3A_92 = arith.constant 1152 : i32
    %dma_start3A_93 = tpu.memref_slice %arg7[%dma_start3A_92] : memref<1600xi32, #tpu.memory_space<vmem>> -> memref<128xi32, #tpu.memory_space<vmem>>
    %dma_start3A_94 = arith.constant 0 : i32
    %dma_start3A_95 = arith.constant 0 : i32
    %dma_start3A_96 = tpu.memref_slice %arg3[%dma_start3A_94, %dma_start3A_95] : memref<100000x64xbf16, #tpu.memory_space<hbm>> -> memref<100000x64xbf16, #tpu.memory_space<hbm>>
    tpu.enqueue_indirect_dma source(%dma_start3A_96 : memref<100000x64xbf16, #tpu.memory_space<hbm>>) target(%dma_start3A_91 : memref<128x64xbf16, #tpu.memory_space<vmem>>) offsets(%dma_start3A_93 : memref<128xi32, #tpu.memory_space<vmem>>) semaphore(%arg15 : memref<!tpu.dma_semaphore, #tpu.memory_space<semaphore_mem>>)
    %dma_start3A_97 = arith.constant 1280 : i32
    %dma_start3A_98 = arith.constant 0 : i32
    %dma_start3A_99 = tpu.memref_slice %arg9[%dma_start3A_97, %dma_start3A_98] : memref<1600x64xbf16, #tpu.memory_space<vmem>> -> memref<128x64xbf16, #tpu.memory_space<vmem>>
    %dma_start3A_100 = arith.constant 1280 : i32
    %dma_start3A_101 = tpu.memref_slice %arg7[%dma_start3A_100] : memref<1600xi32, #tpu.memory_space<vmem>> -> memref<128xi32, #tpu.memory_space<vmem>>
    %dma_start3A_102 = arith.constant 0 : i32
    %dma_start3A_103 = arith.constant 0 : i32
    %dma_start3A_104 = tpu.memref_slice %arg3[%dma_start3A_102, %dma_start3A_103] : memref<100000x64xbf16, #tpu.memory_space<hbm>> -> memref<100000x64xbf16, #tpu.memory_space<hbm>>
    tpu.enqueue_indirect_dma source(%dma_start3A_104 : memref<100000x64xbf16, #tpu.memory_space<hbm>>) target(%dma_start3A_99 : memref<128x64xbf16, #tpu.memory_space<vmem>>) offsets(%dma_start3A_101 : memref<128xi32, #tpu.memory_space<vmem>>) semaphore(%arg15 : memref<!tpu.dma_semaphore, #tpu.memory_space<semaphore_mem>>)
    %dma_start3A_105 = arith.constant 1408 : i32
    %dma_start3A_106 = arith.constant 0 : i32
    %dma_start3A_107 = tpu.memref_slice %arg9[%dma_start3A_105, %dma_start3A_106] : memref<1600x64xbf16, #tpu.memory_space<vmem>> -> memref<128x64xbf16, #tpu.memory_space<vmem>>
    %dma_start3A_108 = arith.constant 1408 : i32
    %dma_start3A_109 = tpu.memref_slice %arg7[%dma_start3A_108] : memref<1600xi32, #tpu.memory_space<vmem>> -> memref<128xi32, #tpu.memory_space<vmem>>
    %dma_start3A_110 = arith.constant 0 : i32
    %dma_start3A_111 = arith.constant 0 : i32
    %dma_start3A_112 = tpu.memref_slice %arg3[%dma_start3A_110, %dma_start3A_111] : memref<100000x64xbf16, #tpu.memory_space<hbm>> -> memref<100000x64xbf16, #tpu.memory_space<hbm>>
    tpu.enqueue_indirect_dma source(%dma_start3A_112 : memref<100000x64xbf16, #tpu.memory_space<hbm>>) target(%dma_start3A_107 : memref<128x64xbf16, #tpu.memory_space<vmem>>) offsets(%dma_start3A_109 : memref<128xi32, #tpu.memory_space<vmem>>) semaphore(%arg15 : memref<!tpu.dma_semaphore, #tpu.memory_space<semaphore_mem>>)
    %dma_start3A_113 = arith.constant 1536 : i32
    %dma_start3A_114 = arith.constant 0 : i32
    %dma_start3A_115 = tpu.memref_slice %arg9[%dma_start3A_113, %dma_start3A_114] : memref<1600x64xbf16, #tpu.memory_space<vmem>> -> memref<64x64xbf16, #tpu.memory_space<vmem>>
    %dma_start3A_116 = arith.constant 1536 : i32
    %dma_start3A_117 = tpu.memref_slice %arg7[%dma_start3A_116] : memref<1600xi32, #tpu.memory_space<vmem>> -> memref<64xi32, #tpu.memory_space<vmem>>
    %dma_start3A_118 = arith.constant 0 : i32
    %dma_start3A_119 = arith.constant 0 : i32
    %dma_start3A_120 = tpu.memref_slice %arg3[%dma_start3A_118, %dma_start3A_119] : memref<100000x64xbf16, #tpu.memory_space<hbm>> -> memref<100000x64xbf16, #tpu.memory_space<hbm>>
    tpu.enqueue_indirect_dma source(%dma_start3A_120 : memref<100000x64xbf16, #tpu.memory_space<hbm>>) target(%dma_start3A_115 : memref<64x64xbf16, #tpu.memory_space<vmem>>) offsets(%dma_start3A_117 : memref<64xi32, #tpu.memory_space<vmem>>) semaphore(%arg15 : memref<!tpu.dma_semaphore, #tpu.memory_space<semaphore_mem>>)
    %dma_wait3A_121 = arith.constant 0 : i32
    %dma_wait3A_122 = tpu.memref_slice %arg2[%dma_wait3A_121] : memref<1024000xi32, #tpu.memory_space<hbm>> -> memref<1600xi32, #tpu.memory_space<hbm>>
    %dma_wait3A_123 = arith.constant 0 : i32
    %dma_wait3A_124 = tpu.memref_slice %arg2[%dma_wait3A_123] : memref<1024000xi32, #tpu.memory_space<hbm>> -> memref<1600xi32, #tpu.memory_space<hbm>>
    tpu.wait_dma2 semaphore(%arg18 : memref<!tpu.dma_semaphore, #tpu.memory_space<semaphore_mem>>) src(%dma_wait3A_124 : memref<1600xi32, #tpu.memory_space<hbm>>) dst(%arg8 : memref<1600xi32, #tpu.memory_space<vmem>>)
    %dma_start3A_125 = arith.constant 0 : i32
    %dma_start3A_126 = arith.constant 0 : i32
    %dma_start3A_127 = tpu.memref_slice %arg10[%dma_start3A_125, %dma_start3A_126] : memref<1600x64xbf16, #tpu.memory_space<vmem>> -> memref<128x64xbf16, #tpu.memory_space<vmem>>
    %dma_start3A_128 = arith.constant 0 : i32
    %dma_start3A_129 = tpu.memref_slice %arg8[%dma_start3A_128] : memref<1600xi32, #tpu.memory_space<vmem>> -> memref<128xi32, #tpu.memory_space<vmem>>
    %dma_start3A_130 = arith.constant 0 : i32
    %dma_start3A_131 = arith.constant 0 : i32
    %dma_start3A_132 = tpu.memref_slice %arg3[%dma_start3A_130, %dma_start3A_131] : memref<100000x64xbf16, #tpu.memory_space<hbm>> -> memref<100000x64xbf16, #tpu.memory_space<hbm>>
    tpu.enqueue_indirect_dma source(%dma_start3A_132 : memref<100000x64xbf16, #tpu.memory_space<hbm>>) target(%dma_start3A_127 : memref<128x64xbf16, #tpu.memory_space<vmem>>) offsets(%dma_start3A_129 : memref<128xi32, #tpu.memory_space<vmem>>) semaphore(%arg16 : memref<!tpu.dma_semaphore, #tpu.memory_space<semaphore_mem>>)
    %dma_start3A_133 = arith.constant 128 : i32
    %dma_start3A_134 = arith.constant 0 : i32
    %dma_start3A_135 = tpu.memref_slice %arg10[%dma_start3A_133, %dma_start3A_134] : memref<1600x64xbf16, #tpu.memory_space<vmem>> -> memref<128x64xbf16, #tpu.memory_space<vmem>>
    %dma_start3A_136 = arith.constant 128 : i32
    %dma_start3A_137 = tpu.memref_slice %arg8[%dma_start3A_136] : memref<1600xi32, #tpu.memory_space<vmem>> -> memref<128xi32, #tpu.memory_space<vmem>>
    %dma_start3A_138 = arith.constant 0 : i32
    %dma_start3A_139 = arith.constant 0 : i32
    %dma_start3A_140 = tpu.memref_slice %arg3[%dma_start3A_138, %dma_start3A_139] : memref<100000x64xbf16, #tpu.memory_space<hbm>> -> memref<100000x64xbf16, #tpu.memory_space<hbm>>
    tpu.enqueue_indirect_dma source(%dma_start3A_140 : memref<100000x64xbf16, #tpu.memory_space<hbm>>) target(%dma_start3A_135 : memref<128x64xbf16, #tpu.memory_space<vmem>>) offsets(%dma_start3A_137 : memref<128xi32, #tpu.memory_space<vmem>>) semaphore(%arg16 : memref<!tpu.dma_semaphore, #tpu.memory_space<semaphore_mem>>)
    %dma_start3A_141 = arith.constant 256 : i32
    %dma_start3A_142 = arith.constant 0 : i32
    %dma_start3A_143 = tpu.memref_slice %arg10[%dma_start3A_141, %dma_start3A_142] : memref<1600x64xbf16, #tpu.memory_space<vmem>> -> memref<128x64xbf16, #tpu.memory_space<vmem>>
    %dma_start3A_144 = arith.constant 256 : i32
    %dma_start3A_145 = tpu.memref_slice %arg8[%dma_start3A_144] : memref<1600xi32, #tpu.memory_space<vmem>> -> memref<128xi32, #tpu.memory_space<vmem>>
    %dma_start3A_146 = arith.constant 0 : i32
    %dma_start3A_147 = arith.constant 0 : i32
    %dma_start3A_148 = tpu.memref_slice %arg3[%dma_start3A_146, %dma_start3A_147] : memref<100000x64xbf16, #tpu.memory_space<hbm>> -> memref<100000x64xbf16, #tpu.memory_space<hbm>>
    tpu.enqueue_indirect_dma source(%dma_start3A_148 : memref<100000x64xbf16, #tpu.memory_space<hbm>>) target(%dma_start3A_143 : memref<128x64xbf16, #tpu.memory_space<vmem>>) offsets(%dma_start3A_145 : memref<128xi32, #tpu.memory_space<vmem>>) semaphore(%arg16 : memref<!tpu.dma_semaphore, #tpu.memory_space<semaphore_mem>>)
    %dma_start3A_149 = arith.constant 384 : i32
    %dma_start3A_150 = arith.constant 0 : i32
    %dma_start3A_151 = tpu.memref_slice %arg10[%dma_start3A_149, %dma_start3A_150] : memref<1600x64xbf16, #tpu.memory_space<vmem>> -> memref<128x64xbf16, #tpu.memory_space<vmem>>
    %dma_start3A_152 = arith.constant 384 : i32
    %dma_start3A_153 = tpu.memref_slice %arg8[%dma_start3A_152] : memref<1600xi32, #tpu.memory_space<vmem>> -> memref<128xi32, #tpu.memory_space<vmem>>
    %dma_start3A_154 = arith.constant 0 : i32
    %dma_start3A_155 = arith.constant 0 : i32
    %dma_start3A_156 = tpu.memref_slice %arg3[%dma_start3A_154, %dma_start3A_155] : memref<100000x64xbf16, #tpu.memory_space<hbm>> -> memref<100000x64xbf16, #tpu.memory_space<hbm>>
    tpu.enqueue_indirect_dma source(%dma_start3A_156 : memref<100000x64xbf16, #tpu.memory_space<hbm>>) target(%dma_start3A_151 : memref<128x64xbf16, #tpu.memory_space<vmem>>) offsets(%dma_start3A_153 : memref<128xi32, #tpu.memory_space<vmem>>) semaphore(%arg16 : memref<!tpu.dma_semaphore, #tpu.memory_space<semaphore_mem>>)
    %dma_start3A_157 = arith.constant 512 : i32
    %dma_start3A_158 = arith.constant 0 : i32
    %dma_start3A_159 = tpu.memref_slice %arg10[%dma_start3A_157, %dma_start3A_158] : memref<1600x64xbf16, #tpu.memory_space<vmem>> -> memref<128x64xbf16, #tpu.memory_space<vmem>>
    %dma_start3A_160 = arith.constant 512 : i32
    %dma_start3A_161 = tpu.memref_slice %arg8[%dma_start3A_160] : memref<1600xi32, #tpu.memory_space<vmem>> -> memref<128xi32, #tpu.memory_space<vmem>>
    %dma_start3A_162 = arith.constant 0 : i32
    %dma_start3A_163 = arith.constant 0 : i32
    %dma_start3A_164 = tpu.memref_slice %arg3[%dma_start3A_162, %dma_start3A_163] : memref<100000x64xbf16, #tpu.memory_space<hbm>> -> memref<100000x64xbf16, #tpu.memory_space<hbm>>
    tpu.enqueue_indirect_dma source(%dma_start3A_164 : memref<100000x64xbf16, #tpu.memory_space<hbm>>) target(%dma_start3A_159 : memref<128x64xbf16, #tpu.memory_space<vmem>>) offsets(%dma_start3A_161 : memref<128xi32, #tpu.memory_space<vmem>>) semaphore(%arg16 : memref<!tpu.dma_semaphore, #tpu.memory_space<semaphore_mem>>)
    %dma_start3A_165 = arith.constant 640 : i32
    %dma_start3A_166 = arith.constant 0 : i32
    %dma_start3A_167 = tpu.memref_slice %arg10[%dma_start3A_165, %dma_start3A_166] : memref<1600x64xbf16, #tpu.memory_space<vmem>> -> memref<128x64xbf16, #tpu.memory_space<vmem>>
    %dma_start3A_168 = arith.constant 640 : i32
    %dma_start3A_169 = tpu.memref_slice %arg8[%dma_start3A_168] : memref<1600xi32, #tpu.memory_space<vmem>> -> memref<128xi32, #tpu.memory_space<vmem>>
    %dma_start3A_170 = arith.constant 0 : i32
    %dma_start3A_171 = arith.constant 0 : i32
    %dma_start3A_172 = tpu.memref_slice %arg3[%dma_start3A_170, %dma_start3A_171] : memref<100000x64xbf16, #tpu.memory_space<hbm>> -> memref<100000x64xbf16, #tpu.memory_space<hbm>>
    tpu.enqueue_indirect_dma source(%dma_start3A_172 : memref<100000x64xbf16, #tpu.memory_space<hbm>>) target(%dma_start3A_167 : memref<128x64xbf16, #tpu.memory_space<vmem>>) offsets(%dma_start3A_169 : memref<128xi32, #tpu.memory_space<vmem>>) semaphore(%arg16 : memref<!tpu.dma_semaphore, #tpu.memory_space<semaphore_mem>>)
    %dma_start3A_173 = arith.constant 768 : i32
    %dma_start3A_174 = arith.constant 0 : i32
    %dma_start3A_175 = tpu.memref_slice %arg10[%dma_start3A_173, %dma_start3A_174] : memref<1600x64xbf16, #tpu.memory_space<vmem>> -> memref<128x64xbf16, #tpu.memory_space<vmem>>
    %dma_start3A_176 = arith.constant 768 : i32
    %dma_start3A_177 = tpu.memref_slice %arg8[%dma_start3A_176] : memref<1600xi32, #tpu.memory_space<vmem>> -> memref<128xi32, #tpu.memory_space<vmem>>
    %dma_start3A_178 = arith.constant 0 : i32
    %dma_start3A_179 = arith.constant 0 : i32
    %dma_start3A_180 = tpu.memref_slice %arg3[%dma_start3A_178, %dma_start3A_179] : memref<100000x64xbf16, #tpu.memory_space<hbm>> -> memref<100000x64xbf16, #tpu.memory_space<hbm>>
    tpu.enqueue_indirect_dma source(%dma_start3A_180 : memref<100000x64xbf16, #tpu.memory_space<hbm>>) target(%dma_start3A_175 : memref<128x64xbf16, #tpu.memory_space<vmem>>) offsets(%dma_start3A_177 : memref<128xi32, #tpu.memory_space<vmem>>) semaphore(%arg16 : memref<!tpu.dma_semaphore, #tpu.memory_space<semaphore_mem>>)
    %dma_start3A_181 = arith.constant 896 : i32
    %dma_start3A_182 = arith.constant 0 : i32
    %dma_start3A_183 = tpu.memref_slice %arg10[%dma_start3A_181, %dma_start3A_182] : memref<1600x64xbf16, #tpu.memory_space<vmem>> -> memref<128x64xbf16, #tpu.memory_space<vmem>>
    %dma_start3A_184 = arith.constant 896 : i32
    %dma_start3A_185 = tpu.memref_slice %arg8[%dma_start3A_184] : memref<1600xi32, #tpu.memory_space<vmem>> -> memref<128xi32, #tpu.memory_space<vmem>>
    %dma_start3A_186 = arith.constant 0 : i32
    %dma_start3A_187 = arith.constant 0 : i32
    %dma_start3A_188 = tpu.memref_slice %arg3[%dma_start3A_186, %dma_start3A_187] : memref<100000x64xbf16, #tpu.memory_space<hbm>> -> memref<100000x64xbf16, #tpu.memory_space<hbm>>
    tpu.enqueue_indirect_dma source(%dma_start3A_188 : memref<100000x64xbf16, #tpu.memory_space<hbm>>) target(%dma_start3A_183 : memref<128x64xbf16, #tpu.memory_space<vmem>>) offsets(%dma_start3A_185 : memref<128xi32, #tpu.memory_space<vmem>>) semaphore(%arg16 : memref<!tpu.dma_semaphore, #tpu.memory_space<semaphore_mem>>)
    %dma_start3A_189 = arith.constant 1024 : i32
    %dma_start3A_190 = arith.constant 0 : i32
    %dma_start3A_191 = tpu.memref_slice %arg10[%dma_start3A_189, %dma_start3A_190] : memref<1600x64xbf16, #tpu.memory_space<vmem>> -> memref<128x64xbf16, #tpu.memory_space<vmem>>
    %dma_start3A_192 = arith.constant 1024 : i32
    %dma_start3A_193 = tpu.memref_slice %arg8[%dma_start3A_192] : memref<1600xi32, #tpu.memory_space<vmem>> -> memref<128xi32, #tpu.memory_space<vmem>>
    %dma_start3A_194 = arith.constant 0 : i32
    %dma_start3A_195 = arith.constant 0 : i32
    %dma_start3A_196 = tpu.memref_slice %arg3[%dma_start3A_194, %dma_start3A_195] : memref<100000x64xbf16, #tpu.memory_space<hbm>> -> memref<100000x64xbf16, #tpu.memory_space<hbm>>
    tpu.enqueue_indirect_dma source(%dma_start3A_196 : memref<100000x64xbf16, #tpu.memory_space<hbm>>) target(%dma_start3A_191 : memref<128x64xbf16, #tpu.memory_space<vmem>>) offsets(%dma_start3A_193 : memref<128xi32, #tpu.memory_space<vmem>>) semaphore(%arg16 : memref<!tpu.dma_semaphore, #tpu.memory_space<semaphore_mem>>)
    %dma_start3A_197 = arith.constant 1152 : i32
    %dma_start3A_198 = arith.constant 0 : i32
    %dma_start3A_199 = tpu.memref_slice %arg10[%dma_start3A_197, %dma_start3A_198] : memref<1600x64xbf16, #tpu.memory_space<vmem>> -> memref<128x64xbf16, #tpu.memory_space<vmem>>
    %dma_start3A_200 = arith.constant 1152 : i32
    %dma_start3A_201 = tpu.memref_slice %arg8[%dma_start3A_200] : memref<1600xi32, #tpu.memory_space<vmem>> -> memref<128xi32, #tpu.memory_space<vmem>>
    %dma_start3A_202 = arith.constant 0 : i32
    %dma_start3A_203 = arith.constant 0 : i32
    %dma_start3A_204 = tpu.memref_slice %arg3[%dma_start3A_202, %dma_start3A_203] : memref<100000x64xbf16, #tpu.memory_space<hbm>> -> memref<100000x64xbf16, #tpu.memory_space<hbm>>
    tpu.enqueue_indirect_dma source(%dma_start3A_204 : memref<100000x64xbf16, #tpu.memory_space<hbm>>) target(%dma_start3A_199 : memref<128x64xbf16, #tpu.memory_space<vmem>>) offsets(%dma_start3A_201 : memref<128xi32, #tpu.memory_space<vmem>>) semaphore(%arg16 : memref<!tpu.dma_semaphore, #tpu.memory_space<semaphore_mem>>)
    %dma_start3A_205 = arith.constant 1280 : i32
    %dma_start3A_206 = arith.constant 0 : i32
    %dma_start3A_207 = tpu.memref_slice %arg10[%dma_start3A_205, %dma_start3A_206] : memref<1600x64xbf16, #tpu.memory_space<vmem>> -> memref<128x64xbf16, #tpu.memory_space<vmem>>
    %dma_start3A_208 = arith.constant 1280 : i32
    %dma_start3A_209 = tpu.memref_slice %arg8[%dma_start3A_208] : memref<1600xi32, #tpu.memory_space<vmem>> -> memref<128xi32, #tpu.memory_space<vmem>>
    %dma_start3A_210 = arith.constant 0 : i32
    %dma_start3A_211 = arith.constant 0 : i32
    %dma_start3A_212 = tpu.memref_slice %arg3[%dma_start3A_210, %dma_start3A_211] : memref<100000x64xbf16, #tpu.memory_space<hbm>> -> memref<100000x64xbf16, #tpu.memory_space<hbm>>
    tpu.enqueue_indirect_dma source(%dma_start3A_212 : memref<100000x64xbf16, #tpu.memory_space<hbm>>) target(%dma_start3A_207 : memref<128x64xbf16, #tpu.memory_space<vmem>>) offsets(%dma_start3A_209 : memref<128xi32, #tpu.memory_space<vmem>>) semaphore(%arg16 : memref<!tpu.dma_semaphore, #tpu.memory_space<semaphore_mem>>)
    %dma_start3A_213 = arith.constant 1408 : i32
    %dma_start3A_214 = arith.constant 0 : i32
    %dma_start3A_215 = tpu.memref_slice %arg10[%dma_start3A_213, %dma_start3A_214] : memref<1600x64xbf16, #tpu.memory_space<vmem>> -> memref<128x64xbf16, #tpu.memory_space<vmem>>
    %dma_start3A_216 = arith.constant 1408 : i32
    %dma_start3A_217 = tpu.memref_slice %arg8[%dma_start3A_216] : memref<1600xi32, #tpu.memory_space<vmem>> -> memref<128xi32, #tpu.memory_space<vmem>>
    %dma_start3A_218 = arith.constant 0 : i32
    %dma_start3A_219 = arith.constant 0 : i32
    %dma_start3A_220 = tpu.memref_slice %arg3[%dma_start3A_218, %dma_start3A_219] : memref<100000x64xbf16, #tpu.memory_space<hbm>> -> memref<100000x64xbf16, #tpu.memory_space<hbm>>
    tpu.enqueue_indirect_dma source(%dma_start3A_220 : memref<100000x64xbf16, #tpu.memory_space<hbm>>) target(%dma_start3A_215 : memref<128x64xbf16, #tpu.memory_space<vmem>>) offsets(%dma_start3A_217 : memref<128xi32, #tpu.memory_space<vmem>>) semaphore(%arg16 : memref<!tpu.dma_semaphore, #tpu.memory_space<semaphore_mem>>)
    %dma_start3A_221 = arith.constant 1536 : i32
    %dma_start3A_222 = arith.constant 0 : i32
    %dma_start3A_223 = tpu.memref_slice %arg10[%dma_start3A_221, %dma_start3A_222] : memref<1600x64xbf16, #tpu.memory_space<vmem>> -> memref<64x64xbf16, #tpu.memory_space<vmem>>
    %dma_start3A_224 = arith.constant 1536 : i32
    %dma_start3A_225 = tpu.memref_slice %arg8[%dma_start3A_224] : memref<1600xi32, #tpu.memory_space<vmem>> -> memref<64xi32, #tpu.memory_space<vmem>>
    %dma_start3A_226 = arith.constant 0 : i32
    %dma_start3A_227 = arith.constant 0 : i32
    %dma_start3A_228 = tpu.memref_slice %arg3[%dma_start3A_226, %dma_start3A_227] : memref<100000x64xbf16, #tpu.memory_space<hbm>> -> memref<100000x64xbf16, #tpu.memory_space<hbm>>
    tpu.enqueue_indirect_dma source(%dma_start3A_228 : memref<100000x64xbf16, #tpu.memory_space<hbm>>) target(%dma_start3A_223 : memref<64x64xbf16, #tpu.memory_space<vmem>>) offsets(%dma_start3A_225 : memref<64xi32, #tpu.memory_space<vmem>>) semaphore(%arg16 : memref<!tpu.dma_semaphore, #tpu.memory_space<semaphore_mem>>)
    %scan3A = arith.constant 0 : i32
    %scan3A_229 = arith.constant 0 : i32
    %scan3A_230 = arith.constant 10 : i32
    %scan3A_231 = arith.addi %scan3A_229, %scan3A_230 : i32
    %scan3A_232 = arith.constant 1 : i32
    scf.for %scan3A_246 = %scan3A_229 to %scan3A_231 step %scan3A_232  : i32 {
      %mul3A_247 = arith.constant 2 : i32
      %mul3A_248 = arith.muli %scan3A_246, %mul3A_247 : i32
      %add3A_249 = arith.constant 0 : i32
      %add3A_250 = arith.addi %mul3A_248, %add3A_249 : i32
      %dma_wait3A_251 = arith.constant 0 : i32
      %dma_wait3A_252 = arith.constant 0 : i32
      %dma_wait3A_253 = tpu.memref_slice %arg3[%dma_wait3A_251, %dma_wait3A_252] : memref<100000x64xbf16, #tpu.memory_space<hbm>> -> memref<1600x64xbf16, #tpu.memory_space<hbm>>
      %dma_wait3A_254 = arith.constant 0 : i32
      %dma_wait3A_255 = arith.constant 0 : i32
      %dma_wait3A_256 = tpu.memref_slice %arg3[%dma_wait3A_254, %dma_wait3A_255] : memref<100000x64xbf16, #tpu.memory_space<hbm>> -> memref<1600x64xbf16, #tpu.memory_space<hbm>>
      tpu.wait_dma2 semaphore(%arg15 : memref<!tpu.dma_semaphore, #tpu.memory_space<semaphore_mem>>) src(%dma_wait3A_256 : memref<1600x64xbf16, #tpu.memory_space<hbm>>) dst(%arg9 : memref<1600x64xbf16, #tpu.memory_space<vmem>>)
      %add3A_257 = arith.constant 2 : i32
      %add3A_258 = arith.addi %add3A_250, %add3A_257 : i32
      %lt3A = arith.constant 20 : i32
      %lt3A_259 = arith.cmpi slt, %add3A_258, %lt3A : i32
      %convert_element_type3A = arith.extui %lt3A_259 : i1 to i32
      %cond3A = arith.constant 0 : i32
      %cond3A_260 = arith.cmpi ne, %convert_element_type3A, %cond3A : i32
      scf.if %cond3A_260 {
        %add3A_334 = arith.constant 2 : i32
        %add3A_335 = arith.addi %add3A_250, %add3A_334 : i32
        %mul3A_336 = arith.constant 80 : i32
        %mul3A_337 = arith.muli %add3A_335, %mul3A_336 : i32
        %add3A_338 = arith.addi %mul3A_2, %mul3A_337 : i32
        %mul3A_339 = arith.constant 20 : i32
        %mul3A_340 = arith.muli %add3A_338, %mul3A_339 : i32
        %dma_start3A_341 = tpu.memref_slice %arg2[%mul3A_340] : memref<1024000xi32, #tpu.memory_space<hbm>> -> memref<1600xi32, #tpu.memory_space<hbm>>
        %dma_start3A_342 = tpu.memref_slice %arg2[%mul3A_340] : memref<1024000xi32, #tpu.memory_space<hbm>> -> memref<1600xi32, #tpu.memory_space<hbm>>
        tpu.enqueue_dma source(%dma_start3A_342 : memref<1600xi32, #tpu.memory_space<hbm>>) target(%arg7 : memref<1600xi32, #tpu.memory_space<vmem>>) target_semaphore(%arg17 : memref<!tpu.dma_semaphore, #tpu.memory_space<semaphore_mem>>)
      } else {
      }
      %mul3A_261 = arith.constant 80 : i32
      %mul3A_262 = arith.muli %add3A_250, %mul3A_261 : i32
      %rem3A = arith.constant 50 : i32
      %rem3A_263 = arith.remsi %mul3A_262, %rem3A : i32
      %ge3A = arith.constant 2 : i32
      %ge3A_264 = arith.cmpi sge, %add3A_250, %ge3A : i32
      %convert_element_type3A_265 = arith.extui %ge3A_264 : i1 to i32
      %cond3A_266 = arith.constant 0 : i32
      %cond3A_267 = arith.cmpi ne, %convert_element_type3A_265, %cond3A_266 : i32
      scf.if %cond3A_267 {
        %dma_wait3A_334 = arith.constant 0 : i32
        %dma_wait3A_335 = arith.constant 0 : i32
        %dma_wait3A_336 = tpu.memref_slice %arg6[%dma_wait3A_334, %dma_wait3A_335] : memref<51200x64xf32, #tpu.memory_space<hbm>> -> memref<80x64xf32, #tpu.memory_space<hbm>>
        %dma_wait3A_337 = arith.constant 0 : i32
        %dma_wait3A_338 = arith.constant 0 : i32
        %dma_wait3A_339 = tpu.memref_slice %arg6[%dma_wait3A_337, %dma_wait3A_338] : memref<51200x64xf32, #tpu.memory_space<hbm>> -> memref<80x64xf32, #tpu.memory_space<hbm>>
        tpu.wait_dma2 semaphore(%arg19 : memref<!tpu.dma_semaphore, #tpu.memory_space<semaphore_mem>>) src(%arg11 : memref<80x64xf32, #tpu.memory_space<vmem>>) dst(%dma_wait3A_339 : memref<80x64xf32, #tpu.memory_space<hbm>>)
      } else {
      }
      %scan3A_268 = arith.constant 0 : i32
      %scan3A_269 = arith.constant 0 : i32
      %scan3A_270 = arith.constant 80 : i32
      %scan3A_271 = arith.addi %scan3A_269, %scan3A_270 : i32
      %scan3A_272 = arith.constant 1 : i32
      scf.for %scan3A_334 = %scan3A_269 to %scan3A_271 step %scan3A_272  : i32 {
        %mul3A_335 = arith.constant 20 : i32
        %mul3A_336 = arith.muli %scan3A_334, %mul3A_335 : i32
        %add3A_337 = arith.addi %rem3A_263, %scan3A_334 : i32
        %rem3A_338 = arith.constant 50 : i32
        %rem3A_339 = arith.remsi %add3A_337, %rem3A_338 : i32
        %broadcast_in_dim3A = vector.broadcast %scan3A_334 : i32 to vector<16xi32>
        %get3A = arith.index_cast %rem3A_339 : i32 to index
        %get3A_340 = arith.constant 0 : index
        %get3A_341 = tpu.vector_load %arg13[%get3A, %get3A_340] {strides = array<i32>} : memref<50x64xf32, #tpu.memory_space<vmem>>, vector<16xf32>,
        %get3A_342 = arith.index_cast %rem3A_339 : i32 to index
        %get3A_343 = arith.constant 16 : index
        %get3A_344 = tpu.vector_load %arg13[%get3A_342, %get3A_343] {strides = array<i32>} : memref<50x64xf32, #tpu.memory_space<vmem>>, vector<16xf32>,
        %add3A_345 = arith.constant 0 : i32
        %add3A_346 = arith.addi %mul3A_336, %add3A_345 : i32
        %get3A_347 = arith.index_cast %add3A_346 : i32 to index
        %get3A_348 = arith.constant 0 : index
        %get3A_349 = tpu.vector_load %arg9[%get3A_347, %get3A_348] {strides = array<i32>} : memref<1600x64xbf16, #tpu.memory_space<vmem>>, vector<32xbf16>,
        %unpack3A = tpu.unpack_subelements %get3A_349, 0 {pack_format = #tpu.pack_format<interleaved>} : vector<32xbf16> -> vector<16xf32>
        %unpack3A_350 = tpu.unpack_subelements %get3A_349, 1 {pack_format = #tpu.pack_format<interleaved>} : vector<32xbf16> -> vector<16xf32>
        %get3A_351 = arith.constant 0 : i32
        %get3A_352 = arith.index_cast %get3A_351 : i32 to index
        %get3A_353 = arith.constant 0 : index
        %get3A_354 = tpu.vector_load %arg14[%get3A_352, %get3A_353] {strides = array<i32>} : memref<20x64xf32, #tpu.memory_space<vmem>>, vector<16xf32>,
        %mul3A_355 = arith.mulf %unpack3A, %get3A_354 : vector<16xf32>
        %add3A_356 = arith.addf %get3A_341, %mul3A_355 : vector<16xf32>
        %get3A_357 = arith.constant 0 : i32
        %get3A_358 = arith.index_cast %get3A_357 : i32 to index
        %get3A_359 = arith.constant 16 : index
        %get3A_360 = tpu.vector_load %arg14[%get3A_358, %get3A_359] {strides = array<i32>} : memref<20x64xf32, #tpu.memory_space<vmem>>, vector<16xf32>,
        %mul3A_361 = arith.mulf %unpack3A_350, %get3A_360 : vector<16xf32>
        %add3A_362 = arith.addf %get3A_344, %mul3A_361 : vector<16xf32>
        %add3A_363 = arith.constant 1 : i32
        %add3A_364 = arith.addi %mul3A_336, %add3A_363 : i32
        %get3A_365 = arith.index_cast %add3A_364 : i32 to index
        %get3A_366 = arith.constant 0 : index
        %get3A_367 = tpu.vector_load %arg9[%get3A_365, %get3A_366] {strides = array<i32>} : memref<1600x64xbf16, #tpu.memory_space<vmem>>, vector<32xbf16>,
        %unpack3A_368 = tpu.unpack_subelements %get3A_367, 0 {pack_format = #tpu.pack_format<interleaved>} : vector<32xbf16> -> vector<16xf32>
        %unpack3A_369 = tpu.unpack_subelements %get3A_367, 1 {pack_format = #tpu.pack_format<interleaved>} : vector<32xbf16> -> vector<16xf32>
        %get3A_370 = arith.constant 1 : i32
        %get3A_371 = arith.index_cast %get3A_370 : i32 to index
        %get3A_372 = arith.constant 0 : index
        %get3A_373 = tpu.vector_load %arg14[%get3A_371, %get3A_372] {strides = array<i32>} : memref<20x64xf32, #tpu.memory_space<vmem>>, vector<16xf32>,
        %mul3A_374 = arith.mulf %unpack3A_368, %get3A_373 : vector<16xf32>
        %add3A_375 = arith.addf %add3A_356, %mul3A_374 : vector<16xf32>
        %get3A_376 = arith.constant 1 : i32
        %get3A_377 = arith.index_cast %get3A_376 : i32 to index
        %get3A_378 = arith.constant 16 : index
        %get3A_379 = tpu.vector_load %arg14[%get3A_377, %get3A_378] {strides = array<i32>} : memref<20x64xf32, #tpu.memory_space<vmem>>, vector<16xf32>,
        %mul3A_380 = arith.mulf %unpack3A_369, %get3A_379 : vector<16xf32>
        %add3A_381 = arith.addf %add3A_362, %mul3A_380 : vector<16xf32>
        %add3A_382 = arith.constant 2 : i32
        %add3A_383 = arith.addi %mul3A_336, %add3A_382 : i32
        %get3A_384 = arith.index_cast %add3A_383 : i32 to index
        %get3A_385 = arith.constant 0 : index
        %get3A_386 = tpu.vector_load %arg9[%get3A_384, %get3A_385] {strides = array<i32>} : memref<1600x64xbf16, #tpu.memory_space<vmem>>, vector<32xbf16>,
        %unpack3A_387 = tpu.unpack_subelements %get3A_386, 0 {pack_format = #tpu.pack_format<interleaved>} : vector<32xbf16> -> vector<16xf32>
        %unpack3A_388 = tpu.unpack_subelements %get3A_386, 1 {pack_format = #tpu.pack_format<interleaved>} : vector<32xbf16> -> vector<16xf32>
        %get3A_389 = arith.constant 2 : i32
        %get3A_390 = arith.index_cast %get3A_389 : i32 to index
        %get3A_391 = arith.constant 0 : index
        %get3A_392 = tpu.vector_load %arg14[%get3A_390, %get3A_391] {strides = array<i32>} : memref<20x64xf32, #tpu.memory_space<vmem>>, vector<16xf32>,
        %mul3A_393 = arith.mulf %unpack3A_387, %get3A_392 : vector<16xf32>
        %add3A_394 = arith.addf %add3A_375, %mul3A_393 : vector<16xf32>
        %get3A_395 = arith.constant 2 : i32
        %get3A_396 = arith.index_cast %get3A_395 : i32 to index
        %get3A_397 = arith.constant 16 : index
        %get3A_398 = tpu.vector_load %arg14[%get3A_396, %get3A_397] {strides = array<i32>} : memref<20x64xf32, #tpu.memory_space<vmem>>, vector<16xf32>,
        %mul3A_399 = arith.mulf %unpack3A_388, %get3A_398 : vector<16xf32>
        %add3A_400 = arith.addf %add3A_381, %mul3A_399 : vector<16xf32>
        %add3A_401 = arith.constant 3 : i32
        %add3A_402 = arith.addi %mul3A_336, %add3A_401 : i32
        %get3A_403 = arith.index_cast %add3A_402 : i32 to index
        %get3A_404 = arith.constant 0 : index
        %get3A_405 = tpu.vector_load %arg9[%get3A_403, %get3A_404] {strides = array<i32>} : memref<1600x64xbf16, #tpu.memory_space<vmem>>, vector<32xbf16>,
        %unpack3A_406 = tpu.unpack_subelements %get3A_405, 0 {pack_format = #tpu.pack_format<interleaved>} : vector<32xbf16> -> vector<16xf32>
        %unpack3A_407 = tpu.unpack_subelements %get3A_405, 1 {pack_format = #tpu.pack_format<interleaved>} : vector<32xbf16> -> vector<16xf32>
        %get3A_408 = arith.constant 3 : i32
        %get3A_409 = arith.index_cast %get3A_408 : i32 to index
        %get3A_410 = arith.constant 0 : index
        %get3A_411 = tpu.vector_load %arg14[%get3A_409, %get3A_410] {strides = array<i32>} : memref<20x64xf32, #tpu.memory_space<vmem>>, vector<16xf32>,
        %mul3A_412 = arith.mulf %unpack3A_406, %get3A_411 : vector<16xf32>
        %add3A_413 = arith.addf %add3A_394, %mul3A_412 : vector<16xf32>
        %get3A_414 = arith.constant 3 : i32
        %get3A_415 = arith.index_cast %get3A_414 : i32 to index
        %get3A_416 = arith.constant 16 : index
        %get3A_417 = tpu.vector_load %arg14[%get3A_415, %get3A_416] {strides = array<i32>} : memref<20x64xf32, #tpu.memory_space<vmem>>, vector<16xf32>,
        %mul3A_418 = arith.mulf %unpack3A_407, %get3A_417 : vector<16xf32>
        %add3A_419 = arith.addf %add3A_400, %mul3A_418 : vector<16xf32>
        %add3A_420 = arith.constant 4 : i32
        %add3A_421 = arith.addi %mul3A_336, %add3A_420 : i32
        %get3A_422 = arith.index_cast %add3A_421 : i32 to index
        %get3A_423 = arith.constant 0 : index
        %get3A_424 = tpu.vector_load %arg9[%get3A_422, %get3A_423] {strides = array<i32>} : memref<1600x64xbf16, #tpu.memory_space<vmem>>, vector<32xbf16>,
        %unpack3A_425 = tpu.unpack_subelements %get3A_424, 0 {pack_format = #tpu.pack_format<interleaved>} : vector<32xbf16> -> vector<16xf32>
        %unpack3A_426 = tpu.unpack_subelements %get3A_424, 1 {pack_format = #tpu.pack_format<interleaved>} : vector<32xbf16> -> vector<16xf32>
        %get3A_427 = arith.constant 4 : i32
        %get3A_428 = arith.index_cast %get3A_427 : i32 to index
        %get3A_429 = arith.constant 0 : index
        %get3A_430 = tpu.vector_load %arg14[%get3A_428, %get3A_429] {strides = array<i32>} : memref<20x64xf32, #tpu.memory_space<vmem>>, vector<16xf32>,
        %mul3A_431 = arith.mulf %unpack3A_425, %get3A_430 : vector<16xf32>
        %add3A_432 = arith.addf %add3A_413, %mul3A_431 : vector<16xf32>
        %get3A_433 = arith.constant 4 : i32
        %get3A_434 = arith.index_cast %get3A_433 : i32 to index
        %get3A_435 = arith.constant 16 : index
        %get3A_436 = tpu.vector_load %arg14[%get3A_434, %get3A_435] {strides = array<i32>} : memref<20x64xf32, #tpu.memory_space<vmem>>, vector<16xf32>,
        %mul3A_437 = arith.mulf %unpack3A_426, %get3A_436 : vector<16xf32>
        %add3A_438 = arith.addf %add3A_419, %mul3A_437 : vector<16xf32>
        %add3A_439 = arith.constant 5 : i32
        %add3A_440 = arith.addi %mul3A_336, %add3A_439 : i32
        %get3A_441 = arith.index_cast %add3A_440 : i32 to index
        %get3A_442 = arith.constant 0 : index
        %get3A_443 = tpu.vector_load %arg9[%get3A_441, %get3A_442] {strides = array<i32>} : memref<1600x64xbf16, #tpu.memory_space<vmem>>, vector<32xbf16>,
        %unpack3A_444 = tpu.unpack_subelements %get3A_443, 0 {pack_format = #tpu.pack_format<interleaved>} : vector<32xbf16> -> vector<16xf32>
        %unpack3A_445 = tpu.unpack_subelements %get3A_443, 1 {pack_format = #tpu.pack_format<interleaved>} : vector<32xbf16> -> vector<16xf32>
        %get3A_446 = arith.constant 5 : i32
        %get3A_447 = arith.index_cast %get3A_446 : i32 to index
        %get3A_448 = arith.constant 0 : index
        %get3A_449 = tpu.vector_load %arg14[%get3A_447, %get3A_448] {strides = array<i32>} : memref<20x64xf32, #tpu.memory_space<vmem>>, vector<16xf32>,
        %mul3A_450 = arith.mulf %unpack3A_444, %get3A_449 : vector<16xf32>
        %add3A_451 = arith.addf %add3A_432, %mul3A_450 : vector<16xf32>
        %get3A_452 = arith.constant 5 : i32
        %get3A_453 = arith.index_cast %get3A_452 : i32 to index
        %get3A_454 = arith.constant 16 : index
        %get3A_455 = tpu.vector_load %arg14[%get3A_453, %get3A_454] {strides = array<i32>} : memref<20x64xf32, #tpu.memory_space<vmem>>, vector<16xf32>,
        %mul3A_456 = arith.mulf %unpack3A_445, %get3A_455 : vector<16xf32>
        %add3A_457 = arith.addf %add3A_438, %mul3A_456 : vector<16xf32>
        %add3A_458 = arith.constant 6 : i32
        %add3A_459 = arith.addi %mul3A_336, %add3A_458 : i32
        %get3A_460 = arith.index_cast %add3A_459 : i32 to index
        %get3A_461 = arith.constant 0 : index
        %get3A_462 = tpu.vector_load %arg9[%get3A_460, %get3A_461] {strides = array<i32>} : memref<1600x64xbf16, #tpu.memory_space<vmem>>, vector<32xbf16>,
        %unpack3A_463 = tpu.unpack_subelements %get3A_462, 0 {pack_format = #tpu.pack_format<interleaved>} : vector<32xbf16> -> vector<16xf32>
        %unpack3A_464 = tpu.unpack_subelements %get3A_462, 1 {pack_format = #tpu.pack_format<interleaved>} : vector<32xbf16> -> vector<16xf32>
        %get3A_465 = arith.constant 6 : i32
        %get3A_466 = arith.index_cast %get3A_465 : i32 to index
        %get3A_467 = arith.constant 0 : index
        %get3A_468 = tpu.vector_load %arg14[%get3A_466, %get3A_467] {strides = array<i32>} : memref<20x64xf32, #tpu.memory_space<vmem>>, vector<16xf32>,
        %mul3A_469 = arith.mulf %unpack3A_463, %get3A_468 : vector<16xf32>
        %add3A_470 = arith.addf %add3A_451, %mul3A_469 : vector<16xf32>
        %get3A_471 = arith.constant 6 : i32
        %get3A_472 = arith.index_cast %get3A_471 : i32 to index
        %get3A_473 = arith.constant 16 : index
        %get3A_474 = tpu.vector_load %arg14[%get3A_472, %get3A_473] {strides = array<i32>} : memref<20x64xf32, #tpu.memory_space<vmem>>, vector<16xf32>,
        %mul3A_475 = arith.mulf %unpack3A_464, %get3A_474 : vector<16xf32>
        %add3A_476 = arith.addf %add3A_457, %mul3A_475 : vector<16xf32>
        %add3A_477 = arith.constant 7 : i32
        %add3A_478 = arith.addi %mul3A_336, %add3A_477 : i32
        %get3A_479 = arith.index_cast %add3A_478 : i32 to index
        %get3A_480 = arith.constant 0 : index
        %get3A_481 = tpu.vector_load %arg9[%get3A_479, %get3A_480] {strides = array<i32>} : memref<1600x64xbf16, #tpu.memory_space<vmem>>, vector<32xbf16>,
        %unpack3A_482 = tpu.unpack_subelements %get3A_481, 0 {pack_format = #tpu.pack_format<interleaved>} : vector<32xbf16> -> vector<16xf32>
        %unpack3A_483 = tpu.unpack_subelements %get3A_481, 1 {pack_format = #tpu.pack_format<interleaved>} : vector<32xbf16> -> vector<16xf32>
        %get3A_484 = arith.constant 7 : i32
        %get3A_485 = arith.index_cast %get3A_484 : i32 to index
        %get3A_486 = arith.constant 0 : index
        %get3A_487 = tpu.vector_load %arg14[%get3A_485, %get3A_486] {strides = array<i32>} : memref<20x64xf32, #tpu.memory_space<vmem>>, vector<16xf32>,
        %mul3A_488 = arith.mulf %unpack3A_482, %get3A_487 : vector<16xf32>
        %add3A_489 = arith.addf %add3A_470, %mul3A_488 : vector<16xf32>
        %get3A_490 = arith.constant 7 : i32
        %get3A_491 = arith.index_cast %get3A_490 : i32 to index
        %get3A_492 = arith.constant 16 : index
        %get3A_493 = tpu.vector_load %arg14[%get3A_491, %get3A_492] {strides = array<i32>} : memref<20x64xf32, #tpu.memory_space<vmem>>, vector<16xf32>,
        %mul3A_494 = arith.mulf %unpack3A_483, %get3A_493 : vector<16xf32>
        %add3A_495 = arith.addf %add3A_476, %mul3A_494 : vector<16xf32>
        %add3A_496 = arith.constant 8 : i32
        %add3A_497 = arith.addi %mul3A_336, %add3A_496 : i32
        %get3A_498 = arith.index_cast %add3A_497 : i32 to index
        %get3A_499 = arith.constant 0 : index
        %get3A_500 = tpu.vector_load %arg9[%get3A_498, %get3A_499] {strides = array<i32>} : memref<1600x64xbf16, #tpu.memory_space<vmem>>, vector<32xbf16>,
        %unpack3A_501 = tpu.unpack_subelements %get3A_500, 0 {pack_format = #tpu.pack_format<interleaved>} : vector<32xbf16> -> vector<16xf32>
        %unpack3A_502 = tpu.unpack_subelements %get3A_500, 1 {pack_format = #tpu.pack_format<interleaved>} : vector<32xbf16> -> vector<16xf32>
        %get3A_503 = arith.constant 8 : i32
        %get3A_504 = arith.index_cast %get3A_503 : i32 to index
        %get3A_505 = arith.constant 0 : index
        %get3A_506 = tpu.vector_load %arg14[%get3A_504, %get3A_505] {strides = array<i32>} : memref<20x64xf32, #tpu.memory_space<vmem>>, vector<16xf32>,
        %mul3A_507 = arith.mulf %unpack3A_501, %get3A_506 : vector<16xf32>
        %add3A_508 = arith.addf %add3A_489, %mul3A_507 : vector<16xf32>
        %get3A_509 = arith.constant 8 : i32
        %get3A_510 = arith.index_cast %get3A_509 : i32 to index
        %get3A_511 = arith.constant 16 : index
        %get3A_512 = tpu.vector_load %arg14[%get3A_510, %get3A_511] {strides = array<i32>} : memref<20x64xf32, #tpu.memory_space<vmem>>, vector<16xf32>,
        %mul3A_513 = arith.mulf %unpack3A_502, %get3A_512 : vector<16xf32>
        %add3A_514 = arith.addf %add3A_495, %mul3A_513 : vector<16xf32>
        %add3A_515 = arith.constant 9 : i32
        %add3A_516 = arith.addi %mul3A_336, %add3A_515 : i32
        %get3A_517 = arith.index_cast %add3A_516 : i32 to index
        %get3A_518 = arith.constant 0 : index
        %get3A_519 = tpu.vector_load %arg9[%get3A_517, %get3A_518] {strides = array<i32>} : memref<1600x64xbf16, #tpu.memory_space<vmem>>, vector<32xbf16>,
        %unpack3A_520 = tpu.unpack_subelements %get3A_519, 0 {pack_format = #tpu.pack_format<interleaved>} : vector<32xbf16> -> vector<16xf32>
        %unpack3A_521 = tpu.unpack_subelements %get3A_519, 1 {pack_format = #tpu.pack_format<interleaved>} : vector<32xbf16> -> vector<16xf32>
        %get3A_522 = arith.constant 9 : i32
        %get3A_523 = arith.index_cast %get3A_522 : i32 to index
        %get3A_524 = arith.constant 0 : index
        %get3A_525 = tpu.vector_load %arg14[%get3A_523, %get3A_524] {strides = array<i32>} : memref<20x64xf32, #tpu.memory_space<vmem>>, vector<16xf32>,
        %mul3A_526 = arith.mulf %unpack3A_520, %get3A_525 : vector<16xf32>
        %add3A_527 = arith.addf %add3A_508, %mul3A_526 : vector<16xf32>
        %get3A_528 = arith.constant 9 : i32
        %get3A_529 = arith.index_cast %get3A_528 : i32 to index
        %get3A_530 = arith.constant 16 : index
        %get3A_531 = tpu.vector_load %arg14[%get3A_529, %get3A_530] {strides = array<i32>} : memref<20x64xf32, #tpu.memory_space<vmem>>, vector<16xf32>,
        %mul3A_532 = arith.mulf %unpack3A_521, %get3A_531 : vector<16xf32>
        %add3A_533 = arith.addf %add3A_514, %mul3A_532 : vector<16xf32>
        %add3A_534 = arith.constant 10 : i32
        %add3A_535 = arith.addi %mul3A_336, %add3A_534 : i32
        %get3A_536 = arith.index_cast %add3A_535 : i32 to index
        %get3A_537 = arith.constant 0 : index
        %get3A_538 = tpu.vector_load %arg9[%get3A_536, %get3A_537] {strides = array<i32>} : memref<1600x64xbf16, #tpu.memory_space<vmem>>, vector<32xbf16>,
        %unpack3A_539 = tpu.unpack_subelements %get3A_538, 0 {pack_format = #tpu.pack_format<interleaved>} : vector<32xbf16> -> vector<16xf32>
        %unpack3A_540 = tpu.unpack_subelements %get3A_538, 1 {pack_format = #tpu.pack_format<interleaved>} : vector<32xbf16> -> vector<16xf32>
        %get3A_541 = arith.constant 10 : i32
        %get3A_542 = arith.index_cast %get3A_541 : i32 to index
        %get3A_543 = arith.constant 0 : index
        %get3A_544 = tpu.vector_load %arg14[%get3A_542, %get3A_543] {strides = array<i32>} : memref<20x64xf32, #tpu.memory_space<vmem>>, vector<16xf32>,
        %mul3A_545 = arith.mulf %unpack3A_539, %get3A_544 : vector<16xf32>
        %add3A_546 = arith.addf %add3A_527, %mul3A_545 : vector<16xf32>
        %get3A_547 = arith.constant 10 : i32
        %get3A_548 = arith.index_cast %get3A_547 : i32 to index
        %get3A_549 = arith.constant 16 : index
        %get3A_550 = tpu.vector_load %arg14[%get3A_548, %get3A_549] {strides = array<i32>} : memref<20x64xf32, #tpu.memory_space<vmem>>, vector<16xf32>,
        %mul3A_551 = arith.mulf %unpack3A_540, %get3A_550 : vector<16xf32>
        %add3A_552 = arith.addf %add3A_533, %mul3A_551 : vector<16xf32>
        %add3A_553 = arith.constant 11 : i32
        %add3A_554 = arith.addi %mul3A_336, %add3A_553 : i32
        %get3A_555 = arith.index_cast %add3A_554 : i32 to index
        %get3A_556 = arith.constant 0 : index
        %get3A_557 = tpu.vector_load %arg9[%get3A_555, %get3A_556] {strides = array<i32>} : memref<1600x64xbf16, #tpu.memory_space<vmem>>, vector<32xbf16>,
        %unpack3A_558 = tpu.unpack_subelements %get3A_557, 0 {pack_format = #tpu.pack_format<interleaved>} : vector<32xbf16> -> vector<16xf32>
        %unpack3A_559 = tpu.unpack_subelements %get3A_557, 1 {pack_format = #tpu.pack_format<interleaved>} : vector<32xbf16> -> vector<16xf32>
        %get3A_560 = arith.constant 11 : i32
        %get3A_561 = arith.index_cast %get3A_560 : i32 to index
        %get3A_562 = arith.constant 0 : index
        %get3A_563 = tpu.vector_load %arg14[%get3A_561, %get3A_562] {strides = array<i32>} : memref<20x64xf32, #tpu.memory_space<vmem>>, vector<16xf32>,
        %mul3A_564 = arith.mulf %unpack3A_558, %get3A_563 : vector<16xf32>
        %add3A_565 = arith.addf %add3A_546, %mul3A_564 : vector<16xf32>
        %get3A_566 = arith.constant 11 : i32
        %get3A_567 = arith.index_cast %get3A_566 : i32 to index
        %get3A_568 = arith.constant 16 : index
        %get3A_569 = tpu.vector_load %arg14[%get3A_567, %get3A_568] {strides = array<i32>} : memref<20x64xf32, #tpu.memory_space<vmem>>, vector<16xf32>,
        %mul3A_570 = arith.mulf %unpack3A_559, %get3A_569 : vector<16xf32>
        %add3A_571 = arith.addf %add3A_552, %mul3A_570 : vector<16xf32>
        %add3A_572 = arith.constant 12 : i32
        %add3A_573 = arith.addi %mul3A_336, %add3A_572 : i32
        %get3A_574 = arith.index_cast %add3A_573 : i32 to index
        %get3A_575 = arith.constant 0 : index
        %get3A_576 = tpu.vector_load %arg9[%get3A_574, %get3A_575] {strides = array<i32>} : memref<1600x64xbf16, #tpu.memory_space<vmem>>, vector<32xbf16>,
        %unpack3A_577 = tpu.unpack_subelements %get3A_576, 0 {pack_format = #tpu.pack_format<interleaved>} : vector<32xbf16> -> vector<16xf32>
        %unpack3A_578 = tpu.unpack_subelements %get3A_576, 1 {pack_format = #tpu.pack_format<interleaved>} : vector<32xbf16> -> vector<16xf32>
        %get3A_579 = arith.constant 12 : i32
        %get3A_580 = arith.index_cast %get3A_579 : i32 to index
        %get3A_581 = arith.constant 0 : index
        %get3A_582 = tpu.vector_load %arg14[%get3A_580, %get3A_581] {strides = array<i32>} : memref<20x64xf32, #tpu.memory_space<vmem>>, vector<16xf32>,
        %mul3A_583 = arith.mulf %unpack3A_577, %get3A_582 : vector<16xf32>
        %add3A_584 = arith.addf %add3A_565, %mul3A_583 : vector<16xf32>
        %get3A_585 = arith.constant 12 : i32
        %get3A_586 = arith.index_cast %get3A_585 : i32 to index
        %get3A_587 = arith.constant 16 : index
        %get3A_588 = tpu.vector_load %arg14[%get3A_586, %get3A_587] {strides = array<i32>} : memref<20x64xf32, #tpu.memory_space<vmem>>, vector<16xf32>,
        %mul3A_589 = arith.mulf %unpack3A_578, %get3A_588 : vector<16xf32>
        %add3A_590 = arith.addf %add3A_571, %mul3A_589 : vector<16xf32>
        %add3A_591 = arith.constant 13 : i32
        %add3A_592 = arith.addi %mul3A_336, %add3A_591 : i32
        %get3A_593 = arith.index_cast %add3A_592 : i32 to index
        %get3A_594 = arith.constant 0 : index
        %get3A_595 = tpu.vector_load %arg9[%get3A_593, %get3A_594] {strides = array<i32>} : memref<1600x64xbf16, #tpu.memory_space<vmem>>, vector<32xbf16>,
        %unpack3A_596 = tpu.unpack_subelements %get3A_595, 0 {pack_format = #tpu.pack_format<interleaved>} : vector<32xbf16> -> vector<16xf32>
        %unpack3A_597 = tpu.unpack_subelements %get3A_595, 1 {pack_format = #tpu.pack_format<interleaved>} : vector<32xbf16> -> vector<16xf32>
        %get3A_598 = arith.constant 13 : i32
        %get3A_599 = arith.index_cast %get3A_598 : i32 to index
        %get3A_600 = arith.constant 0 : index
        %get3A_601 = tpu.vector_load %arg14[%get3A_599, %get3A_600] {strides = array<i32>} : memref<20x64xf32, #tpu.memory_space<vmem>>, vector<16xf32>,
        %mul3A_602 = arith.mulf %unpack3A_596, %get3A_601 : vector<16xf32>
        %add3A_603 = arith.addf %add3A_584, %mul3A_602 : vector<16xf32>
        %get3A_604 = arith.constant 13 : i32
        %get3A_605 = arith.index_cast %get3A_604 : i32 to index
        %get3A_606 = arith.constant 16 : index
        %get3A_607 = tpu.vector_load %arg14[%get3A_605, %get3A_606] {strides = array<i32>} : memref<20x64xf32, #tpu.memory_space<vmem>>, vector<16xf32>,
        %mul3A_608 = arith.mulf %unpack3A_597, %get3A_607 : vector<16xf32>
        %add3A_609 = arith.addf %add3A_590, %mul3A_608 : vector<16xf32>
        %add3A_610 = arith.constant 14 : i32
        %add3A_611 = arith.addi %mul3A_336, %add3A_610 : i32
        %get3A_612 = arith.index_cast %add3A_611 : i32 to index
        %get3A_613 = arith.constant 0 : index
        %get3A_614 = tpu.vector_load %arg9[%get3A_612, %get3A_613] {strides = array<i32>} : memref<1600x64xbf16, #tpu.memory_space<vmem>>, vector<32xbf16>,
        %unpack3A_615 = tpu.unpack_subelements %get3A_614, 0 {pack_format = #tpu.pack_format<interleaved>} : vector<32xbf16> -> vector<16xf32>
        %unpack3A_616 = tpu.unpack_subelements %get3A_614, 1 {pack_format = #tpu.pack_format<interleaved>} : vector<32xbf16> -> vector<16xf32>
        %get3A_617 = arith.constant 14 : i32
        %get3A_618 = arith.index_cast %get3A_617 : i32 to index
        %get3A_619 = arith.constant 0 : index
        %get3A_620 = tpu.vector_load %arg14[%get3A_618, %get3A_619] {strides = array<i32>} : memref<20x64xf32, #tpu.memory_space<vmem>>, vector<16xf32>,
        %mul3A_621 = arith.mulf %unpack3A_615, %get3A_620 : vector<16xf32>
        %add3A_622 = arith.addf %add3A_603, %mul3A_621 : vector<16xf32>
        %get3A_623 = arith.constant 14 : i32
        %get3A_624 = arith.index_cast %get3A_623 : i32 to index
        %get3A_625 = arith.constant 16 : index
        %get3A_626 = tpu.vector_load %arg14[%get3A_624, %get3A_625] {strides = array<i32>} : memref<20x64xf32, #tpu.memory_space<vmem>>, vector<16xf32>,
        %mul3A_627 = arith.mulf %unpack3A_616, %get3A_626 : vector<16xf32>
        %add3A_628 = arith.addf %add3A_609, %mul3A_627 : vector<16xf32>
        %add3A_629 = arith.constant 15 : i32
        %add3A_630 = arith.addi %mul3A_336, %add3A_629 : i32
        %get3A_631 = arith.index_cast %add3A_630 : i32 to index
        %get3A_632 = arith.constant 0 : index
        %get3A_633 = tpu.vector_load %arg9[%get3A_631, %get3A_632] {strides = array<i32>} : memref<1600x64xbf16, #tpu.memory_space<vmem>>, vector<32xbf16>,
        %unpack3A_634 = tpu.unpack_subelements %get3A_633, 0 {pack_format = #tpu.pack_format<interleaved>} : vector<32xbf16> -> vector<16xf32>
        %unpack3A_635 = tpu.unpack_subelements %get3A_633, 1 {pack_format = #tpu.pack_format<interleaved>} : vector<32xbf16> -> vector<16xf32>
        %get3A_636 = arith.constant 15 : i32
        %get3A_637 = arith.index_cast %get3A_636 : i32 to index
        %get3A_638 = arith.constant 0 : index
        %get3A_639 = tpu.vector_load %arg14[%get3A_637, %get3A_638] {strides = array<i32>} : memref<20x64xf32, #tpu.memory_space<vmem>>, vector<16xf32>,
        %mul3A_640 = arith.mulf %unpack3A_634, %get3A_639 : vector<16xf32>
        %add3A_641 = arith.addf %add3A_622, %mul3A_640 : vector<16xf32>
        %get3A_642 = arith.constant 15 : i32
        %get3A_643 = arith.index_cast %get3A_642 : i32 to index
        %get3A_644 = arith.constant 16 : index
        %get3A_645 = tpu.vector_load %arg14[%get3A_643, %get3A_644] {strides = array<i32>} : memref<20x64xf32, #tpu.memory_space<vmem>>, vector<16xf32>,
        %mul3A_646 = arith.mulf %unpack3A_635, %get3A_645 : vector<16xf32>
        %add3A_647 = arith.addf %add3A_628, %mul3A_646 : vector<16xf32>
        %add3A_648 = arith.constant 16 : i32
        %add3A_649 = arith.addi %mul3A_336, %add3A_648 : i32
        %get3A_650 = arith.index_cast %add3A_649 : i32 to index
        %get3A_651 = arith.constant 0 : index
        %get3A_652 = tpu.vector_load %arg9[%get3A_650, %get3A_651] {strides = array<i32>} : memref<1600x64xbf16, #tpu.memory_space<vmem>>, vector<32xbf16>,
        %unpack3A_653 = tpu.unpack_subelements %get3A_652, 0 {pack_format = #tpu.pack_format<interleaved>} : vector<32xbf16> -> vector<16xf32>
        %unpack3A_654 = tpu.unpack_subelements %get3A_652, 1 {pack_format = #tpu.pack_format<interleaved>} : vector<32xbf16> -> vector<16xf32>
        %get3A_655 = arith.constant 16 : i32
        %get3A_656 = arith.index_cast %get3A_655 : i32 to index
        %get3A_657 = arith.constant 0 : index
        %get3A_658 = tpu.vector_load %arg14[%get3A_656, %get3A_657] {strides = array<i32>} : memref<20x64xf32, #tpu.memory_space<vmem>>, vector<16xf32>,
        %mul3A_659 = arith.mulf %unpack3A_653, %get3A_658 : vector<16xf32>
        %add3A_660 = arith.addf %add3A_641, %mul3A_659 : vector<16xf32>
        %get3A_661 = arith.constant 16 : i32
        %get3A_662 = arith.index_cast %get3A_661 : i32 to index
        %get3A_663 = arith.constant 16 : index
        %get3A_664 = tpu.vector_load %arg14[%get3A_662, %get3A_663] {strides = array<i32>} : memref<20x64xf32, #tpu.memory_space<vmem>>, vector<16xf32>,
        %mul3A_665 = arith.mulf %unpack3A_654, %get3A_664 : vector<16xf32>
        %add3A_666 = arith.addf %add3A_647, %mul3A_665 : vector<16xf32>
        %add3A_667 = arith.constant 17 : i32
        %add3A_668 = arith.addi %mul3A_336, %add3A_667 : i32
        %get3A_669 = arith.index_cast %add3A_668 : i32 to index
        %get3A_670 = arith.constant 0 : index
        %get3A_671 = tpu.vector_load %arg9[%get3A_669, %get3A_670] {strides = array<i32>} : memref<1600x64xbf16, #tpu.memory_space<vmem>>, vector<32xbf16>,
        %unpack3A_672 = tpu.unpack_subelements %get3A_671, 0 {pack_format = #tpu.pack_format<interleaved>} : vector<32xbf16> -> vector<16xf32>
        %unpack3A_673 = tpu.unpack_subelements %get3A_671, 1 {pack_format = #tpu.pack_format<interleaved>} : vector<32xbf16> -> vector<16xf32>
        %get3A_674 = arith.constant 17 : i32
        %get3A_675 = arith.index_cast %get3A_674 : i32 to index
        %get3A_676 = arith.constant 0 : index
        %get3A_677 = tpu.vector_load %arg14[%get3A_675, %get3A_676] {strides = array<i32>} : memref<20x64xf32, #tpu.memory_space<vmem>>, vector<16xf32>,
        %mul3A_678 = arith.mulf %unpack3A_672, %get3A_677 : vector<16xf32>
        %add3A_679 = arith.addf %add3A_660, %mul3A_678 : vector<16xf32>
        %get3A_680 = arith.constant 17 : i32
        %get3A_681 = arith.index_cast %get3A_680 : i32 to index
        %get3A_682 = arith.constant 16 : index
        %get3A_683 = tpu.vector_load %arg14[%get3A_681, %get3A_682] {strides = array<i32>} : memref<20x64xf32, #tpu.memory_space<vmem>>, vector<16xf32>,
        %mul3A_684 = arith.mulf %unpack3A_673, %get3A_683 : vector<16xf32>
        %add3A_685 = arith.addf %add3A_666, %mul3A_684 : vector<16xf32>
        %add3A_686 = arith.constant 18 : i32
        %add3A_687 = arith.addi %mul3A_336, %add3A_686 : i32
        %get3A_688 = arith.index_cast %add3A_687 : i32 to index
        %get3A_689 = arith.constant 0 : index
        %get3A_690 = tpu.vector_load %arg9[%get3A_688, %get3A_689] {strides = array<i32>} : memref<1600x64xbf16, #tpu.memory_space<vmem>>, vector<32xbf16>,
        %unpack3A_691 = tpu.unpack_subelements %get3A_690, 0 {pack_format = #tpu.pack_format<interleaved>} : vector<32xbf16> -> vector<16xf32>
        %unpack3A_692 = tpu.unpack_subelements %get3A_690, 1 {pack_format = #tpu.pack_format<interleaved>} : vector<32xbf16> -> vector<16xf32>
        %get3A_693 = arith.constant 18 : i32
        %get3A_694 = arith.index_cast %get3A_693 : i32 to index
        %get3A_695 = arith.constant 0 : index
        %get3A_696 = tpu.vector_load %arg14[%get3A_694, %get3A_695] {strides = array<i32>} : memref<20x64xf32, #tpu.memory_space<vmem>>, vector<16xf32>,
        %mul3A_697 = arith.mulf %unpack3A_691, %get3A_696 : vector<16xf32>
        %add3A_698 = arith.addf %add3A_679, %mul3A_697 : vector<16xf32>
        %get3A_699 = arith.constant 18 : i32
        %get3A_700 = arith.index_cast %get3A_699 : i32 to index
        %get3A_701 = arith.constant 16 : index
        %get3A_702 = tpu.vector_load %arg14[%get3A_700, %get3A_701] {strides = array<i32>} : memref<20x64xf32, #tpu.memory_space<vmem>>, vector<16xf32>,
        %mul3A_703 = arith.mulf %unpack3A_692, %get3A_702 : vector<16xf32>
        %add3A_704 = arith.addf %add3A_685, %mul3A_703 : vector<16xf32>
        %add3A_705 = arith.constant 19 : i32
        %add3A_706 = arith.addi %mul3A_336, %add3A_705 : i32
        %get3A_707 = arith.index_cast %add3A_706 : i32 to index
        %get3A_708 = arith.constant 0 : index
        %get3A_709 = tpu.vector_load %arg9[%get3A_707, %get3A_708] {strides = array<i32>} : memref<1600x64xbf16, #tpu.memory_space<vmem>>, vector<32xbf16>,
        %unpack3A_710 = tpu.unpack_subelements %get3A_709, 0 {pack_format = #tpu.pack_format<interleaved>} : vector<32xbf16> -> vector<16xf32>
        %unpack3A_711 = tpu.unpack_subelements %get3A_709, 1 {pack_format = #tpu.pack_format<interleaved>} : vector<32xbf16> -> vector<16xf32>
        %get3A_712 = arith.constant 19 : i32
        %get3A_713 = arith.index_cast %get3A_712 : i32 to index
        %get3A_714 = arith.constant 0 : index
        %get3A_715 = tpu.vector_load %arg14[%get3A_713, %get3A_714] {strides = array<i32>} : memref<20x64xf32, #tpu.memory_space<vmem>>, vector<16xf32>,
        %mul3A_716 = arith.mulf %unpack3A_710, %get3A_715 : vector<16xf32>
        %add3A_717 = arith.addf %add3A_698, %mul3A_716 : vector<16xf32>
        %get3A_718 = arith.constant 19 : i32
        %get3A_719 = arith.index_cast %get3A_718 : i32 to index
        %get3A_720 = arith.constant 16 : index
        %get3A_721 = tpu.vector_load %arg14[%get3A_719, %get3A_720] {strides = array<i32>} : memref<20x64xf32, #tpu.memory_space<vmem>>, vector<16xf32>,
        %mul3A_722 = arith.mulf %unpack3A_711, %get3A_721 : vector<16xf32>
        %add3A_723 = arith.addf %add3A_704, %mul3A_722 : vector<16xf32>
        %iota3A = tpu.iota {dimensions = array<i32: 0>} : vector<16xi32>
        %mul3A_724 = arith.constant 2 : i32
        %mul3A_725 = vector.broadcast %mul3A_724 : i32 to vector<16xi32>
        %mul3A_726 = arith.muli %iota3A, %mul3A_725 : vector<16xi32>
        %add3A_727 = arith.constant 0 : i32
        %add3A_728 = vector.broadcast %add3A_727 : i32 to vector<16xi32>
        %add3A_729 = arith.addi %mul3A_726, %add3A_728 : vector<16xi32>
        tpu.vector_store_idx %arg11[%broadcast_in_dim3A, %add3A_729], %add3A_717 : memref<80x64xf32, #tpu.memory_space<vmem>>[vector<16xi32>, vector<16xi32>], vector<16xf32>,
        %add3A_730 = arith.constant 1 : i32
        %add3A_731 = vector.broadcast %add3A_730 : i32 to vector<16xi32>
        %add3A_732 = arith.addi %add3A_729, %add3A_731 : vector<16xi32>
        tpu.vector_store_idx %arg11[%broadcast_in_dim3A, %add3A_732], %add3A_723 : memref<80x64xf32, #tpu.memory_space<vmem>>[vector<16xi32>, vector<16xi32>], vector<16xf32>,
        %get3A_733 = arith.index_cast %rem3A_339 : i32 to index
        %get3A_734 = arith.constant 32 : index
        %get3A_735 = tpu.vector_load %arg13[%get3A_733, %get3A_734] {strides = array<i32>} : memref<50x64xf32, #tpu.memory_space<vmem>>, vector<16xf32>,
        %get3A_736 = arith.index_cast %rem3A_339 : i32 to index
        %get3A_737 = arith.constant 48 : index
        %get3A_738 = tpu.vector_load %arg13[%get3A_736, %get3A_737] {strides = array<i32>} : memref<50x64xf32, #tpu.memory_space<vmem>>, vector<16xf32>,
        %add3A_739 = arith.constant 0 : i32
        %add3A_740 = arith.addi %mul3A_336, %add3A_739 : i32
        %get3A_741 = arith.index_cast %add3A_740 : i32 to index
        %get3A_742 = arith.constant 32 : index
        %get3A_743 = tpu.vector_load %arg9[%get3A_741, %get3A_742] {strides = array<i32>} : memref<1600x64xbf16, #tpu.memory_space<vmem>>, vector<32xbf16>,
        %unpack3A_744 = tpu.unpack_subelements %get3A_743, 0 {pack_format = #tpu.pack_format<interleaved>} : vector<32xbf16> -> vector<16xf32>
        %unpack3A_745 = tpu.unpack_subelements %get3A_743, 1 {pack_format = #tpu.pack_format<interleaved>} : vector<32xbf16> -> vector<16xf32>
        %get3A_746 = arith.constant 0 : i32
        %get3A_747 = arith.index_cast %get3A_746 : i32 to index
        %get3A_748 = arith.constant 32 : index
        %get3A_749 = tpu.vector_load %arg14[%get3A_747, %get3A_748] {strides = array<i32>} : memref<20x64xf32, #tpu.memory_space<vmem>>, vector<16xf32>,
        %mul3A_750 = arith.mulf %unpack3A_744, %get3A_749 : vector<16xf32>
        %add3A_751 = arith.addf %get3A_735, %mul3A_750 : vector<16xf32>
        %get3A_752 = arith.constant 0 : i32
        %get3A_753 = arith.index_cast %get3A_752 : i32 to index
        %get3A_754 = arith.constant 48 : index
        %get3A_755 = tpu.vector_load %arg14[%get3A_753, %get3A_754] {strides = array<i32>} : memref<20x64xf32, #tpu.memory_space<vmem>>, vector<16xf32>,
        %mul3A_756 = arith.mulf %unpack3A_745, %get3A_755 : vector<16xf32>
        %add3A_757 = arith.addf %get3A_738, %mul3A_756 : vector<16xf32>
        %add3A_758 = arith.constant 1 : i32
        %add3A_759 = arith.addi %mul3A_336, %add3A_758 : i32
        %get3A_760 = arith.index_cast %add3A_759 : i32 to index
        %get3A_761 = arith.constant 32 : index
        %get3A_762 = tpu.vector_load %arg9[%get3A_760, %get3A_761] {strides = array<i32>} : memref<1600x64xbf16, #tpu.memory_space<vmem>>, vector<32xbf16>,
        %unpack3A_763 = tpu.unpack_subelements %get3A_762, 0 {pack_format = #tpu.pack_format<interleaved>} : vector<32xbf16> -> vector<16xf32>
        %unpack3A_764 = tpu.unpack_subelements %get3A_762, 1 {pack_format = #tpu.pack_format<interleaved>} : vector<32xbf16> -> vector<16xf32>
        %get3A_765 = arith.constant 1 : i32
        %get3A_766 = arith.index_cast %get3A_765 : i32 to index
        %get3A_767 = arith.constant 32 : index
        %get3A_768 = tpu.vector_load %arg14[%get3A_766, %get3A_767] {strides = array<i32>} : memref<20x64xf32, #tpu.memory_space<vmem>>, vector<16xf32>,
        %mul3A_769 = arith.mulf %unpack3A_763, %get3A_768 : vector<16xf32>
        %add3A_770 = arith.addf %add3A_751, %mul3A_769 : vector<16xf32>
        %get3A_771 = arith.constant 1 : i32
        %get3A_772 = arith.index_cast %get3A_771 : i32 to index
        %get3A_773 = arith.constant 48 : index
        %get3A_774 = tpu.vector_load %arg14[%get3A_772, %get3A_773] {strides = array<i32>} : memref<20x64xf32, #tpu.memory_space<vmem>>, vector<16xf32>,
        %mul3A_775 = arith.mulf %unpack3A_764, %get3A_774 : vector<16xf32>
        %add3A_776 = arith.addf %add3A_757, %mul3A_775 : vector<16xf32>
        %add3A_777 = arith.constant 2 : i32
        %add3A_778 = arith.addi %mul3A_336, %add3A_777 : i32
        %get3A_779 = arith.index_cast %add3A_778 : i32 to index
        %get3A_780 = arith.constant 32 : index
        %get3A_781 = tpu.vector_load %arg9[%get3A_779, %get3A_780] {strides = array<i32>} : memref<1600x64xbf16, #tpu.memory_space<vmem>>, vector<32xbf16>,
        %unpack3A_782 = tpu.unpack_subelements %get3A_781, 0 {pack_format = #tpu.pack_format<interleaved>} : vector<32xbf16> -> vector<16xf32>
        %unpack3A_783 = tpu.unpack_subelements %get3A_781, 1 {pack_format = #tpu.pack_format<interleaved>} : vector<32xbf16> -> vector<16xf32>
        %get3A_784 = arith.constant 2 : i32
        %get3A_785 = arith.index_cast %get3A_784 : i32 to index
        %get3A_786 = arith.constant 32 : index
        %get3A_787 = tpu.vector_load %arg14[%get3A_785, %get3A_786] {strides = array<i32>} : memref<20x64xf32, #tpu.memory_space<vmem>>, vector<16xf32>,
        %mul3A_788 = arith.mulf %unpack3A_782, %get3A_787 : vector<16xf32>
        %add3A_789 = arith.addf %add3A_770, %mul3A_788 : vector<16xf32>
        %get3A_790 = arith.constant 2 : i32
        %get3A_791 = arith.index_cast %get3A_790 : i32 to index
        %get3A_792 = arith.constant 48 : index
        %get3A_793 = tpu.vector_load %arg14[%get3A_791, %get3A_792] {strides = array<i32>} : memref<20x64xf32, #tpu.memory_space<vmem>>, vector<16xf32>,
        %mul3A_794 = arith.mulf %unpack3A_783, %get3A_793 : vector<16xf32>
        %add3A_795 = arith.addf %add3A_776, %mul3A_794 : vector<16xf32>
        %add3A_796 = arith.constant 3 : i32
        %add3A_797 = arith.addi %mul3A_336, %add3A_796 : i32
        %get3A_798 = arith.index_cast %add3A_797 : i32 to index
        %get3A_799 = arith.constant 32 : index
        %get3A_800 = tpu.vector_load %arg9[%get3A_798, %get3A_799] {strides = array<i32>} : memref<1600x64xbf16, #tpu.memory_space<vmem>>, vector<32xbf16>,
        %unpack3A_801 = tpu.unpack_subelements %get3A_800, 0 {pack_format = #tpu.pack_format<interleaved>} : vector<32xbf16> -> vector<16xf32>
        %unpack3A_802 = tpu.unpack_subelements %get3A_800, 1 {pack_format = #tpu.pack_format<interleaved>} : vector<32xbf16> -> vector<16xf32>
        %get3A_803 = arith.constant 3 : i32
        %get3A_804 = arith.index_cast %get3A_803 : i32 to index
        %get3A_805 = arith.constant 32 : index
        %get3A_806 = tpu.vector_load %arg14[%get3A_804, %get3A_805] {strides = array<i32>} : memref<20x64xf32, #tpu.memory_space<vmem>>, vector<16xf32>,
        %mul3A_807 = arith.mulf %unpack3A_801, %get3A_806 : vector<16xf32>
        %add3A_808 = arith.addf %add3A_789, %mul3A_807 : vector<16xf32>
        %get3A_809 = arith.constant 3 : i32
        %get3A_810 = arith.index_cast %get3A_809 : i32 to index
        %get3A_811 = arith.constant 48 : index
        %get3A_812 = tpu.vector_load %arg14[%get3A_810, %get3A_811] {strides = array<i32>} : memref<20x64xf32, #tpu.memory_space<vmem>>, vector<16xf32>,
        %mul3A_813 = arith.mulf %unpack3A_802, %get3A_812 : vector<16xf32>
        %add3A_814 = arith.addf %add3A_795, %mul3A_813 : vector<16xf32>
        %add3A_815 = arith.constant 4 : i32
        %add3A_816 = arith.addi %mul3A_336, %add3A_815 : i32
        %get3A_817 = arith.index_cast %add3A_816 : i32 to index
        %get3A_818 = arith.constant 32 : index
        %get3A_819 = tpu.vector_load %arg9[%get3A_817, %get3A_818] {strides = array<i32>} : memref<1600x64xbf16, #tpu.memory_space<vmem>>, vector<32xbf16>,
        %unpack3A_820 = tpu.unpack_subelements %get3A_819, 0 {pack_format = #tpu.pack_format<interleaved>} : vector<32xbf16> -> vector<16xf32>
        %unpack3A_821 = tpu.unpack_subelements %get3A_819, 1 {pack_format = #tpu.pack_format<interleaved>} : vector<32xbf16> -> vector<16xf32>
        %get3A_822 = arith.constant 4 : i32
        %get3A_823 = arith.index_cast %get3A_822 : i32 to index
        %get3A_824 = arith.constant 32 : index
        %get3A_825 = tpu.vector_load %arg14[%get3A_823, %get3A_824] {strides = array<i32>} : memref<20x64xf32, #tpu.memory_space<vmem>>, vector<16xf32>,
        %mul3A_826 = arith.mulf %unpack3A_820, %get3A_825 : vector<16xf32>
        %add3A_827 = arith.addf %add3A_808, %mul3A_826 : vector<16xf32>
        %get3A_828 = arith.constant 4 : i32
        %get3A_829 = arith.index_cast %get3A_828 : i32 to index
        %get3A_830 = arith.constant 48 : index
        %get3A_831 = tpu.vector_load %arg14[%get3A_829, %get3A_830] {strides = array<i32>} : memref<20x64xf32, #tpu.memory_space<vmem>>, vector<16xf32>,
        %mul3A_832 = arith.mulf %unpack3A_821, %get3A_831 : vector<16xf32>
        %add3A_833 = arith.addf %add3A_814, %mul3A_832 : vector<16xf32>
        %add3A_834 = arith.constant 5 : i32
        %add3A_835 = arith.addi %mul3A_336, %add3A_834 : i32
        %get3A_836 = arith.index_cast %add3A_835 : i32 to index
        %get3A_837 = arith.constant 32 : index
        %get3A_838 = tpu.vector_load %arg9[%get3A_836, %get3A_837] {strides = array<i32>} : memref<1600x64xbf16, #tpu.memory_space<vmem>>, vector<32xbf16>,
        %unpack3A_839 = tpu.unpack_subelements %get3A_838, 0 {pack_format = #tpu.pack_format<interleaved>} : vector<32xbf16> -> vector<16xf32>
        %unpack3A_840 = tpu.unpack_subelements %get3A_838, 1 {pack_format = #tpu.pack_format<interleaved>} : vector<32xbf16> -> vector<16xf32>
        %get3A_841 = arith.constant 5 : i32
        %get3A_842 = arith.index_cast %get3A_841 : i32 to index
        %get3A_843 = arith.constant 32 : index
        %get3A_844 = tpu.vector_load %arg14[%get3A_842, %get3A_843] {strides = array<i32>} : memref<20x64xf32, #tpu.memory_space<vmem>>, vector<16xf32>,
        %mul3A_845 = arith.mulf %unpack3A_839, %get3A_844 : vector<16xf32>
        %add3A_846 = arith.addf %add3A_827, %mul3A_845 : vector<16xf32>
        %get3A_847 = arith.constant 5 : i32
        %get3A_848 = arith.index_cast %get3A_847 : i32 to index
        %get3A_849 = arith.constant 48 : index
        %get3A_850 = tpu.vector_load %arg14[%get3A_848, %get3A_849] {strides = array<i32>} : memref<20x64xf32, #tpu.memory_space<vmem>>, vector<16xf32>,
        %mul3A_851 = arith.mulf %unpack3A_840, %get3A_850 : vector<16xf32>
        %add3A_852 = arith.addf %add3A_833, %mul3A_851 : vector<16xf32>
        %add3A_853 = arith.constant 6 : i32
        %add3A_854 = arith.addi %mul3A_336, %add3A_853 : i32
        %get3A_855 = arith.index_cast %add3A_854 : i32 to index
        %get3A_856 = arith.constant 32 : index
        %get3A_857 = tpu.vector_load %arg9[%get3A_855, %get3A_856] {strides = array<i32>} : memref<1600x64xbf16, #tpu.memory_space<vmem>>, vector<32xbf16>,
        %unpack3A_858 = tpu.unpack_subelements %get3A_857, 0 {pack_format = #tpu.pack_format<interleaved>} : vector<32xbf16> -> vector<16xf32>
        %unpack3A_859 = tpu.unpack_subelements %get3A_857, 1 {pack_format = #tpu.pack_format<interleaved>} : vector<32xbf16> -> vector<16xf32>
        %get3A_860 = arith.constant 6 : i32
        %get3A_861 = arith.index_cast %get3A_860 : i32 to index
        %get3A_862 = arith.constant 32 : index
        %get3A_863 = tpu.vector_load %arg14[%get3A_861, %get3A_862] {strides = array<i32>} : memref<20x64xf32, #tpu.memory_space<vmem>>, vector<16xf32>,
        %mul3A_864 = arith.mulf %unpack3A_858, %get3A_863 : vector<16xf32>
        %add3A_865 = arith.addf %add3A_846, %mul3A_864 : vector<16xf32>
        %get3A_866 = arith.constant 6 : i32
        %get3A_867 = arith.index_cast %get3A_866 : i32 to index
        %get3A_868 = arith.constant 48 : index
        %get3A_869 = tpu.vector_load %arg14[%get3A_867, %get3A_868] {strides = array<i32>} : memref<20x64xf32, #tpu.memory_space<vmem>>, vector<16xf32>,
        %mul3A_870 = arith.mulf %unpack3A_859, %get3A_869 : vector<16xf32>
        %add3A_871 = arith.addf %add3A_852, %mul3A_870 : vector<16xf32>
        %add3A_872 = arith.constant 7 : i32
        %add3A_873 = arith.addi %mul3A_336, %add3A_872 : i32
        %get3A_874 = arith.index_cast %add3A_873 : i32 to index
        %get3A_875 = arith.constant 32 : index
        %get3A_876 = tpu.vector_load %arg9[%get3A_874, %get3A_875] {strides = array<i32>} : memref<1600x64xbf16, #tpu.memory_space<vmem>>, vector<32xbf16>,
        %unpack3A_877 = tpu.unpack_subelements %get3A_876, 0 {pack_format = #tpu.pack_format<interleaved>} : vector<32xbf16> -> vector<16xf32>
        %unpack3A_878 = tpu.unpack_subelements %get3A_876, 1 {pack_format = #tpu.pack_format<interleaved>} : vector<32xbf16> -> vector<16xf32>
        %get3A_879 = arith.constant 7 : i32
        %get3A_880 = arith.index_cast %get3A_879 : i32 to index
        %get3A_881 = arith.constant 32 : index
        %get3A_882 = tpu.vector_load %arg14[%get3A_880, %get3A_881] {strides = array<i32>} : memref<20x64xf32, #tpu.memory_space<vmem>>, vector<16xf32>,
        %mul3A_883 = arith.mulf %unpack3A_877, %get3A_882 : vector<16xf32>
        %add3A_884 = arith.addf %add3A_865, %mul3A_883 : vector<16xf32>
        %get3A_885 = arith.constant 7 : i32
        %get3A_886 = arith.index_cast %get3A_885 : i32 to index
        %get3A_887 = arith.constant 48 : index
        %get3A_888 = tpu.vector_load %arg14[%get3A_886, %get3A_887] {strides = array<i32>} : memref<20x64xf32, #tpu.memory_space<vmem>>, vector<16xf32>,
        %mul3A_889 = arith.mulf %unpack3A_878, %get3A_888 : vector<16xf32>
        %add3A_890 = arith.addf %add3A_871, %mul3A_889 : vector<16xf32>
        %add3A_891 = arith.constant 8 : i32
        %add3A_892 = arith.addi %mul3A_336, %add3A_891 : i32
        %get3A_893 = arith.index_cast %add3A_892 : i32 to index
        %get3A_894 = arith.constant 32 : index
        %get3A_895 = tpu.vector_load %arg9[%get3A_893, %get3A_894] {strides = array<i32>} : memref<1600x64xbf16, #tpu.memory_space<vmem>>, vector<32xbf16>,
        %unpack3A_896 = tpu.unpack_subelements %get3A_895, 0 {pack_format = #tpu.pack_format<interleaved>} : vector<32xbf16> -> vector<16xf32>
        %unpack3A_897 = tpu.unpack_subelements %get3A_895, 1 {pack_format = #tpu.pack_format<interleaved>} : vector<32xbf16> -> vector<16xf32>
        %get3A_898 = arith.constant 8 : i32
        %get3A_899 = arith.index_cast %get3A_898 : i32 to index
        %get3A_900 = arith.constant 32 : index
        %get3A_901 = tpu.vector_load %arg14[%get3A_899, %get3A_900] {strides = array<i32>} : memref<20x64xf32, #tpu.memory_space<vmem>>, vector<16xf32>,
        %mul3A_902 = arith.mulf %unpack3A_896, %get3A_901 : vector<16xf32>
        %add3A_903 = arith.addf %add3A_884, %mul3A_902 : vector<16xf32>
        %get3A_904 = arith.constant 8 : i32
        %get3A_905 = arith.index_cast %get3A_904 : i32 to index
        %get3A_906 = arith.constant 48 : index
        %get3A_907 = tpu.vector_load %arg14[%get3A_905, %get3A_906] {strides = array<i32>} : memref<20x64xf32, #tpu.memory_space<vmem>>, vector<16xf32>,
        %mul3A_908 = arith.mulf %unpack3A_897, %get3A_907 : vector<16xf32>
        %add3A_909 = arith.addf %add3A_890, %mul3A_908 : vector<16xf32>
        %add3A_910 = arith.constant 9 : i32
        %add3A_911 = arith.addi %mul3A_336, %add3A_910 : i32
        %get3A_912 = arith.index_cast %add3A_911 : i32 to index
        %get3A_913 = arith.constant 32 : index
        %get3A_914 = tpu.vector_load %arg9[%get3A_912, %get3A_913] {strides = array<i32>} : memref<1600x64xbf16, #tpu.memory_space<vmem>>, vector<32xbf16>,
        %unpack3A_915 = tpu.unpack_subelements %get3A_914, 0 {pack_format = #tpu.pack_format<interleaved>} : vector<32xbf16> -> vector<16xf32>
        %unpack3A_916 = tpu.unpack_subelements %get3A_914, 1 {pack_format = #tpu.pack_format<interleaved>} : vector<32xbf16> -> vector<16xf32>
        %get3A_917 = arith.constant 9 : i32
        %get3A_918 = arith.index_cast %get3A_917 : i32 to index
        %get3A_919 = arith.constant 32 : index
        %get3A_920 = tpu.vector_load %arg14[%get3A_918, %get3A_919] {strides = array<i32>} : memref<20x64xf32, #tpu.memory_space<vmem>>, vector<16xf32>,
        %mul3A_921 = arith.mulf %unpack3A_915, %get3A_920 : vector<16xf32>
        %add3A_922 = arith.addf %add3A_903, %mul3A_921 : vector<16xf32>
        %get3A_923 = arith.constant 9 : i32
        %get3A_924 = arith.index_cast %get3A_923 : i32 to index
        %get3A_925 = arith.constant 48 : index
        %get3A_926 = tpu.vector_load %arg14[%get3A_924, %get3A_925] {strides = array<i32>} : memref<20x64xf32, #tpu.memory_space<vmem>>, vector<16xf32>,
        %mul3A_927 = arith.mulf %unpack3A_916, %get3A_926 : vector<16xf32>
        %add3A_928 = arith.addf %add3A_909, %mul3A_927 : vector<16xf32>
        %add3A_929 = arith.constant 10 : i32
        %add3A_930 = arith.addi %mul3A_336, %add3A_929 : i32
        %get3A_931 = arith.index_cast %add3A_930 : i32 to index
        %get3A_932 = arith.constant 32 : index
        %get3A_933 = tpu.vector_load %arg9[%get3A_931, %get3A_932] {strides = array<i32>} : memref<1600x64xbf16, #tpu.memory_space<vmem>>, vector<32xbf16>,
        %unpack3A_934 = tpu.unpack_subelements %get3A_933, 0 {pack_format = #tpu.pack_format<interleaved>} : vector<32xbf16> -> vector<16xf32>
        %unpack3A_935 = tpu.unpack_subelements %get3A_933, 1 {pack_format = #tpu.pack_format<interleaved>} : vector<32xbf16> -> vector<16xf32>
        %get3A_936 = arith.constant 10 : i32
        %get3A_937 = arith.index_cast %get3A_936 : i32 to index
        %get3A_938 = arith.constant 32 : index
        %get3A_939 = tpu.vector_load %arg14[%get3A_937, %get3A_938] {strides = array<i32>} : memref<20x64xf32, #tpu.memory_space<vmem>>, vector<16xf32>,
        %mul3A_940 = arith.mulf %unpack3A_934, %get3A_939 : vector<16xf32>
        %add3A_941 = arith.addf %add3A_922, %mul3A_940 : vector<16xf32>
        %get3A_942 = arith.constant 10 : i32
        %get3A_943 = arith.index_cast %get3A_942 : i32 to index
        %get3A_944 = arith.constant 48 : index
        %get3A_945 = tpu.vector_load %arg14[%get3A_943, %get3A_944] {strides = array<i32>} : memref<20x64xf32, #tpu.memory_space<vmem>>, vector<16xf32>,
        %mul3A_946 = arith.mulf %unpack3A_935, %get3A_945 : vector<16xf32>
        %add3A_947 = arith.addf %add3A_928, %mul3A_946 : vector<16xf32>
        %add3A_948 = arith.constant 11 : i32
        %add3A_949 = arith.addi %mul3A_336, %add3A_948 : i32
        %get3A_950 = arith.index_cast %add3A_949 : i32 to index
        %get3A_951 = arith.constant 32 : index
        %get3A_952 = tpu.vector_load %arg9[%get3A_950, %get3A_951] {strides = array<i32>} : memref<1600x64xbf16, #tpu.memory_space<vmem>>, vector<32xbf16>,
        %unpack3A_953 = tpu.unpack_subelements %get3A_952, 0 {pack_format = #tpu.pack_format<interleaved>} : vector<32xbf16> -> vector<16xf32>
        %unpack3A_954 = tpu.unpack_subelements %get3A_952, 1 {pack_format = #tpu.pack_format<interleaved>} : vector<32xbf16> -> vector<16xf32>
        %get3A_955 = arith.constant 11 : i32
        %get3A_956 = arith.index_cast %get3A_955 : i32 to index
        %get3A_957 = arith.constant 32 : index
        %get3A_958 = tpu.vector_load %arg14[%get3A_956, %get3A_957] {strides = array<i32>} : memref<20x64xf32, #tpu.memory_space<vmem>>, vector<16xf32>,
        %mul3A_959 = arith.mulf %unpack3A_953, %get3A_958 : vector<16xf32>
        %add3A_960 = arith.addf %add3A_941, %mul3A_959 : vector<16xf32>
        %get3A_961 = arith.constant 11 : i32
        %get3A_962 = arith.index_cast %get3A_961 : i32 to index
        %get3A_963 = arith.constant 48 : index
        %get3A_964 = tpu.vector_load %arg14[%get3A_962, %get3A_963] {strides = array<i32>} : memref<20x64xf32, #tpu.memory_space<vmem>>, vector<16xf32>,
        %mul3A_965 = arith.mulf %unpack3A_954, %get3A_964 : vector<16xf32>
        %add3A_966 = arith.addf %add3A_947, %mul3A_965 : vector<16xf32>
        %add3A_967 = arith.constant 12 : i32
        %add3A_968 = arith.addi %mul3A_336, %add3A_967 : i32
        %get3A_969 = arith.index_cast %add3A_968 : i32 to index
        %get3A_970 = arith.constant 32 : index
        %get3A_971 = tpu.vector_load %arg9[%get3A_969, %get3A_970] {strides = array<i32>} : memref<1600x64xbf16, #tpu.memory_space<vmem>>, vector<32xbf16>,
        %unpack3A_972 = tpu.unpack_subelements %get3A_971, 0 {pack_format = #tpu.pack_format<interleaved>} : vector<32xbf16> -> vector<16xf32>
        %unpack3A_973 = tpu.unpack_subelements %get3A_971, 1 {pack_format = #tpu.pack_format<interleaved>} : vector<32xbf16> -> vector<16xf32>
        %get3A_974 = arith.constant 12 : i32
        %get3A_975 = arith.index_cast %get3A_974 : i32 to index
        %get3A_976 = arith.constant 32 : index
        %get3A_977 = tpu.vector_load %arg14[%get3A_975, %get3A_976] {strides = array<i32>} : memref<20x64xf32, #tpu.memory_space<vmem>>, vector<16xf32>,
        %mul3A_978 = arith.mulf %unpack3A_972, %get3A_977 : vector<16xf32>
        %add3A_979 = arith.addf %add3A_960, %mul3A_978 : vector<16xf32>
        %get3A_980 = arith.constant 12 : i32
        %get3A_981 = arith.index_cast %get3A_980 : i32 to index
        %get3A_982 = arith.constant 48 : index
        %get3A_983 = tpu.vector_load %arg14[%get3A_981, %get3A_982] {strides = array<i32>} : memref<20x64xf32, #tpu.memory_space<vmem>>, vector<16xf32>,
        %mul3A_984 = arith.mulf %unpack3A_973, %get3A_983 : vector<16xf32>
        %add3A_985 = arith.addf %add3A_966, %mul3A_984 : vector<16xf32>
        %add3A_986 = arith.constant 13 : i32
        %add3A_987 = arith.addi %mul3A_336, %add3A_986 : i32
        %get3A_988 = arith.index_cast %add3A_987 : i32 to index
        %get3A_989 = arith.constant 32 : index
        %get3A_990 = tpu.vector_load %arg9[%get3A_988, %get3A_989] {strides = array<i32>} : memref<1600x64xbf16, #tpu.memory_space<vmem>>, vector<32xbf16>,
        %unpack3A_991 = tpu.unpack_subelements %get3A_990, 0 {pack_format = #tpu.pack_format<interleaved>} : vector<32xbf16> -> vector<16xf32>
        %unpack3A_992 = tpu.unpack_subelements %get3A_990, 1 {pack_format = #tpu.pack_format<interleaved>} : vector<32xbf16> -> vector<16xf32>
        %get3A_993 = arith.constant 13 : i32
        %get3A_994 = arith.index_cast %get3A_993 : i32 to index
        %get3A_995 = arith.constant 32 : index
        %get3A_996 = tpu.vector_load %arg14[%get3A_994, %get3A_995] {strides = array<i32>} : memref<20x64xf32, #tpu.memory_space<vmem>>, vector<16xf32>,
        %mul3A_997 = arith.mulf %unpack3A_991, %get3A_996 : vector<16xf32>
        %add3A_998 = arith.addf %add3A_979, %mul3A_997 : vector<16xf32>
        %get3A_999 = arith.constant 13 : i32
        %get3A_1000 = arith.index_cast %get3A_999 : i32 to index
        %get3A_1001 = arith.constant 48 : index
        %get3A_1002 = tpu.vector_load %arg14[%get3A_1000, %get3A_1001] {strides = array<i32>} : memref<20x64xf32, #tpu.memory_space<vmem>>, vector<16xf32>,
        %mul3A_1003 = arith.mulf %unpack3A_992, %get3A_1002 : vector<16xf32>
        %add3A_1004 = arith.addf %add3A_985, %mul3A_1003 : vector<16xf32>
        %add3A_1005 = arith.constant 14 : i32
        %add3A_1006 = arith.addi %mul3A_336, %add3A_1005 : i32
        %get3A_1007 = arith.index_cast %add3A_1006 : i32 to index
        %get3A_1008 = arith.constant 32 : index
        %get3A_1009 = tpu.vector_load %arg9[%get3A_1007, %get3A_1008] {strides = array<i32>} : memref<1600x64xbf16, #tpu.memory_space<vmem>>, vector<32xbf16>,
        %unpack3A_1010 = tpu.unpack_subelements %get3A_1009, 0 {pack_format = #tpu.pack_format<interleaved>} : vector<32xbf16> -> vector<16xf32>
        %unpack3A_1011 = tpu.unpack_subelements %get3A_1009, 1 {pack_format = #tpu.pack_format<interleaved>} : vector<32xbf16> -> vector<16xf32>
        %get3A_1012 = arith.constant 14 : i32
        %get3A_1013 = arith.index_cast %get3A_1012 : i32 to index
        %get3A_1014 = arith.constant 32 : index
        %get3A_1015 = tpu.vector_load %arg14[%get3A_1013, %get3A_1014] {strides = array<i32>} : memref<20x64xf32, #tpu.memory_space<vmem>>, vector<16xf32>,
        %mul3A_1016 = arith.mulf %unpack3A_1010, %get3A_1015 : vector<16xf32>
        %add3A_1017 = arith.addf %add3A_998, %mul3A_1016 : vector<16xf32>
        %get3A_1018 = arith.constant 14 : i32
        %get3A_1019 = arith.index_cast %get3A_1018 : i32 to index
        %get3A_1020 = arith.constant 48 : index
        %get3A_1021 = tpu.vector_load %arg14[%get3A_1019, %get3A_1020] {strides = array<i32>} : memref<20x64xf32, #tpu.memory_space<vmem>>, vector<16xf32>,
        %mul3A_1022 = arith.mulf %unpack3A_1011, %get3A_1021 : vector<16xf32>
        %add3A_1023 = arith.addf %add3A_1004, %mul3A_1022 : vector<16xf32>
        %add3A_1024 = arith.constant 15 : i32
        %add3A_1025 = arith.addi %mul3A_336, %add3A_1024 : i32
        %get3A_1026 = arith.index_cast %add3A_1025 : i32 to index
        %get3A_1027 = arith.constant 32 : index
        %get3A_1028 = tpu.vector_load %arg9[%get3A_1026, %get3A_1027] {strides = array<i32>} : memref<1600x64xbf16, #tpu.memory_space<vmem>>, vector<32xbf16>,
        %unpack3A_1029 = tpu.unpack_subelements %get3A_1028, 0 {pack_format = #tpu.pack_format<interleaved>} : vector<32xbf16> -> vector<16xf32>
        %unpack3A_1030 = tpu.unpack_subelements %get3A_1028, 1 {pack_format = #tpu.pack_format<interleaved>} : vector<32xbf16> -> vector<16xf32>
        %get3A_1031 = arith.constant 15 : i32
        %get3A_1032 = arith.index_cast %get3A_1031 : i32 to index
        %get3A_1033 = arith.constant 32 : index
        %get3A_1034 = tpu.vector_load %arg14[%get3A_1032, %get3A_1033] {strides = array<i32>} : memref<20x64xf32, #tpu.memory_space<vmem>>, vector<16xf32>,
        %mul3A_1035 = arith.mulf %unpack3A_1029, %get3A_1034 : vector<16xf32>
        %add3A_1036 = arith.addf %add3A_1017, %mul3A_1035 : vector<16xf32>
        %get3A_1037 = arith.constant 15 : i32
        %get3A_1038 = arith.index_cast %get3A_1037 : i32 to index
        %get3A_1039 = arith.constant 48 : index
        %get3A_1040 = tpu.vector_load %arg14[%get3A_1038, %get3A_1039] {strides = array<i32>} : memref<20x64xf32, #tpu.memory_space<vmem>>, vector<16xf32>,
        %mul3A_1041 = arith.mulf %unpack3A_1030, %get3A_1040 : vector<16xf32>
        %add3A_1042 = arith.addf %add3A_1023, %mul3A_1041 : vector<16xf32>
        %add3A_1043 = arith.constant 16 : i32
        %add3A_1044 = arith.addi %mul3A_336, %add3A_1043 : i32
        %get3A_1045 = arith.index_cast %add3A_1044 : i32 to index
        %get3A_1046 = arith.constant 32 : index
        %get3A_1047 = tpu.vector_load %arg9[%get3A_1045, %get3A_1046] {strides = array<i32>} : memref<1600x64xbf16, #tpu.memory_space<vmem>>, vector<32xbf16>,
        %unpack3A_1048 = tpu.unpack_subelements %get3A_1047, 0 {pack_format = #tpu.pack_format<interleaved>} : vector<32xbf16> -> vector<16xf32>
        %unpack3A_1049 = tpu.unpack_subelements %get3A_1047, 1 {pack_format = #tpu.pack_format<interleaved>} : vector<32xbf16> -> vector<16xf32>
        %get3A_1050 = arith.constant 16 : i32
        %get3A_1051 = arith.index_cast %get3A_1050 : i32 to index
        %get3A_1052 = arith.constant 32 : index
        %get3A_1053 = tpu.vector_load %arg14[%get3A_1051, %get3A_1052] {strides = array<i32>} : memref<20x64xf32, #tpu.memory_space<vmem>>, vector<16xf32>,
        %mul3A_1054 = arith.mulf %unpack3A_1048, %get3A_1053 : vector<16xf32>
        %add3A_1055 = arith.addf %add3A_1036, %mul3A_1054 : vector<16xf32>
        %get3A_1056 = arith.constant 16 : i32
        %get3A_1057 = arith.index_cast %get3A_1056 : i32 to index
        %get3A_1058 = arith.constant 48 : index
        %get3A_1059 = tpu.vector_load %arg14[%get3A_1057, %get3A_1058] {strides = array<i32>} : memref<20x64xf32, #tpu.memory_space<vmem>>, vector<16xf32>,
        %mul3A_1060 = arith.mulf %unpack3A_1049, %get3A_1059 : vector<16xf32>
        %add3A_1061 = arith.addf %add3A_1042, %mul3A_1060 : vector<16xf32>
        %add3A_1062 = arith.constant 17 : i32
        %add3A_1063 = arith.addi %mul3A_336, %add3A_1062 : i32
        %get3A_1064 = arith.index_cast %add3A_1063 : i32 to index
        %get3A_1065 = arith.constant 32 : index
        %get3A_1066 = tpu.vector_load %arg9[%get3A_1064, %get3A_1065] {strides = array<i32>} : memref<1600x64xbf16, #tpu.memory_space<vmem>>, vector<32xbf16>,
        %unpack3A_1067 = tpu.unpack_subelements %get3A_1066, 0 {pack_format = #tpu.pack_format<interleaved>} : vector<32xbf16> -> vector<16xf32>
        %unpack3A_1068 = tpu.unpack_subelements %get3A_1066, 1 {pack_format = #tpu.pack_format<interleaved>} : vector<32xbf16> -> vector<16xf32>
        %get3A_1069 = arith.constant 17 : i32
        %get3A_1070 = arith.index_cast %get3A_1069 : i32 to index
        %get3A_1071 = arith.constant 32 : index
        %get3A_1072 = tpu.vector_load %arg14[%get3A_1070, %get3A_1071] {strides = array<i32>} : memref<20x64xf32, #tpu.memory_space<vmem>>, vector<16xf32>,
        %mul3A_1073 = arith.mulf %unpack3A_1067, %get3A_1072 : vector<16xf32>
        %add3A_1074 = arith.addf %add3A_1055, %mul3A_1073 : vector<16xf32>
        %get3A_1075 = arith.constant 17 : i32
        %get3A_1076 = arith.index_cast %get3A_1075 : i32 to index
        %get3A_1077 = arith.constant 48 : index
        %get3A_1078 = tpu.vector_load %arg14[%get3A_1076, %get3A_1077] {strides = array<i32>} : memref<20x64xf32, #tpu.memory_space<vmem>>, vector<16xf32>,
        %mul3A_1079 = arith.mulf %unpack3A_1068, %get3A_1078 : vector<16xf32>
        %add3A_1080 = arith.addf %add3A_1061, %mul3A_1079 : vector<16xf32>
        %add3A_1081 = arith.constant 18 : i32
        %add3A_1082 = arith.addi %mul3A_336, %add3A_1081 : i32
        %get3A_1083 = arith.index_cast %add3A_1082 : i32 to index
        %get3A_1084 = arith.constant 32 : index
        %get3A_1085 = tpu.vector_load %arg9[%get3A_1083, %get3A_1084] {strides = array<i32>} : memref<1600x64xbf16, #tpu.memory_space<vmem>>, vector<32xbf16>,
        %unpack3A_1086 = tpu.unpack_subelements %get3A_1085, 0 {pack_format = #tpu.pack_format<interleaved>} : vector<32xbf16> -> vector<16xf32>
        %unpack3A_1087 = tpu.unpack_subelements %get3A_1085, 1 {pack_format = #tpu.pack_format<interleaved>} : vector<32xbf16> -> vector<16xf32>
        %get3A_1088 = arith.constant 18 : i32
        %get3A_1089 = arith.index_cast %get3A_1088 : i32 to index
        %get3A_1090 = arith.constant 32 : index
        %get3A_1091 = tpu.vector_load %arg14[%get3A_1089, %get3A_1090] {strides = array<i32>} : memref<20x64xf32, #tpu.memory_space<vmem>>, vector<16xf32>,
        %mul3A_1092 = arith.mulf %unpack3A_1086, %get3A_1091 : vector<16xf32>
        %add3A_1093 = arith.addf %add3A_1074, %mul3A_1092 : vector<16xf32>
        %get3A_1094 = arith.constant 18 : i32
        %get3A_1095 = arith.index_cast %get3A_1094 : i32 to index
        %get3A_1096 = arith.constant 48 : index
        %get3A_1097 = tpu.vector_load %arg14[%get3A_1095, %get3A_1096] {strides = array<i32>} : memref<20x64xf32, #tpu.memory_space<vmem>>, vector<16xf32>,
        %mul3A_1098 = arith.mulf %unpack3A_1087, %get3A_1097 : vector<16xf32>
        %add3A_1099 = arith.addf %add3A_1080, %mul3A_1098 : vector<16xf32>
        %add3A_1100 = arith.constant 19 : i32
        %add3A_1101 = arith.addi %mul3A_336, %add3A_1100 : i32
        %get3A_1102 = arith.index_cast %add3A_1101 : i32 to index
        %get3A_1103 = arith.constant 32 : index
        %get3A_1104 = tpu.vector_load %arg9[%get3A_1102, %get3A_1103] {strides = array<i32>} : memref<1600x64xbf16, #tpu.memory_space<vmem>>, vector<32xbf16>,
        %unpack3A_1105 = tpu.unpack_subelements %get3A_1104, 0 {pack_format = #tpu.pack_format<interleaved>} : vector<32xbf16> -> vector<16xf32>
        %unpack3A_1106 = tpu.unpack_subelements %get3A_1104, 1 {pack_format = #tpu.pack_format<interleaved>} : vector<32xbf16> -> vector<16xf32>
        %get3A_1107 = arith.constant 19 : i32
        %get3A_1108 = arith.index_cast %get3A_1107 : i32 to index
        %get3A_1109 = arith.constant 32 : index
        %get3A_1110 = tpu.vector_load %arg14[%get3A_1108, %get3A_1109] {strides = array<i32>} : memref<20x64xf32, #tpu.memory_space<vmem>>, vector<16xf32>,
        %mul3A_1111 = arith.mulf %unpack3A_1105, %get3A_1110 : vector<16xf32>
        %add3A_1112 = arith.addf %add3A_1093, %mul3A_1111 : vector<16xf32>
        %get3A_1113 = arith.constant 19 : i32
        %get3A_1114 = arith.index_cast %get3A_1113 : i32 to index
        %get3A_1115 = arith.constant 48 : index
        %get3A_1116 = tpu.vector_load %arg14[%get3A_1114, %get3A_1115] {strides = array<i32>} : memref<20x64xf32, #tpu.memory_space<vmem>>, vector<16xf32>,
        %mul3A_1117 = arith.mulf %unpack3A_1106, %get3A_1116 : vector<16xf32>
        %add3A_1118 = arith.addf %add3A_1099, %mul3A_1117 : vector<16xf32>
        %iota3A_1119 = tpu.iota {dimensions = array<i32: 0>} : vector<16xi32>
        %mul3A_1120 = arith.constant 2 : i32
        %mul3A_1121 = vector.broadcast %mul3A_1120 : i32 to vector<16xi32>
        %mul3A_1122 = arith.muli %iota3A_1119, %mul3A_1121 : vector<16xi32>
        %add3A_1123 = arith.constant 32 : i32
        %add3A_1124 = vector.broadcast %add3A_1123 : i32 to vector<16xi32>
        %add3A_1125 = arith.addi %mul3A_1122, %add3A_1124 : vector<16xi32>
        tpu.vector_store_idx %arg11[%broadcast_in_dim3A, %add3A_1125], %add3A_1112 : memref<80x64xf32, #tpu.memory_space<vmem>>[vector<16xi32>, vector<16xi32>], vector<16xf32>,
        %add3A_1126 = arith.constant 1 : i32
        %add3A_1127 = vector.broadcast %add3A_1126 : i32 to vector<16xi32>
        %add3A_1128 = arith.addi %add3A_1125, %add3A_1127 : vector<16xi32>
        tpu.vector_store_idx %arg11[%broadcast_in_dim3A, %add3A_1128], %add3A_1118 : memref<80x64xf32, #tpu.memory_space<vmem>>[vector<16xi32>, vector<16xi32>], vector<16xf32>,
      }
      %scan3A_273 = arith.constant 80 : i32
      %mul3A_274 = arith.constant 80 : i32
      %mul3A_275 = arith.muli %add3A_250, %mul3A_274 : i32
      %add3A_276 = arith.addi %mul3A_2, %mul3A_275 : i32
      %dma_start3A_277 = arith.constant 0 : i32
      %dma_start3A_278 = tpu.memref_slice %arg6[%add3A_276, %dma_start3A_277] : memref<51200x64xf32, #tpu.memory_space<hbm>> -> memref<80x64xf32, #tpu.memory_space<hbm>>
      %dma_start3A_279 = arith.constant 0 : i32
      %dma_start3A_280 = tpu.memref_slice %arg6[%add3A_276, %dma_start3A_279] : memref<51200x64xf32, #tpu.memory_space<hbm>> -> memref<80x64xf32, #tpu.memory_space<hbm>>
      tpu.enqueue_dma source(%arg11 : memref<80x64xf32, #tpu.memory_space<vmem>>) target(%dma_start3A_280 : memref<80x64xf32, #tpu.memory_space<hbm>>) target_semaphore(%arg19 : memref<!tpu.dma_semaphore, #tpu.memory_space<semaphore_mem>>)
      %add3A_281 = arith.constant 2 : i32
      %add3A_282 = arith.addi %add3A_250, %add3A_281 : i32
      %lt3A_283 = arith.constant 20 : i32
      %lt3A_284 = arith.cmpi slt, %add3A_282, %lt3A_283 : i32
      %convert_element_type3A_285 = arith.extui %lt3A_284 : i1 to i32
      %cond3A_286 = arith.constant 0 : i32
      %cond3A_287 = arith.cmpi ne, %convert_element_type3A_285, %cond3A_286 : i32
      scf.if %cond3A_287 {
        %add3A_334 = arith.constant 2 : i32
        %add3A_335 = arith.addi %add3A_250, %add3A_334 : i32
        %dma_wait3A_336 = arith.constant 0 : i32
        %dma_wait3A_337 = tpu.memref_slice %arg2[%dma_wait3A_336] : memref<1024000xi32, #tpu.memory_space<hbm>> -> memref<1600xi32, #tpu.memory_space<hbm>>
        %dma_wait3A_338 = arith.constant 0 : i32
        %dma_wait3A_339 = tpu.memref_slice %arg2[%dma_wait3A_338] : memref<1024000xi32, #tpu.memory_space<hbm>> -> memref<1600xi32, #tpu.memory_space<hbm>>
        tpu.wait_dma2 semaphore(%arg17 : memref<!tpu.dma_semaphore, #tpu.memory_space<semaphore_mem>>) src(%dma_wait3A_339 : memref<1600xi32, #tpu.memory_space<hbm>>) dst(%arg7 : memref<1600xi32, #tpu.memory_space<vmem>>)
        %dma_start3A_340 = arith.constant 0 : i32
        %dma_start3A_341 = arith.constant 0 : i32
        %dma_start3A_342 = tpu.memref_slice %arg9[%dma_start3A_340, %dma_start3A_341] : memref<1600x64xbf16, #tpu.memory_space<vmem>> -> memref<128x64xbf16, #tpu.memory_space<vmem>>
        %dma_start3A_343 = arith.constant 0 : i32
        %dma_start3A_344 = tpu.memref_slice %arg7[%dma_start3A_343] : memref<1600xi32, #tpu.memory_space<vmem>> -> memref<128xi32, #tpu.memory_space<vmem>>
        %dma_start3A_345 = arith.constant 0 : i32
        %dma_start3A_346 = arith.constant 0 : i32
        %dma_start3A_347 = tpu.memref_slice %arg3[%dma_start3A_345, %dma_start3A_346] : memref<100000x64xbf16, #tpu.memory_space<hbm>> -> memref<100000x64xbf16, #tpu.memory_space<hbm>>
        tpu.enqueue_indirect_dma source(%dma_start3A_347 : memref<100000x64xbf16, #tpu.memory_space<hbm>>) target(%dma_start3A_342 : memref<128x64xbf16, #tpu.memory_space<vmem>>) offsets(%dma_start3A_344 : memref<128xi32, #tpu.memory_space<vmem>>) semaphore(%arg15 : memref<!tpu.dma_semaphore, #tpu.memory_space<semaphore_mem>>)
        %dma_start3A_348 = arith.constant 128 : i32
        %dma_start3A_349 = arith.constant 0 : i32
        %dma_start3A_350 = tpu.memref_slice %arg9[%dma_start3A_348, %dma_start3A_349] : memref<1600x64xbf16, #tpu.memory_space<vmem>> -> memref<128x64xbf16, #tpu.memory_space<vmem>>
        %dma_start3A_351 = arith.constant 128 : i32
        %dma_start3A_352 = tpu.memref_slice %arg7[%dma_start3A_351] : memref<1600xi32, #tpu.memory_space<vmem>> -> memref<128xi32, #tpu.memory_space<vmem>>
        %dma_start3A_353 = arith.constant 0 : i32
        %dma_start3A_354 = arith.constant 0 : i32
        %dma_start3A_355 = tpu.memref_slice %arg3[%dma_start3A_353, %dma_start3A_354] : memref<100000x64xbf16, #tpu.memory_space<hbm>> -> memref<100000x64xbf16, #tpu.memory_space<hbm>>
        tpu.enqueue_indirect_dma source(%dma_start3A_355 : memref<100000x64xbf16, #tpu.memory_space<hbm>>) target(%dma_start3A_350 : memref<128x64xbf16, #tpu.memory_space<vmem>>) offsets(%dma_start3A_352 : memref<128xi32, #tpu.memory_space<vmem>>) semaphore(%arg15 : memref<!tpu.dma_semaphore, #tpu.memory_space<semaphore_mem>>)
        %dma_start3A_356 = arith.constant 256 : i32
        %dma_start3A_357 = arith.constant 0 : i32
        %dma_start3A_358 = tpu.memref_slice %arg9[%dma_start3A_356, %dma_start3A_357] : memref<1600x64xbf16, #tpu.memory_space<vmem>> -> memref<128x64xbf16, #tpu.memory_space<vmem>>
        %dma_start3A_359 = arith.constant 256 : i32
        %dma_start3A_360 = tpu.memref_slice %arg7[%dma_start3A_359] : memref<1600xi32, #tpu.memory_space<vmem>> -> memref<128xi32, #tpu.memory_space<vmem>>
        %dma_start3A_361 = arith.constant 0 : i32
        %dma_start3A_362 = arith.constant 0 : i32
        %dma_start3A_363 = tpu.memref_slice %arg3[%dma_start3A_361, %dma_start3A_362] : memref<100000x64xbf16, #tpu.memory_space<hbm>> -> memref<100000x64xbf16, #tpu.memory_space<hbm>>
        tpu.enqueue_indirect_dma source(%dma_start3A_363 : memref<100000x64xbf16, #tpu.memory_space<hbm>>) target(%dma_start3A_358 : memref<128x64xbf16, #tpu.memory_space<vmem>>) offsets(%dma_start3A_360 : memref<128xi32, #tpu.memory_space<vmem>>) semaphore(%arg15 : memref<!tpu.dma_semaphore, #tpu.memory_space<semaphore_mem>>)
        %dma_start3A_364 = arith.constant 384 : i32
        %dma_start3A_365 = arith.constant 0 : i32
        %dma_start3A_366 = tpu.memref_slice %arg9[%dma_start3A_364, %dma_start3A_365] : memref<1600x64xbf16, #tpu.memory_space<vmem>> -> memref<128x64xbf16, #tpu.memory_space<vmem>>
        %dma_start3A_367 = arith.constant 384 : i32
        %dma_start3A_368 = tpu.memref_slice %arg7[%dma_start3A_367] : memref<1600xi32, #tpu.memory_space<vmem>> -> memref<128xi32, #tpu.memory_space<vmem>>
        %dma_start3A_369 = arith.constant 0 : i32
        %dma_start3A_370 = arith.constant 0 : i32
        %dma_start3A_371 = tpu.memref_slice %arg3[%dma_start3A_369, %dma_start3A_370] : memref<100000x64xbf16, #tpu.memory_space<hbm>> -> memref<100000x64xbf16, #tpu.memory_space<hbm>>
        tpu.enqueue_indirect_dma source(%dma_start3A_371 : memref<100000x64xbf16, #tpu.memory_space<hbm>>) target(%dma_start3A_366 : memref<128x64xbf16, #tpu.memory_space<vmem>>) offsets(%dma_start3A_368 : memref<128xi32, #tpu.memory_space<vmem>>) semaphore(%arg15 : memref<!tpu.dma_semaphore, #tpu.memory_space<semaphore_mem>>)
        %dma_start3A_372 = arith.constant 512 : i32
        %dma_start3A_373 = arith.constant 0 : i32
        %dma_start3A_374 = tpu.memref_slice %arg9[%dma_start3A_372, %dma_start3A_373] : memref<1600x64xbf16, #tpu.memory_space<vmem>> -> memref<128x64xbf16, #tpu.memory_space<vmem>>
        %dma_start3A_375 = arith.constant 512 : i32
        %dma_start3A_376 = tpu.memref_slice %arg7[%dma_start3A_375] : memref<1600xi32, #tpu.memory_space<vmem>> -> memref<128xi32, #tpu.memory_space<vmem>>
        %dma_start3A_377 = arith.constant 0 : i32
        %dma_start3A_378 = arith.constant 0 : i32
        %dma_start3A_379 = tpu.memref_slice %arg3[%dma_start3A_377, %dma_start3A_378] : memref<100000x64xbf16, #tpu.memory_space<hbm>> -> memref<100000x64xbf16, #tpu.memory_space<hbm>>
        tpu.enqueue_indirect_dma source(%dma_start3A_379 : memref<100000x64xbf16, #tpu.memory_space<hbm>>) target(%dma_start3A_374 : memref<128x64xbf16, #tpu.memory_space<vmem>>) offsets(%dma_start3A_376 : memref<128xi32, #tpu.memory_space<vmem>>) semaphore(%arg15 : memref<!tpu.dma_semaphore, #tpu.memory_space<semaphore_mem>>)
        %dma_start3A_380 = arith.constant 640 : i32
        %dma_start3A_381 = arith.constant 0 : i32
        %dma_start3A_382 = tpu.memref_slice %arg9[%dma_start3A_380, %dma_start3A_381] : memref<1600x64xbf16, #tpu.memory_space<vmem>> -> memref<128x64xbf16, #tpu.memory_space<vmem>>
        %dma_start3A_383 = arith.constant 640 : i32
        %dma_start3A_384 = tpu.memref_slice %arg7[%dma_start3A_383] : memref<1600xi32, #tpu.memory_space<vmem>> -> memref<128xi32, #tpu.memory_space<vmem>>
        %dma_start3A_385 = arith.constant 0 : i32
        %dma_start3A_386 = arith.constant 0 : i32
        %dma_start3A_387 = tpu.memref_slice %arg3[%dma_start3A_385, %dma_start3A_386] : memref<100000x64xbf16, #tpu.memory_space<hbm>> -> memref<100000x64xbf16, #tpu.memory_space<hbm>>
        tpu.enqueue_indirect_dma source(%dma_start3A_387 : memref<100000x64xbf16, #tpu.memory_space<hbm>>) target(%dma_start3A_382 : memref<128x64xbf16, #tpu.memory_space<vmem>>) offsets(%dma_start3A_384 : memref<128xi32, #tpu.memory_space<vmem>>) semaphore(%arg15 : memref<!tpu.dma_semaphore, #tpu.memory_space<semaphore_mem>>)
        %dma_start3A_388 = arith.constant 768 : i32
        %dma_start3A_389 = arith.constant 0 : i32
        %dma_start3A_390 = tpu.memref_slice %arg9[%dma_start3A_388, %dma_start3A_389] : memref<1600x64xbf16, #tpu.memory_space<vmem>> -> memref<128x64xbf16, #tpu.memory_space<vmem>>
        %dma_start3A_391 = arith.constant 768 : i32
        %dma_start3A_392 = tpu.memref_slice %arg7[%dma_start3A_391] : memref<1600xi32, #tpu.memory_space<vmem>> -> memref<128xi32, #tpu.memory_space<vmem>>
        %dma_start3A_393 = arith.constant 0 : i32
        %dma_start3A_394 = arith.constant 0 : i32
        %dma_start3A_395 = tpu.memref_slice %arg3[%dma_start3A_393, %dma_start3A_394] : memref<100000x64xbf16, #tpu.memory_space<hbm>> -> memref<100000x64xbf16, #tpu.memory_space<hbm>>
        tpu.enqueue_indirect_dma source(%dma_start3A_395 : memref<100000x64xbf16, #tpu.memory_space<hbm>>) target(%dma_start3A_390 : memref<128x64xbf16, #tpu.memory_space<vmem>>) offsets(%dma_start3A_392 : memref<128xi32, #tpu.memory_space<vmem>>) semaphore(%arg15 : memref<!tpu.dma_semaphore, #tpu.memory_space<semaphore_mem>>)
        %dma_start3A_396 = arith.constant 896 : i32
        %dma_start3A_397 = arith.constant 0 : i32
        %dma_start3A_398 = tpu.memref_slice %arg9[%dma_start3A_396, %dma_start3A_397] : memref<1600x64xbf16, #tpu.memory_space<vmem>> -> memref<128x64xbf16, #tpu.memory_space<vmem>>
        %dma_start3A_399 = arith.constant 896 : i32
        %dma_start3A_400 = tpu.memref_slice %arg7[%dma_start3A_399] : memref<1600xi32, #tpu.memory_space<vmem>> -> memref<128xi32, #tpu.memory_space<vmem>>
        %dma_start3A_401 = arith.constant 0 : i32
        %dma_start3A_402 = arith.constant 0 : i32
        %dma_start3A_403 = tpu.memref_slice %arg3[%dma_start3A_401, %dma_start3A_402] : memref<100000x64xbf16, #tpu.memory_space<hbm>> -> memref<100000x64xbf16, #tpu.memory_space<hbm>>
        tpu.enqueue_indirect_dma source(%dma_start3A_403 : memref<100000x64xbf16, #tpu.memory_space<hbm>>) target(%dma_start3A_398 : memref<128x64xbf16, #tpu.memory_space<vmem>>) offsets(%dma_start3A_400 : memref<128xi32, #tpu.memory_space<vmem>>) semaphore(%arg15 : memref<!tpu.dma_semaphore, #tpu.memory_space<semaphore_mem>>)
        %dma_start3A_404 = arith.constant 1024 : i32
        %dma_start3A_405 = arith.constant 0 : i32
        %dma_start3A_406 = tpu.memref_slice %arg9[%dma_start3A_404, %dma_start3A_405] : memref<1600x64xbf16, #tpu.memory_space<vmem>> -> memref<128x64xbf16, #tpu.memory_space<vmem>>
        %dma_start3A_407 = arith.constant 1024 : i32
        %dma_start3A_408 = tpu.memref_slice %arg7[%dma_start3A_407] : memref<1600xi32, #tpu.memory_space<vmem>> -> memref<128xi32, #tpu.memory_space<vmem>>
        %dma_start3A_409 = arith.constant 0 : i32
        %dma_start3A_410 = arith.constant 0 : i32
        %dma_start3A_411 = tpu.memref_slice %arg3[%dma_start3A_409, %dma_start3A_410] : memref<100000x64xbf16, #tpu.memory_space<hbm>> -> memref<100000x64xbf16, #tpu.memory_space<hbm>>
        tpu.enqueue_indirect_dma source(%dma_start3A_411 : memref<100000x64xbf16, #tpu.memory_space<hbm>>) target(%dma_start3A_406 : memref<128x64xbf16, #tpu.memory_space<vmem>>) offsets(%dma_start3A_408 : memref<128xi32, #tpu.memory_space<vmem>>) semaphore(%arg15 : memref<!tpu.dma_semaphore, #tpu.memory_space<semaphore_mem>>)
        %dma_start3A_412 = arith.constant 1152 : i32
        %dma_start3A_413 = arith.constant 0 : i32
        %dma_start3A_414 = tpu.memref_slice %arg9[%dma_start3A_412, %dma_start3A_413] : memref<1600x64xbf16, #tpu.memory_space<vmem>> -> memref<128x64xbf16, #tpu.memory_space<vmem>>
        %dma_start3A_415 = arith.constant 1152 : i32
        %dma_start3A_416 = tpu.memref_slice %arg7[%dma_start3A_415] : memref<1600xi32, #tpu.memory_space<vmem>> -> memref<128xi32, #tpu.memory_space<vmem>>
        %dma_start3A_417 = arith.constant 0 : i32
        %dma_start3A_418 = arith.constant 0 : i32
        %dma_start3A_419 = tpu.memref_slice %arg3[%dma_start3A_417, %dma_start3A_418] : memref<100000x64xbf16, #tpu.memory_space<hbm>> -> memref<100000x64xbf16, #tpu.memory_space<hbm>>
        tpu.enqueue_indirect_dma source(%dma_start3A_419 : memref<100000x64xbf16, #tpu.memory_space<hbm>>) target(%dma_start3A_414 : memref<128x64xbf16, #tpu.memory_space<vmem>>) offsets(%dma_start3A_416 : memref<128xi32, #tpu.memory_space<vmem>>) semaphore(%arg15 : memref<!tpu.dma_semaphore, #tpu.memory_space<semaphore_mem>>)
        %dma_start3A_420 = arith.constant 1280 : i32
        %dma_start3A_421 = arith.constant 0 : i32
        %dma_start3A_422 = tpu.memref_slice %arg9[%dma_start3A_420, %dma_start3A_421] : memref<1600x64xbf16, #tpu.memory_space<vmem>> -> memref<128x64xbf16, #tpu.memory_space<vmem>>
        %dma_start3A_423 = arith.constant 1280 : i32
        %dma_start3A_424 = tpu.memref_slice %arg7[%dma_start3A_423] : memref<1600xi32, #tpu.memory_space<vmem>> -> memref<128xi32, #tpu.memory_space<vmem>>
        %dma_start3A_425 = arith.constant 0 : i32
        %dma_start3A_426 = arith.constant 0 : i32
        %dma_start3A_427 = tpu.memref_slice %arg3[%dma_start3A_425, %dma_start3A_426] : memref<100000x64xbf16, #tpu.memory_space<hbm>> -> memref<100000x64xbf16, #tpu.memory_space<hbm>>
        tpu.enqueue_indirect_dma source(%dma_start3A_427 : memref<100000x64xbf16, #tpu.memory_space<hbm>>) target(%dma_start3A_422 : memref<128x64xbf16, #tpu.memory_space<vmem>>) offsets(%dma_start3A_424 : memref<128xi32, #tpu.memory_space<vmem>>) semaphore(%arg15 : memref<!tpu.dma_semaphore, #tpu.memory_space<semaphore_mem>>)
        %dma_start3A_428 = arith.constant 1408 : i32
        %dma_start3A_429 = arith.constant 0 : i32
        %dma_start3A_430 = tpu.memref_slice %arg9[%dma_start3A_428, %dma_start3A_429] : memref<1600x64xbf16, #tpu.memory_space<vmem>> -> memref<128x64xbf16, #tpu.memory_space<vmem>>
        %dma_start3A_431 = arith.constant 1408 : i32
        %dma_start3A_432 = tpu.memref_slice %arg7[%dma_start3A_431] : memref<1600xi32, #tpu.memory_space<vmem>> -> memref<128xi32, #tpu.memory_space<vmem>>
        %dma_start3A_433 = arith.constant 0 : i32
        %dma_start3A_434 = arith.constant 0 : i32
        %dma_start3A_435 = tpu.memref_slice %arg3[%dma_start3A_433, %dma_start3A_434] : memref<100000x64xbf16, #tpu.memory_space<hbm>> -> memref<100000x64xbf16, #tpu.memory_space<hbm>>
        tpu.enqueue_indirect_dma source(%dma_start3A_435 : memref<100000x64xbf16, #tpu.memory_space<hbm>>) target(%dma_start3A_430 : memref<128x64xbf16, #tpu.memory_space<vmem>>) offsets(%dma_start3A_432 : memref<128xi32, #tpu.memory_space<vmem>>) semaphore(%arg15 : memref<!tpu.dma_semaphore, #tpu.memory_space<semaphore_mem>>)
        %dma_start3A_436 = arith.constant 1536 : i32
        %dma_start3A_437 = arith.constant 0 : i32
        %dma_start3A_438 = tpu.memref_slice %arg9[%dma_start3A_436, %dma_start3A_437] : memref<1600x64xbf16, #tpu.memory_space<vmem>> -> memref<64x64xbf16, #tpu.memory_space<vmem>>
        %dma_start3A_439 = arith.constant 1536 : i32
        %dma_start3A_440 = tpu.memref_slice %arg7[%dma_start3A_439] : memref<1600xi32, #tpu.memory_space<vmem>> -> memref<64xi32, #tpu.memory_space<vmem>>
        %dma_start3A_441 = arith.constant 0 : i32
        %dma_start3A_442 = arith.constant 0 : i32
        %dma_start3A_443 = tpu.memref_slice %arg3[%dma_start3A_441, %dma_start3A_442] : memref<100000x64xbf16, #tpu.memory_space<hbm>> -> memref<100000x64xbf16, #tpu.memory_space<hbm>>
        tpu.enqueue_indirect_dma source(%dma_start3A_443 : memref<100000x64xbf16, #tpu.memory_space<hbm>>) target(%dma_start3A_438 : memref<64x64xbf16, #tpu.memory_space<vmem>>) offsets(%dma_start3A_440 : memref<64xi32, #tpu.memory_space<vmem>>) semaphore(%arg15 : memref<!tpu.dma_semaphore, #tpu.memory_space<semaphore_mem>>)
      } else {
      }
      %mul3A_288 = arith.constant 2 : i32
      %mul3A_289 = arith.muli %scan3A_246, %mul3A_288 : i32
      %add3A_290 = arith.constant 1 : i32
      %add3A_291 = arith.addi %mul3A_289, %add3A_290 : i32
      %dma_wait3A_292 = arith.constant 0 : i32
      %dma_wait3A_293 = arith.constant 0 : i32
      %dma_wait3A_294 = tpu.memref_slice %arg3[%dma_wait3A_292, %dma_wait3A_293] : memref<100000x64xbf16, #tpu.memory_space<hbm>> -> memref<1600x64xbf16, #tpu.memory_space<hbm>>
      %dma_wait3A_295 = arith.constant 0 : i32
      %dma_wait3A_296 = arith.constant 0 : i32
      %dma_wait3A_297 = tpu.memref_slice %arg3[%dma_wait3A_295, %dma_wait3A_296] : memref<100000x64xbf16, #tpu.memory_space<hbm>> -> memref<1600x64xbf16, #tpu.memory_space<hbm>>
      tpu.wait_dma2 semaphore(%arg16 : memref<!tpu.dma_semaphore, #tpu.memory_space<semaphore_mem>>) src(%dma_wait3A_297 : memref<1600x64xbf16, #tpu.memory_space<hbm>>) dst(%arg10 : memref<1600x64xbf16, #tpu.memory_space<vmem>>)
      %add3A_298 = arith.constant 2 : i32
      %add3A_299 = arith.addi %add3A_291, %add3A_298 : i32
      %lt3A_300 = arith.constant 20 : i32
      %lt3A_301 = arith.cmpi slt, %add3A_299, %lt3A_300 : i32
      %convert_element_type3A_302 = arith.extui %lt3A_301 : i1 to i32
      %cond3A_303 = arith.constant 0 : i32
      %cond3A_304 = arith.cmpi ne, %convert_element_type3A_302, %cond3A_303 : i32
      scf.if %cond3A_304 {
        %add3A_334 = arith.constant 2 : i32
        %add3A_335 = arith.addi %add3A_291, %add3A_334 : i32
        %mul3A_336 = arith.constant 80 : i32
        %mul3A_337 = arith.muli %add3A_335, %mul3A_336 : i32
        %add3A_338 = arith.addi %mul3A_2, %mul3A_337 : i32
        %mul3A_339 = arith.constant 20 : i32
        %mul3A_340 = arith.muli %add3A_338, %mul3A_339 : i32
        %dma_start3A_341 = tpu.memref_slice %arg2[%mul3A_340] : memref<1024000xi32, #tpu.memory_space<hbm>> -> memref<1600xi32, #tpu.memory_space<hbm>>
        %dma_start3A_342 = tpu.memref_slice %arg2[%mul3A_340] : memref<1024000xi32, #tpu.memory_space<hbm>> -> memref<1600xi32, #tpu.memory_space<hbm>>
        tpu.enqueue_dma source(%dma_start3A_342 : memref<1600xi32, #tpu.memory_space<hbm>>) target(%arg8 : memref<1600xi32, #tpu.memory_space<vmem>>) target_semaphore(%arg18 : memref<!tpu.dma_semaphore, #tpu.memory_space<semaphore_mem>>)
      } else {
      }
      %mul3A_305 = arith.constant 80 : i32
      %mul3A_306 = arith.muli %add3A_291, %mul3A_305 : i32
      %rem3A_307 = arith.constant 50 : i32
      %rem3A_308 = arith.remsi %mul3A_306, %rem3A_307 : i32
      %ge3A_309 = arith.constant 2 : i32
      %ge3A_310 = arith.cmpi sge, %add3A_291, %ge3A_309 : i32
      %convert_element_type3A_311 = arith.extui %ge3A_310 : i1 to i32
      %cond3A_312 = arith.constant 0 : i32
      %cond3A_313 = arith.cmpi ne, %convert_element_type3A_311, %cond3A_312 : i32
      scf.if %cond3A_313 {
        %dma_wait3A_334 = arith.constant 0 : i32
        %dma_wait3A_335 = arith.constant 0 : i32
        %dma_wait3A_336 = tpu.memref_slice %arg6[%dma_wait3A_334, %dma_wait3A_335] : memref<51200x64xf32, #tpu.memory_space<hbm>> -> memref<80x64xf32, #tpu.memory_space<hbm>>
        %dma_wait3A_337 = arith.constant 0 : i32
        %dma_wait3A_338 = arith.constant 0 : i32
        %dma_wait3A_339 = tpu.memref_slice %arg6[%dma_wait3A_337, %dma_wait3A_338] : memref<51200x64xf32, #tpu.memory_space<hbm>> -> memref<80x64xf32, #tpu.memory_space<hbm>>
        tpu.wait_dma2 semaphore(%arg20 : memref<!tpu.dma_semaphore, #tpu.memory_space<semaphore_mem>>) src(%arg12 : memref<80x64xf32, #tpu.memory_space<vmem>>) dst(%dma_wait3A_339 : memref<80x64xf32, #tpu.memory_space<hbm>>)
      } else {
      }
      %scan3A_314 = arith.constant 0 : i32
      %scan3A_315 = arith.constant 0 : i32
      %scan3A_316 = arith.constant 80 : i32
      %scan3A_317 = arith.addi %scan3A_315, %scan3A_316 : i32
      %scan3A_318 = arith.constant 1 : i32
      scf.for %scan3A_334 = %scan3A_315 to %scan3A_317 step %scan3A_318  : i32 {
        %mul3A_335 = arith.constant 20 : i32
        %mul3A_336 = arith.muli %scan3A_334, %mul3A_335 : i32
        %add3A_337 = arith.addi %rem3A_308, %scan3A_334 : i32
        %rem3A_338 = arith.constant 50 : i32
        %rem3A_339 = arith.remsi %add3A_337, %rem3A_338 : i32
        %broadcast_in_dim3A = vector.broadcast %scan3A_334 : i32 to vector<16xi32>
        %get3A = arith.index_cast %rem3A_339 : i32 to index
        %get3A_340 = arith.constant 0 : index
        %get3A_341 = tpu.vector_load %arg13[%get3A, %get3A_340] {strides = array<i32>} : memref<50x64xf32, #tpu.memory_space<vmem>>, vector<16xf32>,
        %get3A_342 = arith.index_cast %rem3A_339 : i32 to index
        %get3A_343 = arith.constant 16 : index
        %get3A_344 = tpu.vector_load %arg13[%get3A_342, %get3A_343] {strides = array<i32>} : memref<50x64xf32, #tpu.memory_space<vmem>>, vector<16xf32>,
        %add3A_345 = arith.constant 0 : i32
        %add3A_346 = arith.addi %mul3A_336, %add3A_345 : i32
        %get3A_347 = arith.index_cast %add3A_346 : i32 to index
        %get3A_348 = arith.constant 0 : index
        %get3A_349 = tpu.vector_load %arg10[%get3A_347, %get3A_348] {strides = array<i32>} : memref<1600x64xbf16, #tpu.memory_space<vmem>>, vector<32xbf16>,
        %unpack3A = tpu.unpack_subelements %get3A_349, 0 {pack_format = #tpu.pack_format<interleaved>} : vector<32xbf16> -> vector<16xf32>
        %unpack3A_350 = tpu.unpack_subelements %get3A_349, 1 {pack_format = #tpu.pack_format<interleaved>} : vector<32xbf16> -> vector<16xf32>
        %get3A_351 = arith.constant 0 : i32
        %get3A_352 = arith.index_cast %get3A_351 : i32 to index
        %get3A_353 = arith.constant 0 : index
        %get3A_354 = tpu.vector_load %arg14[%get3A_352, %get3A_353] {strides = array<i32>} : memref<20x64xf32, #tpu.memory_space<vmem>>, vector<16xf32>,
        %mul3A_355 = arith.mulf %unpack3A, %get3A_354 : vector<16xf32>
        %add3A_356 = arith.addf %get3A_341, %mul3A_355 : vector<16xf32>
        %get3A_357 = arith.constant 0 : i32
        %get3A_358 = arith.index_cast %get3A_357 : i32 to index
        %get3A_359 = arith.constant 16 : index
        %get3A_360 = tpu.vector_load %arg14[%get3A_358, %get3A_359] {strides = array<i32>} : memref<20x64xf32, #tpu.memory_space<vmem>>, vector<16xf32>,
        %mul3A_361 = arith.mulf %unpack3A_350, %get3A_360 : vector<16xf32>
        %add3A_362 = arith.addf %get3A_344, %mul3A_361 : vector<16xf32>
        %add3A_363 = arith.constant 1 : i32
        %add3A_364 = arith.addi %mul3A_336, %add3A_363 : i32
        %get3A_365 = arith.index_cast %add3A_364 : i32 to index
        %get3A_366 = arith.constant 0 : index
        %get3A_367 = tpu.vector_load %arg10[%get3A_365, %get3A_366] {strides = array<i32>} : memref<1600x64xbf16, #tpu.memory_space<vmem>>, vector<32xbf16>,
        %unpack3A_368 = tpu.unpack_subelements %get3A_367, 0 {pack_format = #tpu.pack_format<interleaved>} : vector<32xbf16> -> vector<16xf32>
        %unpack3A_369 = tpu.unpack_subelements %get3A_367, 1 {pack_format = #tpu.pack_format<interleaved>} : vector<32xbf16> -> vector<16xf32>
        %get3A_370 = arith.constant 1 : i32
        %get3A_371 = arith.index_cast %get3A_370 : i32 to index
        %get3A_372 = arith.constant 0 : index
        %get3A_373 = tpu.vector_load %arg14[%get3A_371, %get3A_372] {strides = array<i32>} : memref<20x64xf32, #tpu.memory_space<vmem>>, vector<16xf32>,
        %mul3A_374 = arith.mulf %unpack3A_368, %get3A_373 : vector<16xf32>
        %add3A_375 = arith.addf %add3A_356, %mul3A_374 : vector<16xf32>
        %get3A_376 = arith.constant 1 : i32
        %get3A_377 = arith.index_cast %get3A_376 : i32 to index
        %get3A_378 = arith.constant 16 : index
        %get3A_379 = tpu.vector_load %arg14[%get3A_377, %get3A_378] {strides = array<i32>} : memref<20x64xf32, #tpu.memory_space<vmem>>, vector<16xf32>,
        %mul3A_380 = arith.mulf %unpack3A_369, %get3A_379 : vector<16xf32>
        %add3A_381 = arith.addf %add3A_362, %mul3A_380 : vector<16xf32>
        %add3A_382 = arith.constant 2 : i32
        %add3A_383 = arith.addi %mul3A_336, %add3A_382 : i32
        %get3A_384 = arith.index_cast %add3A_383 : i32 to index
        %get3A_385 = arith.constant 0 : index
        %get3A_386 = tpu.vector_load %arg10[%get3A_384, %get3A_385] {strides = array<i32>} : memref<1600x64xbf16, #tpu.memory_space<vmem>>, vector<32xbf16>,
        %unpack3A_387 = tpu.unpack_subelements %get3A_386, 0 {pack_format = #tpu.pack_format<interleaved>} : vector<32xbf16> -> vector<16xf32>
        %unpack3A_388 = tpu.unpack_subelements %get3A_386, 1 {pack_format = #tpu.pack_format<interleaved>} : vector<32xbf16> -> vector<16xf32>
        %get3A_389 = arith.constant 2 : i32
        %get3A_390 = arith.index_cast %get3A_389 : i32 to index
        %get3A_391 = arith.constant 0 : index
        %get3A_392 = tpu.vector_load %arg14[%get3A_390, %get3A_391] {strides = array<i32>} : memref<20x64xf32, #tpu.memory_space<vmem>>, vector<16xf32>,
        %mul3A_393 = arith.mulf %unpack3A_387, %get3A_392 : vector<16xf32>
        %add3A_394 = arith.addf %add3A_375, %mul3A_393 : vector<16xf32>
        %get3A_395 = arith.constant 2 : i32
        %get3A_396 = arith.index_cast %get3A_395 : i32 to index
        %get3A_397 = arith.constant 16 : index
        %get3A_398 = tpu.vector_load %arg14[%get3A_396, %get3A_397] {strides = array<i32>} : memref<20x64xf32, #tpu.memory_space<vmem>>, vector<16xf32>,
        %mul3A_399 = arith.mulf %unpack3A_388, %get3A_398 : vector<16xf32>
        %add3A_400 = arith.addf %add3A_381, %mul3A_399 : vector<16xf32>
        %add3A_401 = arith.constant 3 : i32
        %add3A_402 = arith.addi %mul3A_336, %add3A_401 : i32
        %get3A_403 = arith.index_cast %add3A_402 : i32 to index
        %get3A_404 = arith.constant 0 : index
        %get3A_405 = tpu.vector_load %arg10[%get3A_403, %get3A_404] {strides = array<i32>} : memref<1600x64xbf16, #tpu.memory_space<vmem>>, vector<32xbf16>,
        %unpack3A_406 = tpu.unpack_subelements %get3A_405, 0 {pack_format = #tpu.pack_format<interleaved>} : vector<32xbf16> -> vector<16xf32>
        %unpack3A_407 = tpu.unpack_subelements %get3A_405, 1 {pack_format = #tpu.pack_format<interleaved>} : vector<32xbf16> -> vector<16xf32>
        %get3A_408 = arith.constant 3 : i32
        %get3A_409 = arith.index_cast %get3A_408 : i32 to index
        %get3A_410 = arith.constant 0 : index
        %get3A_411 = tpu.vector_load %arg14[%get3A_409, %get3A_410] {strides = array<i32>} : memref<20x64xf32, #tpu.memory_space<vmem>>, vector<16xf32>,
        %mul3A_412 = arith.mulf %unpack3A_406, %get3A_411 : vector<16xf32>
        %add3A_413 = arith.addf %add3A_394, %mul3A_412 : vector<16xf32>
        %get3A_414 = arith.constant 3 : i32
        %get3A_415 = arith.index_cast %get3A_414 : i32 to index
        %get3A_416 = arith.constant 16 : index
        %get3A_417 = tpu.vector_load %arg14[%get3A_415, %get3A_416] {strides = array<i32>} : memref<20x64xf32, #tpu.memory_space<vmem>>, vector<16xf32>,
        %mul3A_418 = arith.mulf %unpack3A_407, %get3A_417 : vector<16xf32>
        %add3A_419 = arith.addf %add3A_400, %mul3A_418 : vector<16xf32>
        %add3A_420 = arith.constant 4 : i32
        %add3A_421 = arith.addi %mul3A_336, %add3A_420 : i32
        %get3A_422 = arith.index_cast %add3A_421 : i32 to index
        %get3A_423 = arith.constant 0 : index
        %get3A_424 = tpu.vector_load %arg10[%get3A_422, %get3A_423] {strides = array<i32>} : memref<1600x64xbf16, #tpu.memory_space<vmem>>, vector<32xbf16>,
        %unpack3A_425 = tpu.unpack_subelements %get3A_424, 0 {pack_format = #tpu.pack_format<interleaved>} : vector<32xbf16> -> vector<16xf32>
        %unpack3A_426 = tpu.unpack_subelements %get3A_424, 1 {pack_format = #tpu.pack_format<interleaved>} : vector<32xbf16> -> vector<16xf32>
        %get3A_427 = arith.constant 4 : i32
        %get3A_428 = arith.index_cast %get3A_427 : i32 to index
        %get3A_429 = arith.constant 0 : index
        %get3A_430 = tpu.vector_load %arg14[%get3A_428, %get3A_429] {strides = array<i32>} : memref<20x64xf32, #tpu.memory_space<vmem>>, vector<16xf32>,
        %mul3A_431 = arith.mulf %unpack3A_425, %get3A_430 : vector<16xf32>
        %add3A_432 = arith.addf %add3A_413, %mul3A_431 : vector<16xf32>
        %get3A_433 = arith.constant 4 : i32
        %get3A_434 = arith.index_cast %get3A_433 : i32 to index
        %get3A_435 = arith.constant 16 : index
        %get3A_436 = tpu.vector_load %arg14[%get3A_434, %get3A_435] {strides = array<i32>} : memref<20x64xf32, #tpu.memory_space<vmem>>, vector<16xf32>,
        %mul3A_437 = arith.mulf %unpack3A_426, %get3A_436 : vector<16xf32>
        %add3A_438 = arith.addf %add3A_419, %mul3A_437 : vector<16xf32>
        %add3A_439 = arith.constant 5 : i32
        %add3A_440 = arith.addi %mul3A_336, %add3A_439 : i32
        %get3A_441 = arith.index_cast %add3A_440 : i32 to index
        %get3A_442 = arith.constant 0 : index
        %get3A_443 = tpu.vector_load %arg10[%get3A_441, %get3A_442] {strides = array<i32>} : memref<1600x64xbf16, #tpu.memory_space<vmem>>, vector<32xbf16>,
        %unpack3A_444 = tpu.unpack_subelements %get3A_443, 0 {pack_format = #tpu.pack_format<interleaved>} : vector<32xbf16> -> vector<16xf32>
        %unpack3A_445 = tpu.unpack_subelements %get3A_443, 1 {pack_format = #tpu.pack_format<interleaved>} : vector<32xbf16> -> vector<16xf32>
        %get3A_446 = arith.constant 5 : i32
        %get3A_447 = arith.index_cast %get3A_446 : i32 to index
        %get3A_448 = arith.constant 0 : index
        %get3A_449 = tpu.vector_load %arg14[%get3A_447, %get3A_448] {strides = array<i32>} : memref<20x64xf32, #tpu.memory_space<vmem>>, vector<16xf32>,
        %mul3A_450 = arith.mulf %unpack3A_444, %get3A_449 : vector<16xf32>
        %add3A_451 = arith.addf %add3A_432, %mul3A_450 : vector<16xf32>
        %get3A_452 = arith.constant 5 : i32
        %get3A_453 = arith.index_cast %get3A_452 : i32 to index
        %get3A_454 = arith.constant 16 : index
        %get3A_455 = tpu.vector_load %arg14[%get3A_453, %get3A_454] {strides = array<i32>} : memref<20x64xf32, #tpu.memory_space<vmem>>, vector<16xf32>,
        %mul3A_456 = arith.mulf %unpack3A_445, %get3A_455 : vector<16xf32>
        %add3A_457 = arith.addf %add3A_438, %mul3A_456 : vector<16xf32>
        %add3A_458 = arith.constant 6 : i32
        %add3A_459 = arith.addi %mul3A_336, %add3A_458 : i32
        %get3A_460 = arith.index_cast %add3A_459 : i32 to index
        %get3A_461 = arith.constant 0 : index
        %get3A_462 = tpu.vector_load %arg10[%get3A_460, %get3A_461] {strides = array<i32>} : memref<1600x64xbf16, #tpu.memory_space<vmem>>, vector<32xbf16>,
        %unpack3A_463 = tpu.unpack_subelements %get3A_462, 0 {pack_format = #tpu.pack_format<interleaved>} : vector<32xbf16> -> vector<16xf32>
        %unpack3A_464 = tpu.unpack_subelements %get3A_462, 1 {pack_format = #tpu.pack_format<interleaved>} : vector<32xbf16> -> vector<16xf32>
        %get3A_465 = arith.constant 6 : i32
        %get3A_466 = arith.index_cast %get3A_465 : i32 to index
        %get3A_467 = arith.constant 0 : index
        %get3A_468 = tpu.vector_load %arg14[%get3A_466, %get3A_467] {strides = array<i32>} : memref<20x64xf32, #tpu.memory_space<vmem>>, vector<16xf32>,
        %mul3A_469 = arith.mulf %unpack3A_463, %get3A_468 : vector<16xf32>
        %add3A_470 = arith.addf %add3A_451, %mul3A_469 : vector<16xf32>
        %get3A_471 = arith.constant 6 : i32
        %get3A_472 = arith.index_cast %get3A_471 : i32 to index
        %get3A_473 = arith.constant 16 : index
        %get3A_474 = tpu.vector_load %arg14[%get3A_472, %get3A_473] {strides = array<i32>} : memref<20x64xf32, #tpu.memory_space<vmem>>, vector<16xf32>,
        %mul3A_475 = arith.mulf %unpack3A_464, %get3A_474 : vector<16xf32>
        %add3A_476 = arith.addf %add3A_457, %mul3A_475 : vector<16xf32>
        %add3A_477 = arith.constant 7 : i32
        %add3A_478 = arith.addi %mul3A_336, %add3A_477 : i32
        %get3A_479 = arith.index_cast %add3A_478 : i32 to index
        %get3A_480 = arith.constant 0 : index
        %get3A_481 = tpu.vector_load %arg10[%get3A_479, %get3A_480] {strides = array<i32>} : memref<1600x64xbf16, #tpu.memory_space<vmem>>, vector<32xbf16>,
        %unpack3A_482 = tpu.unpack_subelements %get3A_481, 0 {pack_format = #tpu.pack_format<interleaved>} : vector<32xbf16> -> vector<16xf32>
        %unpack3A_483 = tpu.unpack_subelements %get3A_481, 1 {pack_format = #tpu.pack_format<interleaved>} : vector<32xbf16> -> vector<16xf32>
        %get3A_484 = arith.constant 7 : i32
        %get3A_485 = arith.index_cast %get3A_484 : i32 to index
        %get3A_486 = arith.constant 0 : index
        %get3A_487 = tpu.vector_load %arg14[%get3A_485, %get3A_486] {strides = array<i32>} : memref<20x64xf32, #tpu.memory_space<vmem>>, vector<16xf32>,
        %mul3A_488 = arith.mulf %unpack3A_482, %get3A_487 : vector<16xf32>
        %add3A_489 = arith.addf %add3A_470, %mul3A_488 : vector<16xf32>
        %get3A_490 = arith.constant 7 : i32
        %get3A_491 = arith.index_cast %get3A_490 : i32 to index
        %get3A_492 = arith.constant 16 : index
        %get3A_493 = tpu.vector_load %arg14[%get3A_491, %get3A_492] {strides = array<i32>} : memref<20x64xf32, #tpu.memory_space<vmem>>, vector<16xf32>,
        %mul3A_494 = arith.mulf %unpack3A_483, %get3A_493 : vector<16xf32>
        %add3A_495 = arith.addf %add3A_476, %mul3A_494 : vector<16xf32>
        %add3A_496 = arith.constant 8 : i32
        %add3A_497 = arith.addi %mul3A_336, %add3A_496 : i32
        %get3A_498 = arith.index_cast %add3A_497 : i32 to index
        %get3A_499 = arith.constant 0 : index
        %get3A_500 = tpu.vector_load %arg10[%get3A_498, %get3A_499] {strides = array<i32>} : memref<1600x64xbf16, #tpu.memory_space<vmem>>, vector<32xbf16>,
        %unpack3A_501 = tpu.unpack_subelements %get3A_500, 0 {pack_format = #tpu.pack_format<interleaved>} : vector<32xbf16> -> vector<16xf32>
        %unpack3A_502 = tpu.unpack_subelements %get3A_500, 1 {pack_format = #tpu.pack_format<interleaved>} : vector<32xbf16> -> vector<16xf32>
        %get3A_503 = arith.constant 8 : i32
        %get3A_504 = arith.index_cast %get3A_503 : i32 to index
        %get3A_505 = arith.constant 0 : index
        %get3A_506 = tpu.vector_load %arg14[%get3A_504, %get3A_505] {strides = array<i32>} : memref<20x64xf32, #tpu.memory_space<vmem>>, vector<16xf32>,
        %mul3A_507 = arith.mulf %unpack3A_501, %get3A_506 : vector<16xf32>
        %add3A_508 = arith.addf %add3A_489, %mul3A_507 : vector<16xf32>
        %get3A_509 = arith.constant 8 : i32
        %get3A_510 = arith.index_cast %get3A_509 : i32 to index
        %get3A_511 = arith.constant 16 : index
        %get3A_512 = tpu.vector_load %arg14[%get3A_510, %get3A_511] {strides = array<i32>} : memref<20x64xf32, #tpu.memory_space<vmem>>, vector<16xf32>,
        %mul3A_513 = arith.mulf %unpack3A_502, %get3A_512 : vector<16xf32>
        %add3A_514 = arith.addf %add3A_495, %mul3A_513 : vector<16xf32>
        %add3A_515 = arith.constant 9 : i32
        %add3A_516 = arith.addi %mul3A_336, %add3A_515 : i32
        %get3A_517 = arith.index_cast %add3A_516 : i32 to index
        %get3A_518 = arith.constant 0 : index
        %get3A_519 = tpu.vector_load %arg10[%get3A_517, %get3A_518] {strides = array<i32>} : memref<1600x64xbf16, #tpu.memory_space<vmem>>, vector<32xbf16>,
        %unpack3A_520 = tpu.unpack_subelements %get3A_519, 0 {pack_format = #tpu.pack_format<interleaved>} : vector<32xbf16> -> vector<16xf32>
        %unpack3A_521 = tpu.unpack_subelements %get3A_519, 1 {pack_format = #tpu.pack_format<interleaved>} : vector<32xbf16> -> vector<16xf32>
        %get3A_522 = arith.constant 9 : i32
        %get3A_523 = arith.index_cast %get3A_522 : i32 to index
        %get3A_524 = arith.constant 0 : index
        %get3A_525 = tpu.vector_load %arg14[%get3A_523, %get3A_524] {strides = array<i32>} : memref<20x64xf32, #tpu.memory_space<vmem>>, vector<16xf32>,
        %mul3A_526 = arith.mulf %unpack3A_520, %get3A_525 : vector<16xf32>
        %add3A_527 = arith.addf %add3A_508, %mul3A_526 : vector<16xf32>
        %get3A_528 = arith.constant 9 : i32
        %get3A_529 = arith.index_cast %get3A_528 : i32 to index
        %get3A_530 = arith.constant 16 : index
        %get3A_531 = tpu.vector_load %arg14[%get3A_529, %get3A_530] {strides = array<i32>} : memref<20x64xf32, #tpu.memory_space<vmem>>, vector<16xf32>,
        %mul3A_532 = arith.mulf %unpack3A_521, %get3A_531 : vector<16xf32>
        %add3A_533 = arith.addf %add3A_514, %mul3A_532 : vector<16xf32>
        %add3A_534 = arith.constant 10 : i32
        %add3A_535 = arith.addi %mul3A_336, %add3A_534 : i32
        %get3A_536 = arith.index_cast %add3A_535 : i32 to index
        %get3A_537 = arith.constant 0 : index
        %get3A_538 = tpu.vector_load %arg10[%get3A_536, %get3A_537] {strides = array<i32>} : memref<1600x64xbf16, #tpu.memory_space<vmem>>, vector<32xbf16>,
        %unpack3A_539 = tpu.unpack_subelements %get3A_538, 0 {pack_format = #tpu.pack_format<interleaved>} : vector<32xbf16> -> vector<16xf32>
        %unpack3A_540 = tpu.unpack_subelements %get3A_538, 1 {pack_format = #tpu.pack_format<interleaved>} : vector<32xbf16> -> vector<16xf32>
        %get3A_541 = arith.constant 10 : i32
        %get3A_542 = arith.index_cast %get3A_541 : i32 to index
        %get3A_543 = arith.constant 0 : index
        %get3A_544 = tpu.vector_load %arg14[%get3A_542, %get3A_543] {strides = array<i32>} : memref<20x64xf32, #tpu.memory_space<vmem>>, vector<16xf32>,
        %mul3A_545 = arith.mulf %unpack3A_539, %get3A_544 : vector<16xf32>
        %add3A_546 = arith.addf %add3A_527, %mul3A_545 : vector<16xf32>
        %get3A_547 = arith.constant 10 : i32
        %get3A_548 = arith.index_cast %get3A_547 : i32 to index
        %get3A_549 = arith.constant 16 : index
        %get3A_550 = tpu.vector_load %arg14[%get3A_548, %get3A_549] {strides = array<i32>} : memref<20x64xf32, #tpu.memory_space<vmem>>, vector<16xf32>,
        %mul3A_551 = arith.mulf %unpack3A_540, %get3A_550 : vector<16xf32>
        %add3A_552 = arith.addf %add3A_533, %mul3A_551 : vector<16xf32>
        %add3A_553 = arith.constant 11 : i32
        %add3A_554 = arith.addi %mul3A_336, %add3A_553 : i32
        %get3A_555 = arith.index_cast %add3A_554 : i32 to index
        %get3A_556 = arith.constant 0 : index
        %get3A_557 = tpu.vector_load %arg10[%get3A_555, %get3A_556] {strides = array<i32>} : memref<1600x64xbf16, #tpu.memory_space<vmem>>, vector<32xbf16>,
        %unpack3A_558 = tpu.unpack_subelements %get3A_557, 0 {pack_format = #tpu.pack_format<interleaved>} : vector<32xbf16> -> vector<16xf32>
        %unpack3A_559 = tpu.unpack_subelements %get3A_557, 1 {pack_format = #tpu.pack_format<interleaved>} : vector<32xbf16> -> vector<16xf32>
        %get3A_560 = arith.constant 11 : i32
        %get3A_561 = arith.index_cast %get3A_560 : i32 to index
        %get3A_562 = arith.constant 0 : index
        %get3A_563 = tpu.vector_load %arg14[%get3A_561, %get3A_562] {strides = array<i32>} : memref<20x64xf32, #tpu.memory_space<vmem>>, vector<16xf32>,
        %mul3A_564 = arith.mulf %unpack3A_558, %get3A_563 : vector<16xf32>
        %add3A_565 = arith.addf %add3A_546, %mul3A_564 : vector<16xf32>
        %get3A_566 = arith.constant 11 : i32
        %get3A_567 = arith.index_cast %get3A_566 : i32 to index
        %get3A_568 = arith.constant 16 : index
        %get3A_569 = tpu.vector_load %arg14[%get3A_567, %get3A_568] {strides = array<i32>} : memref<20x64xf32, #tpu.memory_space<vmem>>, vector<16xf32>,
        %mul3A_570 = arith.mulf %unpack3A_559, %get3A_569 : vector<16xf32>
        %add3A_571 = arith.addf %add3A_552, %mul3A_570 : vector<16xf32>
        %add3A_572 = arith.constant 12 : i32
        %add3A_573 = arith.addi %mul3A_336, %add3A_572 : i32
        %get3A_574 = arith.index_cast %add3A_573 : i32 to index
        %get3A_575 = arith.constant 0 : index
        %get3A_576 = tpu.vector_load %arg10[%get3A_574, %get3A_575] {strides = array<i32>} : memref<1600x64xbf16, #tpu.memory_space<vmem>>, vector<32xbf16>,
        %unpack3A_577 = tpu.unpack_subelements %get3A_576, 0 {pack_format = #tpu.pack_format<interleaved>} : vector<32xbf16> -> vector<16xf32>
        %unpack3A_578 = tpu.unpack_subelements %get3A_576, 1 {pack_format = #tpu.pack_format<interleaved>} : vector<32xbf16> -> vector<16xf32>
        %get3A_579 = arith.constant 12 : i32
        %get3A_580 = arith.index_cast %get3A_579 : i32 to index
        %get3A_581 = arith.constant 0 : index
        %get3A_582 = tpu.vector_load %arg14[%get3A_580, %get3A_581] {strides = array<i32>} : memref<20x64xf32, #tpu.memory_space<vmem>>, vector<16xf32>,
        %mul3A_583 = arith.mulf %unpack3A_577, %get3A_582 : vector<16xf32>
        %add3A_584 = arith.addf %add3A_565, %mul3A_583 : vector<16xf32>
        %get3A_585 = arith.constant 12 : i32
        %get3A_586 = arith.index_cast %get3A_585 : i32 to index
        %get3A_587 = arith.constant 16 : index
        %get3A_588 = tpu.vector_load %arg14[%get3A_586, %get3A_587] {strides = array<i32>} : memref<20x64xf32, #tpu.memory_space<vmem>>, vector<16xf32>,
        %mul3A_589 = arith.mulf %unpack3A_578, %get3A_588 : vector<16xf32>
        %add3A_590 = arith.addf %add3A_571, %mul3A_589 : vector<16xf32>
        %add3A_591 = arith.constant 13 : i32
        %add3A_592 = arith.addi %mul3A_336, %add3A_591 : i32
        %get3A_593 = arith.index_cast %add3A_592 : i32 to index
        %get3A_594 = arith.constant 0 : index
        %get3A_595 = tpu.vector_load %arg10[%get3A_593, %get3A_594] {strides = array<i32>} : memref<1600x64xbf16, #tpu.memory_space<vmem>>, vector<32xbf16>,
        %unpack3A_596 = tpu.unpack_subelements %get3A_595, 0 {pack_format = #tpu.pack_format<interleaved>} : vector<32xbf16> -> vector<16xf32>
        %unpack3A_597 = tpu.unpack_subelements %get3A_595, 1 {pack_format = #tpu.pack_format<interleaved>} : vector<32xbf16> -> vector<16xf32>
        %get3A_598 = arith.constant 13 : i32
        %get3A_599 = arith.index_cast %get3A_598 : i32 to index
        %get3A_600 = arith.constant 0 : index
        %get3A_601 = tpu.vector_load %arg14[%get3A_599, %get3A_600] {strides = array<i32>} : memref<20x64xf32, #tpu.memory_space<vmem>>, vector<16xf32>,
        %mul3A_602 = arith.mulf %unpack3A_596, %get3A_601 : vector<16xf32>
        %add3A_603 = arith.addf %add3A_584, %mul3A_602 : vector<16xf32>
        %get3A_604 = arith.constant 13 : i32
        %get3A_605 = arith.index_cast %get3A_604 : i32 to index
        %get3A_606 = arith.constant 16 : index
        %get3A_607 = tpu.vector_load %arg14[%get3A_605, %get3A_606] {strides = array<i32>} : memref<20x64xf32, #tpu.memory_space<vmem>>, vector<16xf32>,
        %mul3A_608 = arith.mulf %unpack3A_597, %get3A_607 : vector<16xf32>
        %add3A_609 = arith.addf %add3A_590, %mul3A_608 : vector<16xf32>
        %add3A_610 = arith.constant 14 : i32
        %add3A_611 = arith.addi %mul3A_336, %add3A_610 : i32
        %get3A_612 = arith.index_cast %add3A_611 : i32 to index
        %get3A_613 = arith.constant 0 : index
        %get3A_614 = tpu.vector_load %arg10[%get3A_612, %get3A_613] {strides = array<i32>} : memref<1600x64xbf16, #tpu.memory_space<vmem>>, vector<32xbf16>,
        %unpack3A_615 = tpu.unpack_subelements %get3A_614, 0 {pack_format = #tpu.pack_format<interleaved>} : vector<32xbf16> -> vector<16xf32>
        %unpack3A_616 = tpu.unpack_subelements %get3A_614, 1 {pack_format = #tpu.pack_format<interleaved>} : vector<32xbf16> -> vector<16xf32>
        %get3A_617 = arith.constant 14 : i32
        %get3A_618 = arith.index_cast %get3A_617 : i32 to index
        %get3A_619 = arith.constant 0 : index
        %get3A_620 = tpu.vector_load %arg14[%get3A_618, %get3A_619] {strides = array<i32>} : memref<20x64xf32, #tpu.memory_space<vmem>>, vector<16xf32>,
        %mul3A_621 = arith.mulf %unpack3A_615, %get3A_620 : vector<16xf32>
        %add3A_622 = arith.addf %add3A_603, %mul3A_621 : vector<16xf32>
        %get3A_623 = arith.constant 14 : i32
        %get3A_624 = arith.index_cast %get3A_623 : i32 to index
        %get3A_625 = arith.constant 16 : index
        %get3A_626 = tpu.vector_load %arg14[%get3A_624, %get3A_625] {strides = array<i32>} : memref<20x64xf32, #tpu.memory_space<vmem>>, vector<16xf32>,
        %mul3A_627 = arith.mulf %unpack3A_616, %get3A_626 : vector<16xf32>
        %add3A_628 = arith.addf %add3A_609, %mul3A_627 : vector<16xf32>
        %add3A_629 = arith.constant 15 : i32
        %add3A_630 = arith.addi %mul3A_336, %add3A_629 : i32
        %get3A_631 = arith.index_cast %add3A_630 : i32 to index
        %get3A_632 = arith.constant 0 : index
        %get3A_633 = tpu.vector_load %arg10[%get3A_631, %get3A_632] {strides = array<i32>} : memref<1600x64xbf16, #tpu.memory_space<vmem>>, vector<32xbf16>,
        %unpack3A_634 = tpu.unpack_subelements %get3A_633, 0 {pack_format = #tpu.pack_format<interleaved>} : vector<32xbf16> -> vector<16xf32>
        %unpack3A_635 = tpu.unpack_subelements %get3A_633, 1 {pack_format = #tpu.pack_format<interleaved>} : vector<32xbf16> -> vector<16xf32>
        %get3A_636 = arith.constant 15 : i32
        %get3A_637 = arith.index_cast %get3A_636 : i32 to index
        %get3A_638 = arith.constant 0 : index
        %get3A_639 = tpu.vector_load %arg14[%get3A_637, %get3A_638] {strides = array<i32>} : memref<20x64xf32, #tpu.memory_space<vmem>>, vector<16xf32>,
        %mul3A_640 = arith.mulf %unpack3A_634, %get3A_639 : vector<16xf32>
        %add3A_641 = arith.addf %add3A_622, %mul3A_640 : vector<16xf32>
        %get3A_642 = arith.constant 15 : i32
        %get3A_643 = arith.index_cast %get3A_642 : i32 to index
        %get3A_644 = arith.constant 16 : index
        %get3A_645 = tpu.vector_load %arg14[%get3A_643, %get3A_644] {strides = array<i32>} : memref<20x64xf32, #tpu.memory_space<vmem>>, vector<16xf32>,
        %mul3A_646 = arith.mulf %unpack3A_635, %get3A_645 : vector<16xf32>
        %add3A_647 = arith.addf %add3A_628, %mul3A_646 : vector<16xf32>
        %add3A_648 = arith.constant 16 : i32
        %add3A_649 = arith.addi %mul3A_336, %add3A_648 : i32
        %get3A_650 = arith.index_cast %add3A_649 : i32 to index
        %get3A_651 = arith.constant 0 : index
        %get3A_652 = tpu.vector_load %arg10[%get3A_650, %get3A_651] {strides = array<i32>} : memref<1600x64xbf16, #tpu.memory_space<vmem>>, vector<32xbf16>,
        %unpack3A_653 = tpu.unpack_subelements %get3A_652, 0 {pack_format = #tpu.pack_format<interleaved>} : vector<32xbf16> -> vector<16xf32>
        %unpack3A_654 = tpu.unpack_subelements %get3A_652, 1 {pack_format = #tpu.pack_format<interleaved>} : vector<32xbf16> -> vector<16xf32>
        %get3A_655 = arith.constant 16 : i32
        %get3A_656 = arith.index_cast %get3A_655 : i32 to index
        %get3A_657 = arith.constant 0 : index
        %get3A_658 = tpu.vector_load %arg14[%get3A_656, %get3A_657] {strides = array<i32>} : memref<20x64xf32, #tpu.memory_space<vmem>>, vector<16xf32>,
        %mul3A_659 = arith.mulf %unpack3A_653, %get3A_658 : vector<16xf32>
        %add3A_660 = arith.addf %add3A_641, %mul3A_659 : vector<16xf32>
        %get3A_661 = arith.constant 16 : i32
        %get3A_662 = arith.index_cast %get3A_661 : i32 to index
        %get3A_663 = arith.constant 16 : index
        %get3A_664 = tpu.vector_load %arg14[%get3A_662, %get3A_663] {strides = array<i32>} : memref<20x64xf32, #tpu.memory_space<vmem>>, vector<16xf32>,
        %mul3A_665 = arith.mulf %unpack3A_654, %get3A_664 : vector<16xf32>
        %add3A_666 = arith.addf %add3A_647, %mul3A_665 : vector<16xf32>
        %add3A_667 = arith.constant 17 : i32
        %add3A_668 = arith.addi %mul3A_336, %add3A_667 : i32
        %get3A_669 = arith.index_cast %add3A_668 : i32 to index
        %get3A_670 = arith.constant 0 : index
        %get3A_671 = tpu.vector_load %arg10[%get3A_669, %get3A_670] {strides = array<i32>} : memref<1600x64xbf16, #tpu.memory_space<vmem>>, vector<32xbf16>,
        %unpack3A_672 = tpu.unpack_subelements %get3A_671, 0 {pack_format = #tpu.pack_format<interleaved>} : vector<32xbf16> -> vector<16xf32>
        %unpack3A_673 = tpu.unpack_subelements %get3A_671, 1 {pack_format = #tpu.pack_format<interleaved>} : vector<32xbf16> -> vector<16xf32>
        %get3A_674 = arith.constant 17 : i32
        %get3A_675 = arith.index_cast %get3A_674 : i32 to index
        %get3A_676 = arith.constant 0 : index
        %get3A_677 = tpu.vector_load %arg14[%get3A_675, %get3A_676] {strides = array<i32>} : memref<20x64xf32, #tpu.memory_space<vmem>>, vector<16xf32>,
        %mul3A_678 = arith.mulf %unpack3A_672, %get3A_677 : vector<16xf32>
        %add3A_679 = arith.addf %add3A_660, %mul3A_678 : vector<16xf32>
        %get3A_680 = arith.constant 17 : i32
        %get3A_681 = arith.index_cast %get3A_680 : i32 to index
        %get3A_682 = arith.constant 16 : index
        %get3A_683 = tpu.vector_load %arg14[%get3A_681, %get3A_682] {strides = array<i32>} : memref<20x64xf32, #tpu.memory_space<vmem>>, vector<16xf32>,
        %mul3A_684 = arith.mulf %unpack3A_673, %get3A_683 : vector<16xf32>
        %add3A_685 = arith.addf %add3A_666, %mul3A_684 : vector<16xf32>
        %add3A_686 = arith.constant 18 : i32
        %add3A_687 = arith.addi %mul3A_336, %add3A_686 : i32
        %get3A_688 = arith.index_cast %add3A_687 : i32 to index
        %get3A_689 = arith.constant 0 : index
        %get3A_690 = tpu.vector_load %arg10[%get3A_688, %get3A_689] {strides = array<i32>} : memref<1600x64xbf16, #tpu.memory_space<vmem>>, vector<32xbf16>,
        %unpack3A_691 = tpu.unpack_subelements %get3A_690, 0 {pack_format = #tpu.pack_format<interleaved>} : vector<32xbf16> -> vector<16xf32>
        %unpack3A_692 = tpu.unpack_subelements %get3A_690, 1 {pack_format = #tpu.pack_format<interleaved>} : vector<32xbf16> -> vector<16xf32>
        %get3A_693 = arith.constant 18 : i32
        %get3A_694 = arith.index_cast %get3A_693 : i32 to index
        %get3A_695 = arith.constant 0 : index
        %get3A_696 = tpu.vector_load %arg14[%get3A_694, %get3A_695] {strides = array<i32>} : memref<20x64xf32, #tpu.memory_space<vmem>>, vector<16xf32>,
        %mul3A_697 = arith.mulf %unpack3A_691, %get3A_696 : vector<16xf32>
        %add3A_698 = arith.addf %add3A_679, %mul3A_697 : vector<16xf32>
        %get3A_699 = arith.constant 18 : i32
        %get3A_700 = arith.index_cast %get3A_699 : i32 to index
        %get3A_701 = arith.constant 16 : index
        %get3A_702 = tpu.vector_load %arg14[%get3A_700, %get3A_701] {strides = array<i32>} : memref<20x64xf32, #tpu.memory_space<vmem>>, vector<16xf32>,
        %mul3A_703 = arith.mulf %unpack3A_692, %get3A_702 : vector<16xf32>
        %add3A_704 = arith.addf %add3A_685, %mul3A_703 : vector<16xf32>
        %add3A_705 = arith.constant 19 : i32
        %add3A_706 = arith.addi %mul3A_336, %add3A_705 : i32
        %get3A_707 = arith.index_cast %add3A_706 : i32 to index
        %get3A_708 = arith.constant 0 : index
        %get3A_709 = tpu.vector_load %arg10[%get3A_707, %get3A_708] {strides = array<i32>} : memref<1600x64xbf16, #tpu.memory_space<vmem>>, vector<32xbf16>,
        %unpack3A_710 = tpu.unpack_subelements %get3A_709, 0 {pack_format = #tpu.pack_format<interleaved>} : vector<32xbf16> -> vector<16xf32>
        %unpack3A_711 = tpu.unpack_subelements %get3A_709, 1 {pack_format = #tpu.pack_format<interleaved>} : vector<32xbf16> -> vector<16xf32>
        %get3A_712 = arith.constant 19 : i32
        %get3A_713 = arith.index_cast %get3A_712 : i32 to index
        %get3A_714 = arith.constant 0 : index
        %get3A_715 = tpu.vector_load %arg14[%get3A_713, %get3A_714] {strides = array<i32>} : memref<20x64xf32, #tpu.memory_space<vmem>>, vector<16xf32>,
        %mul3A_716 = arith.mulf %unpack3A_710, %get3A_715 : vector<16xf32>
        %add3A_717 = arith.addf %add3A_698, %mul3A_716 : vector<16xf32>
        %get3A_718 = arith.constant 19 : i32
        %get3A_719 = arith.index_cast %get3A_718 : i32 to index
        %get3A_720 = arith.constant 16 : index
        %get3A_721 = tpu.vector_load %arg14[%get3A_719, %get3A_720] {strides = array<i32>} : memref<20x64xf32, #tpu.memory_space<vmem>>, vector<16xf32>,
        %mul3A_722 = arith.mulf %unpack3A_711, %get3A_721 : vector<16xf32>
        %add3A_723 = arith.addf %add3A_704, %mul3A_722 : vector<16xf32>
        %iota3A = tpu.iota {dimensions = array<i32: 0>} : vector<16xi32>
        %mul3A_724 = arith.constant 2 : i32
        %mul3A_725 = vector.broadcast %mul3A_724 : i32 to vector<16xi32>
        %mul3A_726 = arith.muli %iota3A, %mul3A_725 : vector<16xi32>
        %add3A_727 = arith.constant 0 : i32
        %add3A_728 = vector.broadcast %add3A_727 : i32 to vector<16xi32>
        %add3A_729 = arith.addi %mul3A_726, %add3A_728 : vector<16xi32>
        tpu.vector_store_idx %arg12[%broadcast_in_dim3A, %add3A_729], %add3A_717 : memref<80x64xf32, #tpu.memory_space<vmem>>[vector<16xi32>, vector<16xi32>], vector<16xf32>,
        %add3A_730 = arith.constant 1 : i32
        %add3A_731 = vector.broadcast %add3A_730 : i32 to vector<16xi32>
        %add3A_732 = arith.addi %add3A_729, %add3A_731 : vector<16xi32>
        tpu.vector_store_idx %arg12[%broadcast_in_dim3A, %add3A_732], %add3A_723 : memref<80x64xf32, #tpu.memory_space<vmem>>[vector<16xi32>, vector<16xi32>], vector<16xf32>,
        %get3A_733 = arith.index_cast %rem3A_339 : i32 to index
        %get3A_734 = arith.constant 32 : index
        %get3A_735 = tpu.vector_load %arg13[%get3A_733, %get3A_734] {strides = array<i32>} : memref<50x64xf32, #tpu.memory_space<vmem>>, vector<16xf32>,
        %get3A_736 = arith.index_cast %rem3A_339 : i32 to index
        %get3A_737 = arith.constant 48 : index
        %get3A_738 = tpu.vector_load %arg13[%get3A_736, %get3A_737] {strides = array<i32>} : memref<50x64xf32, #tpu.memory_space<vmem>>, vector<16xf32>,
        %add3A_739 = arith.constant 0 : i32
        %add3A_740 = arith.addi %mul3A_336, %add3A_739 : i32
        %get3A_741 = arith.index_cast %add3A_740 : i32 to index
        %get3A_742 = arith.constant 32 : index
        %get3A_743 = tpu.vector_load %arg10[%get3A_741, %get3A_742] {strides = array<i32>} : memref<1600x64xbf16, #tpu.memory_space<vmem>>, vector<32xbf16>,
        %unpack3A_744 = tpu.unpack_subelements %get3A_743, 0 {pack_format = #tpu.pack_format<interleaved>} : vector<32xbf16> -> vector<16xf32>
        %unpack3A_745 = tpu.unpack_subelements %get3A_743, 1 {pack_format = #tpu.pack_format<interleaved>} : vector<32xbf16> -> vector<16xf32>
        %get3A_746 = arith.constant 0 : i32
        %get3A_747 = arith.index_cast %get3A_746 : i32 to index
        %get3A_748 = arith.constant 32 : index
        %get3A_749 = tpu.vector_load %arg14[%get3A_747, %get3A_748] {strides = array<i32>} : memref<20x64xf32, #tpu.memory_space<vmem>>, vector<16xf32>,
        %mul3A_750 = arith.mulf %unpack3A_744, %get3A_749 : vector<16xf32>
        %add3A_751 = arith.addf %get3A_735, %mul3A_750 : vector<16xf32>
        %get3A_752 = arith.constant 0 : i32
        %get3A_753 = arith.index_cast %get3A_752 : i32 to index
        %get3A_754 = arith.constant 48 : index
        %get3A_755 = tpu.vector_load %arg14[%get3A_753, %get3A_754] {strides = array<i32>} : memref<20x64xf32, #tpu.memory_space<vmem>>, vector<16xf32>,
        %mul3A_756 = arith.mulf %unpack3A_745, %get3A_755 : vector<16xf32>
        %add3A_757 = arith.addf %get3A_738, %mul3A_756 : vector<16xf32>
        %add3A_758 = arith.constant 1 : i32
        %add3A_759 = arith.addi %mul3A_336, %add3A_758 : i32
        %get3A_760 = arith.index_cast %add3A_759 : i32 to index
        %get3A_761 = arith.constant 32 : index
        %get3A_762 = tpu.vector_load %arg10[%get3A_760, %get3A_761] {strides = array<i32>} : memref<1600x64xbf16, #tpu.memory_space<vmem>>, vector<32xbf16>,
        %unpack3A_763 = tpu.unpack_subelements %get3A_762, 0 {pack_format = #tpu.pack_format<interleaved>} : vector<32xbf16> -> vector<16xf32>
        %unpack3A_764 = tpu.unpack_subelements %get3A_762, 1 {pack_format = #tpu.pack_format<interleaved>} : vector<32xbf16> -> vector<16xf32>
        %get3A_765 = arith.constant 1 : i32
        %get3A_766 = arith.index_cast %get3A_765 : i32 to index
        %get3A_767 = arith.constant 32 : index
        %get3A_768 = tpu.vector_load %arg14[%get3A_766, %get3A_767] {strides = array<i32>} : memref<20x64xf32, #tpu.memory_space<vmem>>, vector<16xf32>,
        %mul3A_769 = arith.mulf %unpack3A_763, %get3A_768 : vector<16xf32>
        %add3A_770 = arith.addf %add3A_751, %mul3A_769 : vector<16xf32>
        %get3A_771 = arith.constant 1 : i32
        %get3A_772 = arith.index_cast %get3A_771 : i32 to index
        %get3A_773 = arith.constant 48 : index
        %get3A_774 = tpu.vector_load %arg14[%get3A_772, %get3A_773] {strides = array<i32>} : memref<20x64xf32, #tpu.memory_space<vmem>>, vector<16xf32>,
        %mul3A_775 = arith.mulf %unpack3A_764, %get3A_774 : vector<16xf32>
        %add3A_776 = arith.addf %add3A_757, %mul3A_775 : vector<16xf32>
        %add3A_777 = arith.constant 2 : i32
        %add3A_778 = arith.addi %mul3A_336, %add3A_777 : i32
        %get3A_779 = arith.index_cast %add3A_778 : i32 to index
        %get3A_780 = arith.constant 32 : index
        %get3A_781 = tpu.vector_load %arg10[%get3A_779, %get3A_780] {strides = array<i32>} : memref<1600x64xbf16, #tpu.memory_space<vmem>>, vector<32xbf16>,
        %unpack3A_782 = tpu.unpack_subelements %get3A_781, 0 {pack_format = #tpu.pack_format<interleaved>} : vector<32xbf16> -> vector<16xf32>
        %unpack3A_783 = tpu.unpack_subelements %get3A_781, 1 {pack_format = #tpu.pack_format<interleaved>} : vector<32xbf16> -> vector<16xf32>
        %get3A_784 = arith.constant 2 : i32
        %get3A_785 = arith.index_cast %get3A_784 : i32 to index
        %get3A_786 = arith.constant 32 : index
        %get3A_787 = tpu.vector_load %arg14[%get3A_785, %get3A_786] {strides = array<i32>} : memref<20x64xf32, #tpu.memory_space<vmem>>, vector<16xf32>,
        %mul3A_788 = arith.mulf %unpack3A_782, %get3A_787 : vector<16xf32>
        %add3A_789 = arith.addf %add3A_770, %mul3A_788 : vector<16xf32>
        %get3A_790 = arith.constant 2 : i32
        %get3A_791 = arith.index_cast %get3A_790 : i32 to index
        %get3A_792 = arith.constant 48 : index
        %get3A_793 = tpu.vector_load %arg14[%get3A_791, %get3A_792] {strides = array<i32>} : memref<20x64xf32, #tpu.memory_space<vmem>>, vector<16xf32>,
        %mul3A_794 = arith.mulf %unpack3A_783, %get3A_793 : vector<16xf32>
        %add3A_795 = arith.addf %add3A_776, %mul3A_794 : vector<16xf32>
        %add3A_796 = arith.constant 3 : i32
        %add3A_797 = arith.addi %mul3A_336, %add3A_796 : i32
        %get3A_798 = arith.index_cast %add3A_797 : i32 to index
        %get3A_799 = arith.constant 32 : index
        %get3A_800 = tpu.vector_load %arg10[%get3A_798, %get3A_799] {strides = array<i32>} : memref<1600x64xbf16, #tpu.memory_space<vmem>>, vector<32xbf16>,
        %unpack3A_801 = tpu.unpack_subelements %get3A_800, 0 {pack_format = #tpu.pack_format<interleaved>} : vector<32xbf16> -> vector<16xf32>
        %unpack3A_802 = tpu.unpack_subelements %get3A_800, 1 {pack_format = #tpu.pack_format<interleaved>} : vector<32xbf16> -> vector<16xf32>
        %get3A_803 = arith.constant 3 : i32
        %get3A_804 = arith.index_cast %get3A_803 : i32 to index
        %get3A_805 = arith.constant 32 : index
        %get3A_806 = tpu.vector_load %arg14[%get3A_804, %get3A_805] {strides = array<i32>} : memref<20x64xf32, #tpu.memory_space<vmem>>, vector<16xf32>,
        %mul3A_807 = arith.mulf %unpack3A_801, %get3A_806 : vector<16xf32>
        %add3A_808 = arith.addf %add3A_789, %mul3A_807 : vector<16xf32>
        %get3A_809 = arith.constant 3 : i32
        %get3A_810 = arith.index_cast %get3A_809 : i32 to index
        %get3A_811 = arith.constant 48 : index
        %get3A_812 = tpu.vector_load %arg14[%get3A_810, %get3A_811] {strides = array<i32>} : memref<20x64xf32, #tpu.memory_space<vmem>>, vector<16xf32>,
        %mul3A_813 = arith.mulf %unpack3A_802, %get3A_812 : vector<16xf32>
        %add3A_814 = arith.addf %add3A_795, %mul3A_813 : vector<16xf32>
        %add3A_815 = arith.constant 4 : i32
        %add3A_816 = arith.addi %mul3A_336, %add3A_815 : i32
        %get3A_817 = arith.index_cast %add3A_816 : i32 to index
        %get3A_818 = arith.constant 32 : index
        %get3A_819 = tpu.vector_load %arg10[%get3A_817, %get3A_818] {strides = array<i32>} : memref<1600x64xbf16, #tpu.memory_space<vmem>>, vector<32xbf16>,
        %unpack3A_820 = tpu.unpack_subelements %get3A_819, 0 {pack_format = #tpu.pack_format<interleaved>} : vector<32xbf16> -> vector<16xf32>
        %unpack3A_821 = tpu.unpack_subelements %get3A_819, 1 {pack_format = #tpu.pack_format<interleaved>} : vector<32xbf16> -> vector<16xf32>
        %get3A_822 = arith.constant 4 : i32
        %get3A_823 = arith.index_cast %get3A_822 : i32 to index
        %get3A_824 = arith.constant 32 : index
        %get3A_825 = tpu.vector_load %arg14[%get3A_823, %get3A_824] {strides = array<i32>} : memref<20x64xf32, #tpu.memory_space<vmem>>, vector<16xf32>,
        %mul3A_826 = arith.mulf %unpack3A_820, %get3A_825 : vector<16xf32>
        %add3A_827 = arith.addf %add3A_808, %mul3A_826 : vector<16xf32>
        %get3A_828 = arith.constant 4 : i32
        %get3A_829 = arith.index_cast %get3A_828 : i32 to index
        %get3A_830 = arith.constant 48 : index
        %get3A_831 = tpu.vector_load %arg14[%get3A_829, %get3A_830] {strides = array<i32>} : memref<20x64xf32, #tpu.memory_space<vmem>>, vector<16xf32>,
        %mul3A_832 = arith.mulf %unpack3A_821, %get3A_831 : vector<16xf32>
        %add3A_833 = arith.addf %add3A_814, %mul3A_832 : vector<16xf32>
        %add3A_834 = arith.constant 5 : i32
        %add3A_835 = arith.addi %mul3A_336, %add3A_834 : i32
        %get3A_836 = arith.index_cast %add3A_835 : i32 to index
        %get3A_837 = arith.constant 32 : index
        %get3A_838 = tpu.vector_load %arg10[%get3A_836, %get3A_837] {strides = array<i32>} : memref<1600x64xbf16, #tpu.memory_space<vmem>>, vector<32xbf16>,
        %unpack3A_839 = tpu.unpack_subelements %get3A_838, 0 {pack_format = #tpu.pack_format<interleaved>} : vector<32xbf16> -> vector<16xf32>
        %unpack3A_840 = tpu.unpack_subelements %get3A_838, 1 {pack_format = #tpu.pack_format<interleaved>} : vector<32xbf16> -> vector<16xf32>
        %get3A_841 = arith.constant 5 : i32
        %get3A_842 = arith.index_cast %get3A_841 : i32 to index
        %get3A_843 = arith.constant 32 : index
        %get3A_844 = tpu.vector_load %arg14[%get3A_842, %get3A_843] {strides = array<i32>} : memref<20x64xf32, #tpu.memory_space<vmem>>, vector<16xf32>,
        %mul3A_845 = arith.mulf %unpack3A_839, %get3A_844 : vector<16xf32>
        %add3A_846 = arith.addf %add3A_827, %mul3A_845 : vector<16xf32>
        %get3A_847 = arith.constant 5 : i32
        %get3A_848 = arith.index_cast %get3A_847 : i32 to index
        %get3A_849 = arith.constant 48 : index
        %get3A_850 = tpu.vector_load %arg14[%get3A_848, %get3A_849] {strides = array<i32>} : memref<20x64xf32, #tpu.memory_space<vmem>>, vector<16xf32>,
        %mul3A_851 = arith.mulf %unpack3A_840, %get3A_850 : vector<16xf32>
        %add3A_852 = arith.addf %add3A_833, %mul3A_851 : vector<16xf32>
        %add3A_853 = arith.constant 6 : i32
        %add3A_854 = arith.addi %mul3A_336, %add3A_853 : i32
        %get3A_855 = arith.index_cast %add3A_854 : i32 to index
        %get3A_856 = arith.constant 32 : index
        %get3A_857 = tpu.vector_load %arg10[%get3A_855, %get3A_856] {strides = array<i32>} : memref<1600x64xbf16, #tpu.memory_space<vmem>>, vector<32xbf16>,
        %unpack3A_858 = tpu.unpack_subelements %get3A_857, 0 {pack_format = #tpu.pack_format<interleaved>} : vector<32xbf16> -> vector<16xf32>
        %unpack3A_859 = tpu.unpack_subelements %get3A_857, 1 {pack_format = #tpu.pack_format<interleaved>} : vector<32xbf16> -> vector<16xf32>
        %get3A_860 = arith.constant 6 : i32
        %get3A_861 = arith.index_cast %get3A_860 : i32 to index
        %get3A_862 = arith.constant 32 : index
        %get3A_863 = tpu.vector_load %arg14[%get3A_861, %get3A_862] {strides = array<i32>} : memref<20x64xf32, #tpu.memory_space<vmem>>, vector<16xf32>,
        %mul3A_864 = arith.mulf %unpack3A_858, %get3A_863 : vector<16xf32>
        %add3A_865 = arith.addf %add3A_846, %mul3A_864 : vector<16xf32>
        %get3A_866 = arith.constant 6 : i32
        %get3A_867 = arith.index_cast %get3A_866 : i32 to index
        %get3A_868 = arith.constant 48 : index
        %get3A_869 = tpu.vector_load %arg14[%get3A_867, %get3A_868] {strides = array<i32>} : memref<20x64xf32, #tpu.memory_space<vmem>>, vector<16xf32>,
        %mul3A_870 = arith.mulf %unpack3A_859, %get3A_869 : vector<16xf32>
        %add3A_871 = arith.addf %add3A_852, %mul3A_870 : vector<16xf32>
        %add3A_872 = arith.constant 7 : i32
        %add3A_873 = arith.addi %mul3A_336, %add3A_872 : i32
        %get3A_874 = arith.index_cast %add3A_873 : i32 to index
        %get3A_875 = arith.constant 32 : index
        %get3A_876 = tpu.vector_load %arg10[%get3A_874, %get3A_875] {strides = array<i32>} : memref<1600x64xbf16, #tpu.memory_space<vmem>>, vector<32xbf16>,
        %unpack3A_877 = tpu.unpack_subelements %get3A_876, 0 {pack_format = #tpu.pack_format<interleaved>} : vector<32xbf16> -> vector<16xf32>
        %unpack3A_878 = tpu.unpack_subelements %get3A_876, 1 {pack_format = #tpu.pack_format<interleaved>} : vector<32xbf16> -> vector<16xf32>
        %get3A_879 = arith.constant 7 : i32
        %get3A_880 = arith.index_cast %get3A_879 : i32 to index
        %get3A_881 = arith.constant 32 : index
        %get3A_882 = tpu.vector_load %arg14[%get3A_880, %get3A_881] {strides = array<i32>} : memref<20x64xf32, #tpu.memory_space<vmem>>, vector<16xf32>,
        %mul3A_883 = arith.mulf %unpack3A_877, %get3A_882 : vector<16xf32>
        %add3A_884 = arith.addf %add3A_865, %mul3A_883 : vector<16xf32>
        %get3A_885 = arith.constant 7 : i32
        %get3A_886 = arith.index_cast %get3A_885 : i32 to index
        %get3A_887 = arith.constant 48 : index
        %get3A_888 = tpu.vector_load %arg14[%get3A_886, %get3A_887] {strides = array<i32>} : memref<20x64xf32, #tpu.memory_space<vmem>>, vector<16xf32>,
        %mul3A_889 = arith.mulf %unpack3A_878, %get3A_888 : vector<16xf32>
        %add3A_890 = arith.addf %add3A_871, %mul3A_889 : vector<16xf32>
        %add3A_891 = arith.constant 8 : i32
        %add3A_892 = arith.addi %mul3A_336, %add3A_891 : i32
        %get3A_893 = arith.index_cast %add3A_892 : i32 to index
        %get3A_894 = arith.constant 32 : index
        %get3A_895 = tpu.vector_load %arg10[%get3A_893, %get3A_894] {strides = array<i32>} : memref<1600x64xbf16, #tpu.memory_space<vmem>>, vector<32xbf16>,
        %unpack3A_896 = tpu.unpack_subelements %get3A_895, 0 {pack_format = #tpu.pack_format<interleaved>} : vector<32xbf16> -> vector<16xf32>
        %unpack3A_897 = tpu.unpack_subelements %get3A_895, 1 {pack_format = #tpu.pack_format<interleaved>} : vector<32xbf16> -> vector<16xf32>
        %get3A_898 = arith.constant 8 : i32
        %get3A_899 = arith.index_cast %get3A_898 : i32 to index
        %get3A_900 = arith.constant 32 : index
        %get3A_901 = tpu.vector_load %arg14[%get3A_899, %get3A_900] {strides = array<i32>} : memref<20x64xf32, #tpu.memory_space<vmem>>, vector<16xf32>,
        %mul3A_902 = arith.mulf %unpack3A_896, %get3A_901 : vector<16xf32>
        %add3A_903 = arith.addf %add3A_884, %mul3A_902 : vector<16xf32>
        %get3A_904 = arith.constant 8 : i32
        %get3A_905 = arith.index_cast %get3A_904 : i32 to index
        %get3A_906 = arith.constant 48 : index
        %get3A_907 = tpu.vector_load %arg14[%get3A_905, %get3A_906] {strides = array<i32>} : memref<20x64xf32, #tpu.memory_space<vmem>>, vector<16xf32>,
        %mul3A_908 = arith.mulf %unpack3A_897, %get3A_907 : vector<16xf32>
        %add3A_909 = arith.addf %add3A_890, %mul3A_908 : vector<16xf32>
        %add3A_910 = arith.constant 9 : i32
        %add3A_911 = arith.addi %mul3A_336, %add3A_910 : i32
        %get3A_912 = arith.index_cast %add3A_911 : i32 to index
        %get3A_913 = arith.constant 32 : index
        %get3A_914 = tpu.vector_load %arg10[%get3A_912, %get3A_913] {strides = array<i32>} : memref<1600x64xbf16, #tpu.memory_space<vmem>>, vector<32xbf16>,
        %unpack3A_915 = tpu.unpack_subelements %get3A_914, 0 {pack_format = #tpu.pack_format<interleaved>} : vector<32xbf16> -> vector<16xf32>
        %unpack3A_916 = tpu.unpack_subelements %get3A_914, 1 {pack_format = #tpu.pack_format<interleaved>} : vector<32xbf16> -> vector<16xf32>
        %get3A_917 = arith.constant 9 : i32
        %get3A_918 = arith.index_cast %get3A_917 : i32 to index
        %get3A_919 = arith.constant 32 : index
        %get3A_920 = tpu.vector_load %arg14[%get3A_918, %get3A_919] {strides = array<i32>} : memref<20x64xf32, #tpu.memory_space<vmem>>, vector<16xf32>,
        %mul3A_921 = arith.mulf %unpack3A_915, %get3A_920 : vector<16xf32>
        %add3A_922 = arith.addf %add3A_903, %mul3A_921 : vector<16xf32>
        %get3A_923 = arith.constant 9 : i32
        %get3A_924 = arith.index_cast %get3A_923 : i32 to index
        %get3A_925 = arith.constant 48 : index
        %get3A_926 = tpu.vector_load %arg14[%get3A_924, %get3A_925] {strides = array<i32>} : memref<20x64xf32, #tpu.memory_space<vmem>>, vector<16xf32>,
        %mul3A_927 = arith.mulf %unpack3A_916, %get3A_926 : vector<16xf32>
        %add3A_928 = arith.addf %add3A_909, %mul3A_927 : vector<16xf32>
        %add3A_929 = arith.constant 10 : i32
        %add3A_930 = arith.addi %mul3A_336, %add3A_929 : i32
        %get3A_931 = arith.index_cast %add3A_930 : i32 to index
        %get3A_932 = arith.constant 32 : index
        %get3A_933 = tpu.vector_load %arg10[%get3A_931, %get3A_932] {strides = array<i32>} : memref<1600x64xbf16, #tpu.memory_space<vmem>>, vector<32xbf16>,
        %unpack3A_934 = tpu.unpack_subelements %get3A_933, 0 {pack_format = #tpu.pack_format<interleaved>} : vector<32xbf16> -> vector<16xf32>
        %unpack3A_935 = tpu.unpack_subelements %get3A_933, 1 {pack_format = #tpu.pack_format<interleaved>} : vector<32xbf16> -> vector<16xf32>
        %get3A_936 = arith.constant 10 : i32
        %get3A_937 = arith.index_cast %get3A_936 : i32 to index
        %get3A_938 = arith.constant 32 : index
        %get3A_939 = tpu.vector_load %arg14[%get3A_937, %get3A_938] {strides = array<i32>} : memref<20x64xf32, #tpu.memory_space<vmem>>, vector<16xf32>,
        %mul3A_940 = arith.mulf %unpack3A_934, %get3A_939 : vector<16xf32>
        %add3A_941 = arith.addf %add3A_922, %mul3A_940 : vector<16xf32>
        %get3A_942 = arith.constant 10 : i32
        %get3A_943 = arith.index_cast %get3A_942 : i32 to index
        %get3A_944 = arith.constant 48 : index
        %get3A_945 = tpu.vector_load %arg14[%get3A_943, %get3A_944] {strides = array<i32>} : memref<20x64xf32, #tpu.memory_space<vmem>>, vector<16xf32>,
        %mul3A_946 = arith.mulf %unpack3A_935, %get3A_945 : vector<16xf32>
        %add3A_947 = arith.addf %add3A_928, %mul3A_946 : vector<16xf32>
        %add3A_948 = arith.constant 11 : i32
        %add3A_949 = arith.addi %mul3A_336, %add3A_948 : i32
        %get3A_950 = arith.index_cast %add3A_949 : i32 to index
        %get3A_951 = arith.constant 32 : index
        %get3A_952 = tpu.vector_load %arg10[%get3A_950, %get3A_951] {strides = array<i32>} : memref<1600x64xbf16, #tpu.memory_space<vmem>>, vector<32xbf16>,
        %unpack3A_953 = tpu.unpack_subelements %get3A_952, 0 {pack_format = #tpu.pack_format<interleaved>} : vector<32xbf16> -> vector<16xf32>
        %unpack3A_954 = tpu.unpack_subelements %get3A_952, 1 {pack_format = #tpu.pack_format<interleaved>} : vector<32xbf16> -> vector<16xf32>
        %get3A_955 = arith.constant 11 : i32
        %get3A_956 = arith.index_cast %get3A_955 : i32 to index
        %get3A_957 = arith.constant 32 : index
        %get3A_958 = tpu.vector_load %arg14[%get3A_956, %get3A_957] {strides = array<i32>} : memref<20x64xf32, #tpu.memory_space<vmem>>, vector<16xf32>,
        %mul3A_959 = arith.mulf %unpack3A_953, %get3A_958 : vector<16xf32>
        %add3A_960 = arith.addf %add3A_941, %mul3A_959 : vector<16xf32>
        %get3A_961 = arith.constant 11 : i32
        %get3A_962 = arith.index_cast %get3A_961 : i32 to index
        %get3A_963 = arith.constant 48 : index
        %get3A_964 = tpu.vector_load %arg14[%get3A_962, %get3A_963] {strides = array<i32>} : memref<20x64xf32, #tpu.memory_space<vmem>>, vector<16xf32>,
        %mul3A_965 = arith.mulf %unpack3A_954, %get3A_964 : vector<16xf32>
        %add3A_966 = arith.addf %add3A_947, %mul3A_965 : vector<16xf32>
        %add3A_967 = arith.constant 12 : i32
        %add3A_968 = arith.addi %mul3A_336, %add3A_967 : i32
        %get3A_969 = arith.index_cast %add3A_968 : i32 to index
        %get3A_970 = arith.constant 32 : index
        %get3A_971 = tpu.vector_load %arg10[%get3A_969, %get3A_970] {strides = array<i32>} : memref<1600x64xbf16, #tpu.memory_space<vmem>>, vector<32xbf16>,
        %unpack3A_972 = tpu.unpack_subelements %get3A_971, 0 {pack_format = #tpu.pack_format<interleaved>} : vector<32xbf16> -> vector<16xf32>
        %unpack3A_973 = tpu.unpack_subelements %get3A_971, 1 {pack_format = #tpu.pack_format<interleaved>} : vector<32xbf16> -> vector<16xf32>
        %get3A_974 = arith.constant 12 : i32
        %get3A_975 = arith.index_cast %get3A_974 : i32 to index
        %get3A_976 = arith.constant 32 : index
        %get3A_977 = tpu.vector_load %arg14[%get3A_975, %get3A_976] {strides = array<i32>} : memref<20x64xf32, #tpu.memory_space<vmem>>, vector<16xf32>,
        %mul3A_978 = arith.mulf %unpack3A_972, %get3A_977 : vector<16xf32>
        %add3A_979 = arith.addf %add3A_960, %mul3A_978 : vector<16xf32>
        %get3A_980 = arith.constant 12 : i32
        %get3A_981 = arith.index_cast %get3A_980 : i32 to index
        %get3A_982 = arith.constant 48 : index
        %get3A_983 = tpu.vector_load %arg14[%get3A_981, %get3A_982] {strides = array<i32>} : memref<20x64xf32, #tpu.memory_space<vmem>>, vector<16xf32>,
        %mul3A_984 = arith.mulf %unpack3A_973, %get3A_983 : vector<16xf32>
        %add3A_985 = arith.addf %add3A_966, %mul3A_984 : vector<16xf32>
        %add3A_986 = arith.constant 13 : i32
        %add3A_987 = arith.addi %mul3A_336, %add3A_986 : i32
        %get3A_988 = arith.index_cast %add3A_987 : i32 to index
        %get3A_989 = arith.constant 32 : index
        %get3A_990 = tpu.vector_load %arg10[%get3A_988, %get3A_989] {strides = array<i32>} : memref<1600x64xbf16, #tpu.memory_space<vmem>>, vector<32xbf16>,
        %unpack3A_991 = tpu.unpack_subelements %get3A_990, 0 {pack_format = #tpu.pack_format<interleaved>} : vector<32xbf16> -> vector<16xf32>
        %unpack3A_992 = tpu.unpack_subelements %get3A_990, 1 {pack_format = #tpu.pack_format<interleaved>} : vector<32xbf16> -> vector<16xf32>
        %get3A_993 = arith.constant 13 : i32
        %get3A_994 = arith.index_cast %get3A_993 : i32 to index
        %get3A_995 = arith.constant 32 : index
        %get3A_996 = tpu.vector_load %arg14[%get3A_994, %get3A_995] {strides = array<i32>} : memref<20x64xf32, #tpu.memory_space<vmem>>, vector<16xf32>,
        %mul3A_997 = arith.mulf %unpack3A_991, %get3A_996 : vector<16xf32>
        %add3A_998 = arith.addf %add3A_979, %mul3A_997 : vector<16xf32>
        %get3A_999 = arith.constant 13 : i32
        %get3A_1000 = arith.index_cast %get3A_999 : i32 to index
        %get3A_1001 = arith.constant 48 : index
        %get3A_1002 = tpu.vector_load %arg14[%get3A_1000, %get3A_1001] {strides = array<i32>} : memref<20x64xf32, #tpu.memory_space<vmem>>, vector<16xf32>,
        %mul3A_1003 = arith.mulf %unpack3A_992, %get3A_1002 : vector<16xf32>
        %add3A_1004 = arith.addf %add3A_985, %mul3A_1003 : vector<16xf32>
        %add3A_1005 = arith.constant 14 : i32
        %add3A_1006 = arith.addi %mul3A_336, %add3A_1005 : i32
        %get3A_1007 = arith.index_cast %add3A_1006 : i32 to index
        %get3A_1008 = arith.constant 32 : index
        %get3A_1009 = tpu.vector_load %arg10[%get3A_1007, %get3A_1008] {strides = array<i32>} : memref<1600x64xbf16, #tpu.memory_space<vmem>>, vector<32xbf16>,
        %unpack3A_1010 = tpu.unpack_subelements %get3A_1009, 0 {pack_format = #tpu.pack_format<interleaved>} : vector<32xbf16> -> vector<16xf32>
        %unpack3A_1011 = tpu.unpack_subelements %get3A_1009, 1 {pack_format = #tpu.pack_format<interleaved>} : vector<32xbf16> -> vector<16xf32>
        %get3A_1012 = arith.constant 14 : i32
        %get3A_1013 = arith.index_cast %get3A_1012 : i32 to index
        %get3A_1014 = arith.constant 32 : index
        %get3A_1015 = tpu.vector_load %arg14[%get3A_1013, %get3A_1014] {strides = array<i32>} : memref<20x64xf32, #tpu.memory_space<vmem>>, vector<16xf32>,
        %mul3A_1016 = arith.mulf %unpack3A_1010, %get3A_1015 : vector<16xf32>
        %add3A_1017 = arith.addf %add3A_998, %mul3A_1016 : vector<16xf32>
        %get3A_1018 = arith.constant 14 : i32
        %get3A_1019 = arith.index_cast %get3A_1018 : i32 to index
        %get3A_1020 = arith.constant 48 : index
        %get3A_1021 = tpu.vector_load %arg14[%get3A_1019, %get3A_1020] {strides = array<i32>} : memref<20x64xf32, #tpu.memory_space<vmem>>, vector<16xf32>,
        %mul3A_1022 = arith.mulf %unpack3A_1011, %get3A_1021 : vector<16xf32>
        %add3A_1023 = arith.addf %add3A_1004, %mul3A_1022 : vector<16xf32>
        %add3A_1024 = arith.constant 15 : i32
        %add3A_1025 = arith.addi %mul3A_336, %add3A_1024 : i32
        %get3A_1026 = arith.index_cast %add3A_1025 : i32 to index
        %get3A_1027 = arith.constant 32 : index
        %get3A_1028 = tpu.vector_load %arg10[%get3A_1026, %get3A_1027] {strides = array<i32>} : memref<1600x64xbf16, #tpu.memory_space<vmem>>, vector<32xbf16>,
        %unpack3A_1029 = tpu.unpack_subelements %get3A_1028, 0 {pack_format = #tpu.pack_format<interleaved>} : vector<32xbf16> -> vector<16xf32>
        %unpack3A_1030 = tpu.unpack_subelements %get3A_1028, 1 {pack_format = #tpu.pack_format<interleaved>} : vector<32xbf16> -> vector<16xf32>
        %get3A_1031 = arith.constant 15 : i32
        %get3A_1032 = arith.index_cast %get3A_1031 : i32 to index
        %get3A_1033 = arith.constant 32 : index
        %get3A_1034 = tpu.vector_load %arg14[%get3A_1032, %get3A_1033] {strides = array<i32>} : memref<20x64xf32, #tpu.memory_space<vmem>>, vector<16xf32>,
        %mul3A_1035 = arith.mulf %unpack3A_1029, %get3A_1034 : vector<16xf32>
        %add3A_1036 = arith.addf %add3A_1017, %mul3A_1035 : vector<16xf32>
        %get3A_1037 = arith.constant 15 : i32
        %get3A_1038 = arith.index_cast %get3A_1037 : i32 to index
        %get3A_1039 = arith.constant 48 : index
        %get3A_1040 = tpu.vector_load %arg14[%get3A_1038, %get3A_1039] {strides = array<i32>} : memref<20x64xf32, #tpu.memory_space<vmem>>, vector<16xf32>,
        %mul3A_1041 = arith.mulf %unpack3A_1030, %get3A_1040 : vector<16xf32>
        %add3A_1042 = arith.addf %add3A_1023, %mul3A_1041 : vector<16xf32>
        %add3A_1043 = arith.constant 16 : i32
        %add3A_1044 = arith.addi %mul3A_336, %add3A_1043 : i32
        %get3A_1045 = arith.index_cast %add3A_1044 : i32 to index
        %get3A_1046 = arith.constant 32 : index
        %get3A_1047 = tpu.vector_load %arg10[%get3A_1045, %get3A_1046] {strides = array<i32>} : memref<1600x64xbf16, #tpu.memory_space<vmem>>, vector<32xbf16>,
        %unpack3A_1048 = tpu.unpack_subelements %get3A_1047, 0 {pack_format = #tpu.pack_format<interleaved>} : vector<32xbf16> -> vector<16xf32>
        %unpack3A_1049 = tpu.unpack_subelements %get3A_1047, 1 {pack_format = #tpu.pack_format<interleaved>} : vector<32xbf16> -> vector<16xf32>
        %get3A_1050 = arith.constant 16 : i32
        %get3A_1051 = arith.index_cast %get3A_1050 : i32 to index
        %get3A_1052 = arith.constant 32 : index
        %get3A_1053 = tpu.vector_load %arg14[%get3A_1051, %get3A_1052] {strides = array<i32>} : memref<20x64xf32, #tpu.memory_space<vmem>>, vector<16xf32>,
        %mul3A_1054 = arith.mulf %unpack3A_1048, %get3A_1053 : vector<16xf32>
        %add3A_1055 = arith.addf %add3A_1036, %mul3A_1054 : vector<16xf32>
        %get3A_1056 = arith.constant 16 : i32
        %get3A_1057 = arith.index_cast %get3A_1056 : i32 to index
        %get3A_1058 = arith.constant 48 : index
        %get3A_1059 = tpu.vector_load %arg14[%get3A_1057, %get3A_1058] {strides = array<i32>} : memref<20x64xf32, #tpu.memory_space<vmem>>, vector<16xf32>,
        %mul3A_1060 = arith.mulf %unpack3A_1049, %get3A_1059 : vector<16xf32>
        %add3A_1061 = arith.addf %add3A_1042, %mul3A_1060 : vector<16xf32>
        %add3A_1062 = arith.constant 17 : i32
        %add3A_1063 = arith.addi %mul3A_336, %add3A_1062 : i32
        %get3A_1064 = arith.index_cast %add3A_1063 : i32 to index
        %get3A_1065 = arith.constant 32 : index
        %get3A_1066 = tpu.vector_load %arg10[%get3A_1064, %get3A_1065] {strides = array<i32>} : memref<1600x64xbf16, #tpu.memory_space<vmem>>, vector<32xbf16>,
        %unpack3A_1067 = tpu.unpack_subelements %get3A_1066, 0 {pack_format = #tpu.pack_format<interleaved>} : vector<32xbf16> -> vector<16xf32>
        %unpack3A_1068 = tpu.unpack_subelements %get3A_1066, 1 {pack_format = #tpu.pack_format<interleaved>} : vector<32xbf16> -> vector<16xf32>
        %get3A_1069 = arith.constant 17 : i32
        %get3A_1070 = arith.index_cast %get3A_1069 : i32 to index
        %get3A_1071 = arith.constant 32 : index
        %get3A_1072 = tpu.vector_load %arg14[%get3A_1070, %get3A_1071] {strides = array<i32>} : memref<20x64xf32, #tpu.memory_space<vmem>>, vector<16xf32>,
        %mul3A_1073 = arith.mulf %unpack3A_1067, %get3A_1072 : vector<16xf32>
        %add3A_1074 = arith.addf %add3A_1055, %mul3A_1073 : vector<16xf32>
        %get3A_1075 = arith.constant 17 : i32
        %get3A_1076 = arith.index_cast %get3A_1075 : i32 to index
        %get3A_1077 = arith.constant 48 : index
        %get3A_1078 = tpu.vector_load %arg14[%get3A_1076, %get3A_1077] {strides = array<i32>} : memref<20x64xf32, #tpu.memory_space<vmem>>, vector<16xf32>,
        %mul3A_1079 = arith.mulf %unpack3A_1068, %get3A_1078 : vector<16xf32>
        %add3A_1080 = arith.addf %add3A_1061, %mul3A_1079 : vector<16xf32>
        %add3A_1081 = arith.constant 18 : i32
        %add3A_1082 = arith.addi %mul3A_336, %add3A_1081 : i32
        %get3A_1083 = arith.index_cast %add3A_1082 : i32 to index
        %get3A_1084 = arith.constant 32 : index
        %get3A_1085 = tpu.vector_load %arg10[%get3A_1083, %get3A_1084] {strides = array<i32>} : memref<1600x64xbf16, #tpu.memory_space<vmem>>, vector<32xbf16>,
        %unpack3A_1086 = tpu.unpack_subelements %get3A_1085, 0 {pack_format = #tpu.pack_format<interleaved>} : vector<32xbf16> -> vector<16xf32>
        %unpack3A_1087 = tpu.unpack_subelements %get3A_1085, 1 {pack_format = #tpu.pack_format<interleaved>} : vector<32xbf16> -> vector<16xf32>
        %get3A_1088 = arith.constant 18 : i32
        %get3A_1089 = arith.index_cast %get3A_1088 : i32 to index
        %get3A_1090 = arith.constant 32 : index
        %get3A_1091 = tpu.vector_load %arg14[%get3A_1089, %get3A_1090] {strides = array<i32>} : memref<20x64xf32, #tpu.memory_space<vmem>>, vector<16xf32>,
        %mul3A_1092 = arith.mulf %unpack3A_1086, %get3A_1091 : vector<16xf32>
        %add3A_1093 = arith.addf %add3A_1074, %mul3A_1092 : vector<16xf32>
        %get3A_1094 = arith.constant 18 : i32
        %get3A_1095 = arith.index_cast %get3A_1094 : i32 to index
        %get3A_1096 = arith.constant 48 : index
        %get3A_1097 = tpu.vector_load %arg14[%get3A_1095, %get3A_1096] {strides = array<i32>} : memref<20x64xf32, #tpu.memory_space<vmem>>, vector<16xf32>,
        %mul3A_1098 = arith.mulf %unpack3A_1087, %get3A_1097 : vector<16xf32>
        %add3A_1099 = arith.addf %add3A_1080, %mul3A_1098 : vector<16xf32>
        %add3A_1100 = arith.constant 19 : i32
        %add3A_1101 = arith.addi %mul3A_336, %add3A_1100 : i32
        %get3A_1102 = arith.index_cast %add3A_1101 : i32 to index
        %get3A_1103 = arith.constant 32 : index
        %get3A_1104 = tpu.vector_load %arg10[%get3A_1102, %get3A_1103] {strides = array<i32>} : memref<1600x64xbf16, #tpu.memory_space<vmem>>, vector<32xbf16>,
        %unpack3A_1105 = tpu.unpack_subelements %get3A_1104, 0 {pack_format = #tpu.pack_format<interleaved>} : vector<32xbf16> -> vector<16xf32>
        %unpack3A_1106 = tpu.unpack_subelements %get3A_1104, 1 {pack_format = #tpu.pack_format<interleaved>} : vector<32xbf16> -> vector<16xf32>
        %get3A_1107 = arith.constant 19 : i32
        %get3A_1108 = arith.index_cast %get3A_1107 : i32 to index
        %get3A_1109 = arith.constant 32 : index
        %get3A_1110 = tpu.vector_load %arg14[%get3A_1108, %get3A_1109] {strides = array<i32>} : memref<20x64xf32, #tpu.memory_space<vmem>>, vector<16xf32>,
        %mul3A_1111 = arith.mulf %unpack3A_1105, %get3A_1110 : vector<16xf32>
        %add3A_1112 = arith.addf %add3A_1093, %mul3A_1111 : vector<16xf32>
        %get3A_1113 = arith.constant 19 : i32
        %get3A_1114 = arith.index_cast %get3A_1113 : i32 to index
        %get3A_1115 = arith.constant 48 : index
        %get3A_1116 = tpu.vector_load %arg14[%get3A_1114, %get3A_1115] {strides = array<i32>} : memref<20x64xf32, #tpu.memory_space<vmem>>, vector<16xf32>,
        %mul3A_1117 = arith.mulf %unpack3A_1106, %get3A_1116 : vector<16xf32>
        %add3A_1118 = arith.addf %add3A_1099, %mul3A_1117 : vector<16xf32>
        %iota3A_1119 = tpu.iota {dimensions = array<i32: 0>} : vector<16xi32>
        %mul3A_1120 = arith.constant 2 : i32
        %mul3A_1121 = vector.broadcast %mul3A_1120 : i32 to vector<16xi32>
        %mul3A_1122 = arith.muli %iota3A_1119, %mul3A_1121 : vector<16xi32>
        %add3A_1123 = arith.constant 32 : i32
        %add3A_1124 = vector.broadcast %add3A_1123 : i32 to vector<16xi32>
        %add3A_1125 = arith.addi %mul3A_1122, %add3A_1124 : vector<16xi32>
        tpu.vector_store_idx %arg12[%broadcast_in_dim3A, %add3A_1125], %add3A_1112 : memref<80x64xf32, #tpu.memory_space<vmem>>[vector<16xi32>, vector<16xi32>], vector<16xf32>,
        %add3A_1126 = arith.constant 1 : i32
        %add3A_1127 = vector.broadcast %add3A_1126 : i32 to vector<16xi32>
        %add3A_1128 = arith.addi %add3A_1125, %add3A_1127 : vector<16xi32>
        tpu.vector_store_idx %arg12[%broadcast_in_dim3A, %add3A_1128], %add3A_1118 : memref<80x64xf32, #tpu.memory_space<vmem>>[vector<16xi32>, vector<16xi32>], vector<16xf32>,
      }
      %scan3A_319 = arith.constant 80 : i32
      %mul3A_320 = arith.constant 80 : i32
      %mul3A_321 = arith.muli %add3A_291, %mul3A_320 : i32
      %add3A_322 = arith.addi %mul3A_2, %mul3A_321 : i32
      %dma_start3A_323 = arith.constant 0 : i32
      %dma_start3A_324 = tpu.memref_slice %arg6[%add3A_322, %dma_start3A_323] : memref<51200x64xf32, #tpu.memory_space<hbm>> -> memref<80x64xf32, #tpu.memory_space<hbm>>
      %dma_start3A_325 = arith.constant 0 : i32
      %dma_start3A_326 = tpu.memref_slice %arg6[%add3A_322, %dma_start3A_325] : memref<51200x64xf32, #tpu.memory_space<hbm>> -> memref<80x64xf32, #tpu.memory_space<hbm>>
      tpu.enqueue_dma source(%arg12 : memref<80x64xf32, #tpu.memory_space<vmem>>) target(%dma_start3A_326 : memref<80x64xf32, #tpu.memory_space<hbm>>) target_semaphore(%arg20 : memref<!tpu.dma_semaphore, #tpu.memory_space<semaphore_mem>>)
      %add3A_327 = arith.constant 2 : i32
      %add3A_328 = arith.addi %add3A_291, %add3A_327 : i32
      %lt3A_329 = arith.constant 20 : i32
      %lt3A_330 = arith.cmpi slt, %add3A_328, %lt3A_329 : i32
      %convert_element_type3A_331 = arith.extui %lt3A_330 : i1 to i32
      %cond3A_332 = arith.constant 0 : i32
      %cond3A_333 = arith.cmpi ne, %convert_element_type3A_331, %cond3A_332 : i32
      scf.if %cond3A_333 {
        %add3A_334 = arith.constant 2 : i32
        %add3A_335 = arith.addi %add3A_291, %add3A_334 : i32
        %dma_wait3A_336 = arith.constant 0 : i32
        %dma_wait3A_337 = tpu.memref_slice %arg2[%dma_wait3A_336] : memref<1024000xi32, #tpu.memory_space<hbm>> -> memref<1600xi32, #tpu.memory_space<hbm>>
        %dma_wait3A_338 = arith.constant 0 : i32
        %dma_wait3A_339 = tpu.memref_slice %arg2[%dma_wait3A_338] : memref<1024000xi32, #tpu.memory_space<hbm>> -> memref<1600xi32, #tpu.memory_space<hbm>>
        tpu.wait_dma2 semaphore(%arg18 : memref<!tpu.dma_semaphore, #tpu.memory_space<semaphore_mem>>) src(%dma_wait3A_339 : memref<1600xi32, #tpu.memory_space<hbm>>) dst(%arg8 : memref<1600xi32, #tpu.memory_space<vmem>>)
        %dma_start3A_340 = arith.constant 0 : i32
        %dma_start3A_341 = arith.constant 0 : i32
        %dma_start3A_342 = tpu.memref_slice %arg10[%dma_start3A_340, %dma_start3A_341] : memref<1600x64xbf16, #tpu.memory_space<vmem>> -> memref<128x64xbf16, #tpu.memory_space<vmem>>
        %dma_start3A_343 = arith.constant 0 : i32
        %dma_start3A_344 = tpu.memref_slice %arg8[%dma_start3A_343] : memref<1600xi32, #tpu.memory_space<vmem>> -> memref<128xi32, #tpu.memory_space<vmem>>
        %dma_start3A_345 = arith.constant 0 : i32
        %dma_start3A_346 = arith.constant 0 : i32
        %dma_start3A_347 = tpu.memref_slice %arg3[%dma_start3A_345, %dma_start3A_346] : memref<100000x64xbf16, #tpu.memory_space<hbm>> -> memref<100000x64xbf16, #tpu.memory_space<hbm>>
        tpu.enqueue_indirect_dma source(%dma_start3A_347 : memref<100000x64xbf16, #tpu.memory_space<hbm>>) target(%dma_start3A_342 : memref<128x64xbf16, #tpu.memory_space<vmem>>) offsets(%dma_start3A_344 : memref<128xi32, #tpu.memory_space<vmem>>) semaphore(%arg16 : memref<!tpu.dma_semaphore, #tpu.memory_space<semaphore_mem>>)
        %dma_start3A_348 = arith.constant 128 : i32
        %dma_start3A_349 = arith.constant 0 : i32
        %dma_start3A_350 = tpu.memref_slice %arg10[%dma_start3A_348, %dma_start3A_349] : memref<1600x64xbf16, #tpu.memory_space<vmem>> -> memref<128x64xbf16, #tpu.memory_space<vmem>>
        %dma_start3A_351 = arith.constant 128 : i32
        %dma_start3A_352 = tpu.memref_slice %arg8[%dma_start3A_351] : memref<1600xi32, #tpu.memory_space<vmem>> -> memref<128xi32, #tpu.memory_space<vmem>>
        %dma_start3A_353 = arith.constant 0 : i32
        %dma_start3A_354 = arith.constant 0 : i32
        %dma_start3A_355 = tpu.memref_slice %arg3[%dma_start3A_353, %dma_start3A_354] : memref<100000x64xbf16, #tpu.memory_space<hbm>> -> memref<100000x64xbf16, #tpu.memory_space<hbm>>
        tpu.enqueue_indirect_dma source(%dma_start3A_355 : memref<100000x64xbf16, #tpu.memory_space<hbm>>) target(%dma_start3A_350 : memref<128x64xbf16, #tpu.memory_space<vmem>>) offsets(%dma_start3A_352 : memref<128xi32, #tpu.memory_space<vmem>>) semaphore(%arg16 : memref<!tpu.dma_semaphore, #tpu.memory_space<semaphore_mem>>)
        %dma_start3A_356 = arith.constant 256 : i32
        %dma_start3A_357 = arith.constant 0 : i32
        %dma_start3A_358 = tpu.memref_slice %arg10[%dma_start3A_356, %dma_start3A_357] : memref<1600x64xbf16, #tpu.memory_space<vmem>> -> memref<128x64xbf16, #tpu.memory_space<vmem>>
        %dma_start3A_359 = arith.constant 256 : i32
        %dma_start3A_360 = tpu.memref_slice %arg8[%dma_start3A_359] : memref<1600xi32, #tpu.memory_space<vmem>> -> memref<128xi32, #tpu.memory_space<vmem>>
        %dma_start3A_361 = arith.constant 0 : i32
        %dma_start3A_362 = arith.constant 0 : i32
        %dma_start3A_363 = tpu.memref_slice %arg3[%dma_start3A_361, %dma_start3A_362] : memref<100000x64xbf16, #tpu.memory_space<hbm>> -> memref<100000x64xbf16, #tpu.memory_space<hbm>>
        tpu.enqueue_indirect_dma source(%dma_start3A_363 : memref<100000x64xbf16, #tpu.memory_space<hbm>>) target(%dma_start3A_358 : memref<128x64xbf16, #tpu.memory_space<vmem>>) offsets(%dma_start3A_360 : memref<128xi32, #tpu.memory_space<vmem>>) semaphore(%arg16 : memref<!tpu.dma_semaphore, #tpu.memory_space<semaphore_mem>>)
        %dma_start3A_364 = arith.constant 384 : i32
        %dma_start3A_365 = arith.constant 0 : i32
        %dma_start3A_366 = tpu.memref_slice %arg10[%dma_start3A_364, %dma_start3A_365] : memref<1600x64xbf16, #tpu.memory_space<vmem>> -> memref<128x64xbf16, #tpu.memory_space<vmem>>
        %dma_start3A_367 = arith.constant 384 : i32
        %dma_start3A_368 = tpu.memref_slice %arg8[%dma_start3A_367] : memref<1600xi32, #tpu.memory_space<vmem>> -> memref<128xi32, #tpu.memory_space<vmem>>
        %dma_start3A_369 = arith.constant 0 : i32
        %dma_start3A_370 = arith.constant 0 : i32
        %dma_start3A_371 = tpu.memref_slice %arg3[%dma_start3A_369, %dma_start3A_370] : memref<100000x64xbf16, #tpu.memory_space<hbm>> -> memref<100000x64xbf16, #tpu.memory_space<hbm>>
        tpu.enqueue_indirect_dma source(%dma_start3A_371 : memref<100000x64xbf16, #tpu.memory_space<hbm>>) target(%dma_start3A_366 : memref<128x64xbf16, #tpu.memory_space<vmem>>) offsets(%dma_start3A_368 : memref<128xi32, #tpu.memory_space<vmem>>) semaphore(%arg16 : memref<!tpu.dma_semaphore, #tpu.memory_space<semaphore_mem>>)
        %dma_start3A_372 = arith.constant 512 : i32
        %dma_start3A_373 = arith.constant 0 : i32
        %dma_start3A_374 = tpu.memref_slice %arg10[%dma_start3A_372, %dma_start3A_373] : memref<1600x64xbf16, #tpu.memory_space<vmem>> -> memref<128x64xbf16, #tpu.memory_space<vmem>>
        %dma_start3A_375 = arith.constant 512 : i32
        %dma_start3A_376 = tpu.memref_slice %arg8[%dma_start3A_375] : memref<1600xi32, #tpu.memory_space<vmem>> -> memref<128xi32, #tpu.memory_space<vmem>>
        %dma_start3A_377 = arith.constant 0 : i32
        %dma_start3A_378 = arith.constant 0 : i32
        %dma_start3A_379 = tpu.memref_slice %arg3[%dma_start3A_377, %dma_start3A_378] : memref<100000x64xbf16, #tpu.memory_space<hbm>> -> memref<100000x64xbf16, #tpu.memory_space<hbm>>
        tpu.enqueue_indirect_dma source(%dma_start3A_379 : memref<100000x64xbf16, #tpu.memory_space<hbm>>) target(%dma_start3A_374 : memref<128x64xbf16, #tpu.memory_space<vmem>>) offsets(%dma_start3A_376 : memref<128xi32, #tpu.memory_space<vmem>>) semaphore(%arg16 : memref<!tpu.dma_semaphore, #tpu.memory_space<semaphore_mem>>)
        %dma_start3A_380 = arith.constant 640 : i32
        %dma_start3A_381 = arith.constant 0 : i32
        %dma_start3A_382 = tpu.memref_slice %arg10[%dma_start3A_380, %dma_start3A_381] : memref<1600x64xbf16, #tpu.memory_space<vmem>> -> memref<128x64xbf16, #tpu.memory_space<vmem>>
        %dma_start3A_383 = arith.constant 640 : i32
        %dma_start3A_384 = tpu.memref_slice %arg8[%dma_start3A_383] : memref<1600xi32, #tpu.memory_space<vmem>> -> memref<128xi32, #tpu.memory_space<vmem>>
        %dma_start3A_385 = arith.constant 0 : i32
        %dma_start3A_386 = arith.constant 0 : i32
        %dma_start3A_387 = tpu.memref_slice %arg3[%dma_start3A_385, %dma_start3A_386] : memref<100000x64xbf16, #tpu.memory_space<hbm>> -> memref<100000x64xbf16, #tpu.memory_space<hbm>>
        tpu.enqueue_indirect_dma source(%dma_start3A_387 : memref<100000x64xbf16, #tpu.memory_space<hbm>>) target(%dma_start3A_382 : memref<128x64xbf16, #tpu.memory_space<vmem>>) offsets(%dma_start3A_384 : memref<128xi32, #tpu.memory_space<vmem>>) semaphore(%arg16 : memref<!tpu.dma_semaphore, #tpu.memory_space<semaphore_mem>>)
        %dma_start3A_388 = arith.constant 768 : i32
        %dma_start3A_389 = arith.constant 0 : i32
        %dma_start3A_390 = tpu.memref_slice %arg10[%dma_start3A_388, %dma_start3A_389] : memref<1600x64xbf16, #tpu.memory_space<vmem>> -> memref<128x64xbf16, #tpu.memory_space<vmem>>
        %dma_start3A_391 = arith.constant 768 : i32
        %dma_start3A_392 = tpu.memref_slice %arg8[%dma_start3A_391] : memref<1600xi32, #tpu.memory_space<vmem>> -> memref<128xi32, #tpu.memory_space<vmem>>
        %dma_start3A_393 = arith.constant 0 : i32
        %dma_start3A_394 = arith.constant 0 : i32
        %dma_start3A_395 = tpu.memref_slice %arg3[%dma_start3A_393, %dma_start3A_394] : memref<100000x64xbf16, #tpu.memory_space<hbm>> -> memref<100000x64xbf16, #tpu.memory_space<hbm>>
        tpu.enqueue_indirect_dma source(%dma_start3A_395 : memref<100000x64xbf16, #tpu.memory_space<hbm>>) target(%dma_start3A_390 : memref<128x64xbf16, #tpu.memory_space<vmem>>) offsets(%dma_start3A_392 : memref<128xi32, #tpu.memory_space<vmem>>) semaphore(%arg16 : memref<!tpu.dma_semaphore, #tpu.memory_space<semaphore_mem>>)
        %dma_start3A_396 = arith.constant 896 : i32
        %dma_start3A_397 = arith.constant 0 : i32
        %dma_start3A_398 = tpu.memref_slice %arg10[%dma_start3A_396, %dma_start3A_397] : memref<1600x64xbf16, #tpu.memory_space<vmem>> -> memref<128x64xbf16, #tpu.memory_space<vmem>>
        %dma_start3A_399 = arith.constant 896 : i32
        %dma_start3A_400 = tpu.memref_slice %arg8[%dma_start3A_399] : memref<1600xi32, #tpu.memory_space<vmem>> -> memref<128xi32, #tpu.memory_space<vmem>>
        %dma_start3A_401 = arith.constant 0 : i32
        %dma_start3A_402 = arith.constant 0 : i32
        %dma_start3A_403 = tpu.memref_slice %arg3[%dma_start3A_401, %dma_start3A_402] : memref<100000x64xbf16, #tpu.memory_space<hbm>> -> memref<100000x64xbf16, #tpu.memory_space<hbm>>
        tpu.enqueue_indirect_dma source(%dma_start3A_403 : memref<100000x64xbf16, #tpu.memory_space<hbm>>) target(%dma_start3A_398 : memref<128x64xbf16, #tpu.memory_space<vmem>>) offsets(%dma_start3A_400 : memref<128xi32, #tpu.memory_space<vmem>>) semaphore(%arg16 : memref<!tpu.dma_semaphore, #tpu.memory_space<semaphore_mem>>)
        %dma_start3A_404 = arith.constant 1024 : i32
        %dma_start3A_405 = arith.constant 0 : i32
        %dma_start3A_406 = tpu.memref_slice %arg10[%dma_start3A_404, %dma_start3A_405] : memref<1600x64xbf16, #tpu.memory_space<vmem>> -> memref<128x64xbf16, #tpu.memory_space<vmem>>
        %dma_start3A_407 = arith.constant 1024 : i32
        %dma_start3A_408 = tpu.memref_slice %arg8[%dma_start3A_407] : memref<1600xi32, #tpu.memory_space<vmem>> -> memref<128xi32, #tpu.memory_space<vmem>>
        %dma_start3A_409 = arith.constant 0 : i32
        %dma_start3A_410 = arith.constant 0 : i32
        %dma_start3A_411 = tpu.memref_slice %arg3[%dma_start3A_409, %dma_start3A_410] : memref<100000x64xbf16, #tpu.memory_space<hbm>> -> memref<100000x64xbf16, #tpu.memory_space<hbm>>
        tpu.enqueue_indirect_dma source(%dma_start3A_411 : memref<100000x64xbf16, #tpu.memory_space<hbm>>) target(%dma_start3A_406 : memref<128x64xbf16, #tpu.memory_space<vmem>>) offsets(%dma_start3A_408 : memref<128xi32, #tpu.memory_space<vmem>>) semaphore(%arg16 : memref<!tpu.dma_semaphore, #tpu.memory_space<semaphore_mem>>)
        %dma_start3A_412 = arith.constant 1152 : i32
        %dma_start3A_413 = arith.constant 0 : i32
        %dma_start3A_414 = tpu.memref_slice %arg10[%dma_start3A_412, %dma_start3A_413] : memref<1600x64xbf16, #tpu.memory_space<vmem>> -> memref<128x64xbf16, #tpu.memory_space<vmem>>
        %dma_start3A_415 = arith.constant 1152 : i32
        %dma_start3A_416 = tpu.memref_slice %arg8[%dma_start3A_415] : memref<1600xi32, #tpu.memory_space<vmem>> -> memref<128xi32, #tpu.memory_space<vmem>>
        %dma_start3A_417 = arith.constant 0 : i32
        %dma_start3A_418 = arith.constant 0 : i32
        %dma_start3A_419 = tpu.memref_slice %arg3[%dma_start3A_417, %dma_start3A_418] : memref<100000x64xbf16, #tpu.memory_space<hbm>> -> memref<100000x64xbf16, #tpu.memory_space<hbm>>
        tpu.enqueue_indirect_dma source(%dma_start3A_419 : memref<100000x64xbf16, #tpu.memory_space<hbm>>) target(%dma_start3A_414 : memref<128x64xbf16, #tpu.memory_space<vmem>>) offsets(%dma_start3A_416 : memref<128xi32, #tpu.memory_space<vmem>>) semaphore(%arg16 : memref<!tpu.dma_semaphore, #tpu.memory_space<semaphore_mem>>)
        %dma_start3A_420 = arith.constant 1280 : i32
        %dma_start3A_421 = arith.constant 0 : i32
        %dma_start3A_422 = tpu.memref_slice %arg10[%dma_start3A_420, %dma_start3A_421] : memref<1600x64xbf16, #tpu.memory_space<vmem>> -> memref<128x64xbf16, #tpu.memory_space<vmem>>
        %dma_start3A_423 = arith.constant 1280 : i32
        %dma_start3A_424 = tpu.memref_slice %arg8[%dma_start3A_423] : memref<1600xi32, #tpu.memory_space<vmem>> -> memref<128xi32, #tpu.memory_space<vmem>>
        %dma_start3A_425 = arith.constant 0 : i32
        %dma_start3A_426 = arith.constant 0 : i32
        %dma_start3A_427 = tpu.memref_slice %arg3[%dma_start3A_425, %dma_start3A_426] : memref<100000x64xbf16, #tpu.memory_space<hbm>> -> memref<100000x64xbf16, #tpu.memory_space<hbm>>
        tpu.enqueue_indirect_dma source(%dma_start3A_427 : memref<100000x64xbf16, #tpu.memory_space<hbm>>) target(%dma_start3A_422 : memref<128x64xbf16, #tpu.memory_space<vmem>>) offsets(%dma_start3A_424 : memref<128xi32, #tpu.memory_space<vmem>>) semaphore(%arg16 : memref<!tpu.dma_semaphore, #tpu.memory_space<semaphore_mem>>)
        %dma_start3A_428 = arith.constant 1408 : i32
        %dma_start3A_429 = arith.constant 0 : i32
        %dma_start3A_430 = tpu.memref_slice %arg10[%dma_start3A_428, %dma_start3A_429] : memref<1600x64xbf16, #tpu.memory_space<vmem>> -> memref<128x64xbf16, #tpu.memory_space<vmem>>
        %dma_start3A_431 = arith.constant 1408 : i32
        %dma_start3A_432 = tpu.memref_slice %arg8[%dma_start3A_431] : memref<1600xi32, #tpu.memory_space<vmem>> -> memref<128xi32, #tpu.memory_space<vmem>>
        %dma_start3A_433 = arith.constant 0 : i32
        %dma_start3A_434 = arith.constant 0 : i32
        %dma_start3A_435 = tpu.memref_slice %arg3[%dma_start3A_433, %dma_start3A_434] : memref<100000x64xbf16, #tpu.memory_space<hbm>> -> memref<100000x64xbf16, #tpu.memory_space<hbm>>
        tpu.enqueue_indirect_dma source(%dma_start3A_435 : memref<100000x64xbf16, #tpu.memory_space<hbm>>) target(%dma_start3A_430 : memref<128x64xbf16, #tpu.memory_space<vmem>>) offsets(%dma_start3A_432 : memref<128xi32, #tpu.memory_space<vmem>>) semaphore(%arg16 : memref<!tpu.dma_semaphore, #tpu.memory_space<semaphore_mem>>)
        %dma_start3A_436 = arith.constant 1536 : i32
        %dma_start3A_437 = arith.constant 0 : i32
        %dma_start3A_438 = tpu.memref_slice %arg10[%dma_start3A_436, %dma_start3A_437] : memref<1600x64xbf16, #tpu.memory_space<vmem>> -> memref<64x64xbf16, #tpu.memory_space<vmem>>
        %dma_start3A_439 = arith.constant 1536 : i32
        %dma_start3A_440 = tpu.memref_slice %arg8[%dma_start3A_439] : memref<1600xi32, #tpu.memory_space<vmem>> -> memref<64xi32, #tpu.memory_space<vmem>>
        %dma_start3A_441 = arith.constant 0 : i32
        %dma_start3A_442 = arith.constant 0 : i32
        %dma_start3A_443 = tpu.memref_slice %arg3[%dma_start3A_441, %dma_start3A_442] : memref<100000x64xbf16, #tpu.memory_space<hbm>> -> memref<100000x64xbf16, #tpu.memory_space<hbm>>
        tpu.enqueue_indirect_dma source(%dma_start3A_443 : memref<100000x64xbf16, #tpu.memory_space<hbm>>) target(%dma_start3A_438 : memref<64x64xbf16, #tpu.memory_space<vmem>>) offsets(%dma_start3A_440 : memref<64xi32, #tpu.memory_space<vmem>>) semaphore(%arg16 : memref<!tpu.dma_semaphore, #tpu.memory_space<semaphore_mem>>)
      } else {
      }
    }
    %scan3A_233 = arith.constant 10 : i32
    %dma_wait3A_234 = arith.constant 0 : i32
    %dma_wait3A_235 = arith.constant 0 : i32
    %dma_wait3A_236 = tpu.memref_slice %arg6[%dma_wait3A_234, %dma_wait3A_235] : memref<51200x64xf32, #tpu.memory_space<hbm>> -> memref<80x64xf32, #tpu.memory_space<hbm>>
    %dma_wait3A_237 = arith.constant 0 : i32
    %dma_wait3A_238 = arith.constant 0 : i32
    %dma_wait3A_239 = tpu.memref_slice %arg6[%dma_wait3A_237, %dma_wait3A_238] : memref<51200x64xf32, #tpu.memory_space<hbm>> -> memref<80x64xf32, #tpu.memory_space<hbm>>
    tpu.wait_dma2 semaphore(%arg19 : memref<!tpu.dma_semaphore, #tpu.memory_space<semaphore_mem>>) src(%arg11 : memref<80x64xf32, #tpu.memory_space<vmem>>) dst(%dma_wait3A_239 : memref<80x64xf32, #tpu.memory_space<hbm>>)
    %dma_wait3A_240 = arith.constant 0 : i32
    %dma_wait3A_241 = arith.constant 0 : i32
    %dma_wait3A_242 = tpu.memref_slice %arg6[%dma_wait3A_240, %dma_wait3A_241] : memref<51200x64xf32, #tpu.memory_space<hbm>> -> memref<80x64xf32, #tpu.memory_space<hbm>>
    %dma_wait3A_243 = arith.constant 0 : i32
    %dma_wait3A_244 = arith.constant 0 : i32
    %dma_wait3A_245 = tpu.memref_slice %arg6[%dma_wait3A_243, %dma_wait3A_244] : memref<51200x64xf32, #tpu.memory_space<hbm>> -> memref<80x64xf32, #tpu.memory_space<hbm>>
    tpu.wait_dma2 semaphore(%arg20 : memref<!tpu.dma_semaphore, #tpu.memory_space<semaphore_mem>>) src(%arg12 : memref<80x64xf32, #tpu.memory_space<vmem>>) dst(%dma_wait3A_245 : memref<80x64xf32, #tpu.memory_space<hbm>>)
    return
  }
}

</mosaic_0001>

<sc_bundles>
// kernel: kernel.3.cloned.1.call-start
scs
__scs_entry_jumppad:
0x0: {  	(pc) =	sbr.rel $0x88, $3  }
0x1: {  	(tag) =	ssettag $0x0;
	lr =	simm.s32 $0x1  }
0x2: {  	[smem:$0x3F9E] =	sst lr;
	_ =	strace $0xD0000000  }
0x3: {  	_ = 	snop  }
0x4: {  	_ = 	snop  }
0x5: {  	_ = 	snop  }
0x6: {  	_ = 	snop  }
0x7: {  	_ = 	snop  }
__scs_overlays_trampoline_lowered:
0x8: {  	[smem:$0x3FAD] =	sst s0  }
0x9: {  	[smem:$0x3FAE] =	sst s1  }
0xa: {  	[smem:$0x3FAF] =	sst s2  }
0xb: {  	[smem:$0x3FB0] =	sst s3  }
0xc: {  	[smem:$0x3FB1] =	sst s4  }
0xd: {  	[smem:$0x3FB2] =	sst s5  }
0xe: {  	[smem:$0x3FB3] =	sst s6  }
0xf: {  	[smem:$0x3FB4] =	sst s7  }
0x10: {  	[smem:$0x3FB5] =	sst s8  }
0x11: {  	[smem:$0x3FB6] =	sst s9;
	s0 =	simm.s32 @!p0 $0x0  }
0x12: {  	s1 =	sld [smem:$0x3F9C];
	s0 =	simm.s32 @p0 $0x1  }
0x13: {  	[smem:$0x3FB7] =	sst s0;
	s0 =	simm.s32 @!p1 $0x0  }
0x14: {  	s2 =	sld [smem:$0x3F9B];
	s0 =	simm.s32 @p1 $0x1  }
0x15: {  	[smem:$0x3FB8] =	sst s0;
	s0 =	simm.s32 @!p2 $0x0  }
0x16: {  	s3 =	sld [smem:$0x3FDB];
	s0 =	simm.s32 @p2 $0x1  }
0x17: {  	s4 =	simm.s32 $0x1BF5;
	[smem:$0x3FBA] =	sst s0  }
0x18: {  	s0 =	sld [smem:$0x3F9D];
	_ =	swait.ge [sflag:s4], $0x0  }
0x19: {  	s7 =	sld [smem:$0x3F9E]  }
0x1a: {  	s8 =	sadd.s32 $0xFFFFE003, lr  }
0x1b: {  	s9 =	sadd.s32 $0xFFFFFEF7, lr;
	s5 =	simm.s32 $0xFFFFFFFF;
	p2 =	slt.u32 s8, $0xFFFFF086  }
0x1c: {  	p1 =	slt.u32 s9, $0xF7A;
	s5 =	simm.s32 @!p2 $0x0  }
0x1d: {  	s5 =	simm.s32 @p1 $0x1;
	p0 =	seq.s32 s7, s2  }
0x1e: {  	s7 =	smul.u32 @!p0 $0xF7A, s2;
	p2 =	seq.s32 @!p0 s5, $0x0  }
0x1f: {  	s9 =	smul.u32 $0xF7A, s1;
	s8 =	simm.s32 @!p0 $0x1BF5;
	p2 =	por !p2, p0  }
0x20: {  	[sflag:s8] =	ssyncset.s32 @!p0 $0xFFFFF086;
	s6 =	sadd.s32 @!p0 s3, s7;
	s7 =	simm.s32 @!p0 $0x108  }
0x21: {  	s3 =	sadd.s32 s3, s9;
	s6 =	sadd.s32 @!p0 $0x88, s6;
	s7 =	simm.s32 @p2 $0x1082  }
0x22: {  	[simem:s7], [sflag:s8] =	dma.local @!p0 [hbm:s6], $0xF7A  }
0x23: {  	s9 =	sor.u32 $0xD0000000, s2;
	s6 =	simm.s32 $0x108;
	_ =	swait.ge @!p0 [sflag:s8], $0x0  }
0x24: {  	s3 =	sadd.s32 $0x88, s3;
	s6 =	simm.s32 @!p1 $0x1082;
	[sflag:s4] =	ssyncset.s32 $0xFFFFF086  }
0x25: {  	[simem:s6], [sflag:s4] =	dma.local [hbm:s3], $0xF7A  }
0x26: {  	[smem:$0x3F9E] =	sst s1;
	(tag) =	ssettag s2;
	_ =	strace s9  }
0x27: {  	s1 =	sld [smem:$0x3FAE]  }
0x28: {  	s2 =	sld [smem:$0x3FAF]  }
0x29: {  	s4 =	sld [smem:$0x3FB1]  }
0x2a: {  	p0 =	seq.s32 s5, $0x0;
	s5 =	sld [smem:$0x3FB2]  }
0x2b: {  	s6 =	sld [smem:$0x3FB3]  }
0x2c: {  	s7 =	sld [smem:$0x3FB4]  }
0x2d: {  	s3 =	simm.s32 $0x108;
	s8 =	sld [smem:$0x3FB5]  }
0x2e: {  	s3 =	simm.s32 @!p0 $0x1082;
	s9 =	sld [smem:$0x3FB6]  }
0x2f: {  	lr =	sadd.s32 s0, s3;
	s0 =	sld [smem:$0x3FAD]  }
0x30: {  	s3 =	sld [smem:$0x3FB0]  }
0x31: {  	[smem:$0x3FB9] =	sst s10  }
0x32: {  	s10 =	sld [smem:$0x3FB7];
	_ =	sdelay $0x3  }
0x33: {  	p0 =	seq.s32 s10, $0x1;
	s10 =	sld [smem:$0x3FB9];
	_ =	sdelay $0x3  }
0x34: {  	[smem:$0x3FB9] =	sst s10  }
0x35: {  	s10 =	sld [smem:$0x3FB8];
	_ =	sdelay $0x3  }
0x36: {  	p1 =	seq.s32 s10, $0x1;
	s10 =	sld [smem:$0x3FB9];
	_ =	sdelay $0x3  }
0x37: {  	[smem:$0x3FB9] =	sst s10  }
0x38: {  	s10 =	sld [smem:$0x3FBA]  }
0x39: {  	_ = 	snop;
	(pc) =	sbr.ind lr, $3  }
0x3a: {  	_ = 	snop  }
0x3b: {  	_ = 	snop  }
0x3c: {  	p2 =	seq.s32 s10, $0x1;
	s10 =	sld [smem:$0x3FB9]  }
0x3d: {  	_ =	shalt  }
0x3e: {  	_ =	shalt  }
0x3f: {  	_ =	shalt  }
0x40: {  	_ =	shalt  }
0x41: {  	_ =	shalt  }
0x42: {  	_ =	shalt  }
0x43: {  	_ =	shalt  }
0x44: {  	_ =	shalt  }
0x45: {  	_ =	shalt  }
0x46: {  	_ =	shalt  }
0x47: {  	_ =	shalt  }
0x48: {  	_ =	shalt  }
0x49: {  	_ =	shalt  }
0x4a: {  	_ =	shalt  }
0x4b: {  	_ =	shalt  }
0x4c: {  	_ =	shalt  }
0x4d: {  	_ =	shalt  }
0x4e: {  	_ =	shalt  }
0x4f: {  	_ =	shalt  }
0x50: {  	_ =	shalt  }
0x51: {  	_ =	shalt  }
0x52: {  	_ =	shalt  }
0x53: {  	_ =	shalt  }
0x54: {  	_ =	shalt  }
0x55: {  	_ =	shalt  }
0x56: {  	_ =	shalt  }
0x57: {  	_ =	shalt  }
0x58: {  	_ =	shalt  }
0x59: {  	_ =	shalt  }
0x5a: {  	_ =	shalt  }
0x5b: {  	_ =	shalt  }
0x5c: {  	_ =	shalt  }
0x5d: {  	_ =	shalt  }
0x5e: {  	_ =	shalt  }
0x5f: {  	_ =	shalt  }
0x60: {  	_ =	shalt  }
0x61: {  	_ =	shalt  }
0x62: {  	_ =	shalt  }
0x63: {  	_ =	shalt  }
0x64: {  	_ =	shalt  }
0x65: {  	_ =	shalt  }
0x66: {  	_ =	shalt  }
0x67: {  	_ =	shalt  }
0x68: {  	_ =	shalt  }
0x69: {  	_ =	shalt  }
0x6a: {  	_ =	shalt  }
0x6b: {  	_ =	shalt  }
0x6c: {  	_ =	shalt  }
0x6d: {  	_ =	shalt  }
0x6e: {  	_ =	shalt  }
0x6f: {  	_ =	shalt  }
0x70: {  	_ =	shalt  }
0x71: {  	_ =	shalt  }
0x72: {  	_ =	shalt  }
0x73: {  	_ =	shalt  }
0x74: {  	_ =	shalt  }
0x75: {  	_ =	shalt  }
0x76: {  	_ =	shalt  }
0x77: {  	_ =	shalt  }
0x78: {  	_ =	shalt  }
0x79: {  	_ =	shalt  }
0x7a: {  	_ =	shalt  }
0x7b: {  	_ =	shalt  }
0x7c: {  	_ =	shalt  }
0x7d: {  	_ =	shalt  }
0x7e: {  	_ =	shalt  }
0x7f: {  	_ =	shalt  }
0x80: {  	_ =	shalt  }
0x81: {  	_ =	shalt  }
0x82: {  	_ =	shalt  }
0x83: {  	_ =	shalt  }
0x84: {  	_ =	shalt  }
0x85: {  	_ =	shalt  }
0x86: {  	_ =	shalt  }
0x87: {  	_ =	shalt  }
.Lfunc_end0:
.L_simem_size_0:
called_computation_lowered:
.L_overlay_start_0:
0x88: {  	s2 =	sld [smem:$0x3FD9]  }
0x89: {  	s3 =	sld [smem:$0x3FFE];
	_ =	sdelay $0x1  }
0x8a: {  	s1 =	srdreg.scid  }
0x8b: {  	s0 =	sand.u32 $0x1, s1  }
0x8c: {  	s17 =	sshll.u32 s0, $0xA;
	s2 =	sadd.s32 s3, s2  }
0x8d: {  	s2 =	sadd.s32 s2, s17  }
0x8e: {  	[smem:$0x3FC5] =	sst s2  }
0x8f: {  	_ = 	snop  }
0x90: {  	s2 =	sld [smem:$0x3FD0];
	(tm) =	ssettm $0x1  }
0x91: {  	s18 =	sld [smem:$0x3FFB];
	_ =	sdelay $0x3  }
0x92: {  	_ =	strace s18  }
0x93: {  	s3 =	sld [smem:$0x3FFC];
	_ =	sdelay $0x3  }
0x94: {  	_ =	strace s3  }
0x95: {  	s3 =	sld [smem:$0x3FFD];
	_ =	sdelay $0x3  }
0x96: {  	_ =	strace s3  }
0x97: {  	_ =	strace $0x8FFFFFFF  }
0x98: {  	s19 =	sld [smem:$0x3FDB];
	_ =	sdelay $0x1  }
0x99: {  	s4 =	simm.s32 $_scs_section_size  }
0x9a: {  	s5 =	simm.s32 $_size__tile_overlayer_lowered;
	s6 =	simm.s32 $_tile_overlayer_lowered  }
0x9b: {  	s22 =	simm.s32 $0x1BFF;
	s21 =	sshll.u32 s6, $0x1;
	s3 =	sadd.s32 s4, s19  }
0x9c: {  	s7 =	simm.s32 $0x0;
	s20 =	sshll.u32 s5, $0x1;
	s5 =	sadd.s32 s21, s3  }
0x9d: {  	[timem:s7], [sflag:s22] =	dma.local [hbm:s5], s20  }
0x9e: {  	_ =	swait.ge [sflag:s22], s20  }
0x9f: {  	s4 =	ssub.s32 $0x0, s20;
	[sflag:s22] =	ssyncset.done $0x0  }
0xa0: {  	[sflag:s22] =	ssyncadd.s32 s4;
	_ =	sdelay $0x1  }
0xa1: {  	s23 =	simm.s32 $0x1B8B  }
0xa2: {  	_ =	swait.ge [sflag:s23], $0x1  }
0xa3: {  	[sflag:s23] =	ssyncset.done $0x0  }
0xa4: {  	s25 =	simm.s32 $0x1B8E;
	s24 =	sld [smem:$0x3FFE];
	[sflag:s23] =	ssyncadd.s32 $0xFFFFFFFF  }
0xa5: {  	s26 =	simm.s32 $execute0_lowered;
	[smem:$0x3FD2] =	sst s25  }
0xa6: {  	s5 =	sshll.u32 s26, $0x1;
	_ =	strace $0x80000046;
	[dreg:$0x1] =	wrdreg $0xFFFFFFFF  }
0xa7: {  	s28 =	simm.s32 $_size_execute0_lowered;
	s3 =	sadd.s32 s3, s5;
	[dreg:$0x0] =	wrdreg $0x0  }
0xa8: {  	s5 =	sshll.u32 s28, $0x1;
	[dreg:$0x2] =	wrdreg s3  }
0xa9: {  	[dreg:$0x3] =	wrdreg s5  }
0xaa: {  	[dreg:$0x4] =	wrdreg $0xC0  }
0xab: {  	_ =	task [dreg:s7], $0x5FFFF  }
0xac: {  	[dreg:$0x1] =	wrdreg $0xFFFFFFFF  }
0xad: {  	[dreg:$0x0] =	wrdreg $0x60  }
0xae: {  	[dreg:$0x2] =	wrdreg s24  }
0xaf: {  	[dreg:$0x3] =	wrdreg s2  }
0xb0: {  	[dreg:$0x4] =	wrdreg $0x9  }
0xb1: {  	_ =	task.clear_ibuf [dreg:s7], $0x5FFFF;
	_ =	strace $0x90000046  }
0xb2: {  	s29 =	simm.s32 $0x9;
	_ =	strace $0x80000048  }
0xb3: {  	_ =	swait.ge [sflag:s29], $0x1  }
0xb4: {  	[sflag:s29] =	ssyncadd.s32 $0xFFFFFFFF  }
0xb5: {  	_ =	strace $0x90000048  }
0xb6: {  	_ =	sfence  }
0xb7: {  	s30 =	sld [smem:$0x0];
	_ =	sdelay $0x2  }
0xb8: {  	s31 =	sshll.u32 s1, $0xD;
	s1 =	sshrl.u32 s1, $0x2  }
0xb9: {  	s3 =	sand.u32 $0x4000, s31;
	s1 =	sadd.s32 s1, s30  }
0xba: {  	s0 =	sor.u32 s3, s0;
	s1 =	sshll.u32 s1, $0x11  }
0xbb: {  	s0 =	sor.u32 s1, s0  }
0xbc: {  	s0 =	sadd.s32 $0x8F2B, s0  }
0xbd: {  	[sflag:s0] =	ssyncadd.remote.s32 $0x1  }
0xbe: {  	_ =	sfence.sel $0xFFFF  }
0xbf: {  	[dreg:$0x0] =	wrdreg $0xFFFFFFFF;
	(pc) =	sbr.abs _section_cstart, $3  }
0xc0: {  	[dreg:$0x1] =	wrdreg $0xFFFFFFFF  }
0xc1: {  	_ =	task.clear_ibuf [dreg:s7], $0x2FFFF;
	_ =	strace $0x9FFFFFFF  }
0xc2: {  	(tm) =	ssettm $0x7FFFFFFF  }
0xc3: {  	_ =	shalt  }
tec
execute0_lowered:
.L_overlay_start_1:
0x0: {  	(tag) =	ssettag $0x1  }
0x1: {  	s0 =	rddreg [dreg:$0x0]  }
0x2: {  	s2 =	rddreg [dreg:$0x1]  }
0x3: {  	s1 =	srdreg.scid;
	s4 =	stileid.u32;
	s3 =	simm.s32 $0x0  }
0x4: {  	s17 =	simm.s32 $0x640;
	s19 =	simm.s32 $0x80;
	s28 =	simm.s32 $0x40  }
0x5: {  	s31 =	simm.s32 $0x4;
	s14 =	simm.s32 $0x18480;
	s16 =	simm.s32 $0xC40  }
0x6: {  	s20 =	simm.s32 $0x19480;
	s21 =	simm.s32 $0x1;
	s22 =	simm.s32 $0x19C80  }
0x7: {  	s23 =	simm.s32 $0x1B080;
	s24 =	simm.s32 $0x5;
	s1 =	sand.u32 $0x1, s1  }
0x8: {  	s4 =	sshll.u32 s4, $0x1;
	[smem:$0x7FF] =	sst s3;
	s5 =	sadd.s32 $0x1FE00, s0  }
0x9: {  	s8 =	sadd.s32 $0x81A00, s0;
	s6 =	sor.u32 s1, s4;
	_ =	strace $0x80000047  }
0xa: {  	s4 =	sadd.s32 $0xA00, s0;
	[dreg:$0x3] =	wrdreg s8;
	s7 =	smul.u32 $0x7D00, s6  }
0xb: {  	s0 =	sadd.s32 $0x81C00, s0;
	s25 =	ssub.s32 $0x2, s1;
	s26 =	smul.u32 $0xFA0, s6  }
0xc: {  	[dreg:$0x4] =	wrdreg s0;
	s9 =	sshrl.u32 s25, $0x1;
	s8 =	smul.u32 $0x640, s6  }
.Ltmp0:
0xd: {  	s0 =	ssub.s32 s25, s9;
	s9 =	simm.s32 $0x0;
	(pc) =	sbr.rel .LBB2_1-.Ltmp0, $4  }
0xe: {  	v0 =	vlaneseq.u32;
	s7 =	sshrl.u32 s7, $0x3;
	s1 =	sadd.s32 s4, s26;
	s11 =	sadd.s32 $0xA0, s8  }
0xf: {  	v0 =	vmul.u32 $0x2, v0;
	s0 =	smax.u32 s0, $0x1;
	s29 =	sadd.s32 s4, s7;
	[dreg:$0x5] =	wrdreg s1  }
0x10: {  	s12 =	sadd.s32 $0xF0, s8;
	[dreg:$0x7] =	wrdreg s0;
	s30 =	sadd.s32 $0xC8, s29  }
0x11: {  	v1 =	vor.u32 $0x1, v0;
	v2 =	vor.u32 $0x20, v0;
	v3 =	vor.u32 $0x21, v0;
	s0 =	simm.s32 $0x17480;
	s1 =	simm.s32 $0xBC0;
	[dreg:$0x6] =	wrdreg s30  }
.LBB2_11:
0x12: {  	_ =	swait.ge [sflag:s24], $0x1400  }
0x13: {  	[sflag:s24] =	ssyncset.done $0x0  }
0x14: {  	s7 =	simm.s32 $0x6;
	[sflag:s24] =	ssyncadd.s32 $0xFFFFEC00  }
0x15: {  	_ =	swait.ge [sflag:s7], $0x1400  }
0x16: {  	s9 =	rddreg [dreg:$0x8]  }
0x17: {  	s6 =	rddreg [dreg:$0x7];
	s9 =	sadd.s32 $0x1, s9  }
0x18: {  	p0 =	sne.s32 s9, s6  }
.Ltmp1:
0x19: {  	_ = 	snop;
	(pc) =	sbr.rel @!p0 .LBB2_12-.Ltmp1, $3  }
0x1a: {  	_ =	sdelay $0x1  }
0x1b: {  	[sflag:s7] =	ssyncset.done $0x0  }
0x1c: {  	[sflag:s7] =	ssyncadd.s32 $0xFFFFEC00  }
.LBB2_1:
0x1d: {  	[dreg:$0x8] =	wrdreg s9  }
0x1e: {  	s6 =	rddreg [dreg:$0x4];
	s7 =	simm.s32 $0x1D100;
	s26 =	simm.s32 $0x7  }
0x1f: {  	[tilespmem:s7], [sflag:$0x7] =	stream.linear.gather [hbm4b:s6+s3], $0x500, $0x38;
	[tilespmem:$0x1D600] =	vst v63  }
0x20: {  	_ =	swait.ge [sflag:s26], $0x500  }
0x21: {  	[sflag:s26] =	ssyncset.done $0x0  }
0x22: {  	s30 =	simm.s32 $0x1C480;
	s29 =	rddreg [dreg:$0x3];
	[sflag:s26] =	ssyncadd.s32 $0xFFFFFB00  }
0x23: {  	[tilespmem:s30], [sflag:$0x7] =	stream.linear.gather [hbm4b:s29+s3], $0xC80, $0x38;
	[tilespmem:$0x1D600] =	vst v63  }
0x24: {  	_ =	swait.ge [sflag:s26], $0xC80  }
0x25: {  	[sflag:s26] =	ssyncset.done $0x0  }
0x26: {  	s9 =	rddreg [dreg:$0x5];
	[sflag:s26] =	ssyncadd.s32 $0xFFFFF380  }
0x27: {  	[tilespmem:s3], [sflag:$0x3] =	stream.linear.gather [hbm4b:s9+s3], $0x640, $0x38;
	[tilespmem:$0x1D600] =	vst v63  }
0x28: {  	s13 =	simm.s32 $0x3;
	s10 =	rddreg [dreg:$0x6]  }
0x29: {  	[tilespmem:s17], [sflag:$0x4] =	stream.linear.gather [hbm4b:s10+s3], $0x640, $0x38;
	[tilespmem:$0x1D600] =	vst v63  }
0x2a: {  	_ =	swait.ge [sflag:s13], $0x640  }
0x2b: {  	[sflag:s13] =	ssyncset.done $0x0  }
0x2c: {  	s15 =	simm.s32 $0xC80;
	[sflag:s13] =	ssyncadd.s32 $0xFFFFF9C0  }
0x2d: {  	[tilespmem:s15], [sflag:$0x1] =	stream.indirect.gather [hbm4b:s5+s19], $0x20, s3, s19, $0xb8;
	[tilespmem:$0x1D600] =	vst v63  }
0x2e: {  	s18 =	simm.s32 $0x1C80  }
0x2f: {  	[tilespmem:s18], [sflag:$0x1] =	stream.indirect.gather [hbm4b:s5+s19], $0x20, s19, s19, $0xb8;
	[tilespmem:$0x1D600] =	vst v63  }
0x30: {  	s25 =	simm.s32 $0x100;
	s26 =	simm.s32 $0x2C80  }
0x31: {  	[tilespmem:s26], [sflag:$0x1] =	stream.indirect.gather [hbm4b:s5+s19], $0x20, s25, s19, $0xb8;
	[tilespmem:$0x1D600] =	vst v63  }
0x32: {  	s29 =	simm.s32 $0x180;
	s30 =	simm.s32 $0x3C80  }
0x33: {  	[tilespmem:s30], [sflag:$0x1] =	stream.indirect.gather [hbm4b:s5+s19], $0x20, s29, s19, $0xb8;
	[tilespmem:$0x1D600] =	vst v63  }
0x34: {  	s7 =	simm.s32 $0x200;
	s9 =	simm.s32 $0x4C80  }
0x35: {  	[tilespmem:s9], [sflag:$0x1] =	stream.indirect.gather [hbm4b:s5+s19], $0x20, s7, s19, $0xb8;
	[tilespmem:$0x1D600] =	vst v63  }
0x36: {  	s10 =	simm.s32 $0x280;
	s13 =	simm.s32 $0x5C80  }
0x37: {  	[tilespmem:s13], [sflag:$0x1] =	stream.indirect.gather [hbm4b:s5+s19], $0x20, s10, s19, $0xb8;
	[tilespmem:$0x1D600] =	vst v63  }
0x38: {  	s15 =	simm.s32 $0x300;
	s18 =	simm.s32 $0x6C80  }
0x39: {  	[tilespmem:s18], [sflag:$0x1] =	stream.indirect.gather [hbm4b:s5+s19], $0x20, s15, s19, $0xb8;
	[tilespmem:$0x1D600] =	vst v63  }
0x3a: {  	s25 =	simm.s32 $0x380;
	s26 =	simm.s32 $0x7C80  }
0x3b: {  	[tilespmem:s26], [sflag:$0x1] =	stream.indirect.gather [hbm4b:s5+s19], $0x20, s25, s19, $0xb8;
	[tilespmem:$0x1D600] =	vst v63  }
0x3c: {  	s29 =	simm.s32 $0x400;
	s30 =	simm.s32 $0x8C80  }
0x3d: {  	[tilespmem:s30], [sflag:$0x1] =	stream.indirect.gather [hbm4b:s5+s19], $0x20, s29, s19, $0xb8;
	[tilespmem:$0x1D600] =	vst v63  }
0x3e: {  	s9 =	simm.s32 $0x480;
	s10 =	simm.s32 $0x9C80  }
0x3f: {  	[tilespmem:s10], [sflag:$0x1] =	stream.indirect.gather [hbm4b:s5+s19], $0x20, s9, s19, $0xb8;
	[tilespmem:$0x1D600] =	vst v63  }
0x40: {  	s13 =	simm.s32 $0x500;
	s15 =	simm.s32 $0xAC80  }
0x41: {  	[tilespmem:s15], [sflag:$0x1] =	stream.indirect.gather [hbm4b:s5+s19], $0x20, s13, s19, $0xb8;
	[tilespmem:$0x1D600] =	vst v63  }
0x42: {  	s18 =	simm.s32 $0x580;
	s25 =	simm.s32 $0xBC80  }
0x43: {  	[tilespmem:s25], [sflag:$0x1] =	stream.indirect.gather [hbm4b:s5+s19], $0x20, s18, s19, $0xb8;
	[tilespmem:$0x1D600] =	vst v63  }
0x44: {  	s26 =	simm.s32 $0x600;
	s29 =	simm.s32 $0xCC80  }
0x45: {  	[tilespmem:s29], [sflag:$0x1] =	stream.indirect.gather [hbm4b:s5+s28], $0x20, s26, s28, $0xb8;
	[tilespmem:$0x1D600] =	vst v63  }
0x46: {  	_ =	swait.ge [sflag:s31], $0x640  }
0x47: {  	[sflag:s31] =	ssyncset.done $0x0  }
0x48: {  	s30 =	simm.s32 $0xD480;
	[sflag:s31] =	ssyncadd.s32 $0xFFFFF9C0  }
0x49: {  	[tilespmem:s30], [sflag:$0x2] =	stream.indirect.gather [hbm4b:s5+s19], $0x20, s17, s19, $0xb8;
	[tilespmem:$0x1D600] =	vst v63  }
0x4a: {  	s7 =	simm.s32 $0x6C0;
	s9 =	simm.s32 $0xE480  }
0x4b: {  	[tilespmem:s9], [sflag:$0x2] =	stream.indirect.gather [hbm4b:s5+s19], $0x20, s7, s19, $0xb8;
	[tilespmem:$0x1D600] =	vst v63  }
0x4c: {  	s10 =	simm.s32 $0x740;
	s13 =	simm.s32 $0xF480  }
0x4d: {  	[tilespmem:s13], [sflag:$0x2] =	stream.indirect.gather [hbm4b:s5+s19], $0x20, s10, s19, $0xb8;
	[tilespmem:$0x1D600] =	vst v63  }
0x4e: {  	s15 =	simm.s32 $0x7C0;
	s18 =	simm.s32 $0x10480  }
0x4f: {  	[tilespmem:s18], [sflag:$0x2] =	stream.indirect.gather [hbm4b:s5+s19], $0x20, s15, s19, $0xb8;
	[tilespmem:$0x1D600] =	vst v63  }
0x50: {  	s25 =	simm.s32 $0x840;
	s26 =	simm.s32 $0x11480  }
0x51: {  	[tilespmem:s26], [sflag:$0x2] =	stream.indirect.gather [hbm4b:s5+s19], $0x20, s25, s19, $0xb8;
	[tilespmem:$0x1D600] =	vst v63  }
0x52: {  	s29 =	simm.s32 $0x8C0;
	s30 =	simm.s32 $0x12480  }
0x53: {  	[tilespmem:s30], [sflag:$0x2] =	stream.indirect.gather [hbm4b:s5+s19], $0x20, s29, s19, $0xb8;
	[tilespmem:$0x1D600] =	vst v63  }
0x54: {  	s9 =	simm.s32 $0x940;
	s10 =	simm.s32 $0x13480  }
0x55: {  	[tilespmem:s10], [sflag:$0x2] =	stream.indirect.gather [hbm4b:s5+s19], $0x20, s9, s19, $0xb8;
	[tilespmem:$0x1D600] =	vst v63  }
0x56: {  	s13 =	simm.s32 $0x9C0;
	s15 =	simm.s32 $0x14480  }
0x57: {  	[tilespmem:s15], [sflag:$0x2] =	stream.indirect.gather [hbm4b:s5+s19], $0x20, s13, s19, $0xb8;
	[tilespmem:$0x1D600] =	vst v63  }
0x58: {  	s18 =	simm.s32 $0xA40;
	s25 =	simm.s32 $0x15480  }
0x59: {  	[tilespmem:s25], [sflag:$0x2] =	stream.indirect.gather [hbm4b:s5+s19], $0x20, s18, s19, $0xb8;
	[tilespmem:$0x1D600] =	vst v63  }
0x5a: {  	s26 =	simm.s32 $0xAC0;
	s29 =	simm.s32 $0x16480  }
0x5b: {  	[tilespmem:s29], [sflag:$0x2] =	stream.indirect.gather [hbm4b:s5+s19], $0x20, s26, s19, $0xb8;
	[tilespmem:$0x1D600] =	vst v63  }
0x5c: {  	s30 =	simm.s32 $0xB40  }
0x5d: {  	[tilespmem:s0], [sflag:$0x2] =	stream.indirect.gather [hbm4b:s5+s19], $0x20, s30, s19, $0xb8;
	[tilespmem:$0x1D600] =	vst v63  }
0x5e: {  	_ = 	snop  }
0x5f: {  	[tilespmem:s14], [sflag:$0x2] =	stream.indirect.gather [hbm4b:s5+s19], $0x20, s1, s19, $0xb8;
	[tilespmem:$0x1D600] =	vst v63  }
0x60: {  	s25 =	simm.s32 $0x0  }
0x61: {  	[tilespmem:s20], [sflag:$0x2] =	stream.indirect.gather [hbm4b:s5+s28], $0x20, s16, s28, $0xb8;
	[tilespmem:$0x1D600] =	vst v63  }
.LBB2_2:
0x62: {  	p0 =	seq.s32 s25, $0x9  }
0x63: {  	s6 =	smul.u32 @!p0 $0xA0, s25;
	_ =	sdelay $0x1  }
0x64: {  	_ =	swait.ge [sflag:s21], $0xC800;
	s7 =	sadd.s32 @!p0 s6, s11  }
0x65: {  	[sflag:s21] =	ssyncset.done $0x0;
	s7 =	smul.u32 @!p0 $0x14, s7  }
0x66: {  	s26 =	simm.s32 @!p0 $0x0;
	p1 =	seq.s32 @!p0 s25, $0x0;
	s9 =	sand.u32 @!p0 $0xFFE0, s6  }
0x67: {  	[sflag:s21] =	ssyncadd.s32 $0xFFFF3800;
	s9 =	sshrl.u32 @!p0 s9, $0x1;
	s7 =	sshrl.u32 @!p0 s7, $0x3  }
0x68: {  	p1 =	por p0, !p1;
	s9 =	smul.u32 @!p0 $0x147B, s9;
	s7 =	sadd.s32 @!p0 s4, s7  }
0x69: {  	[tilespmem:s26], [sflag:$0x3] =	stream.linear.gather @!p0 [hbm4b:s7+s26], $0x640, $0x38;
	[tilespmem:$0x1D600] =	vst v63  }
.Ltmp2:
0x6a: {  	s7 =	sshrl.u32 @!p0 s9, $0x11;
	(pc) =	sbr.rel @!p1 .LBB2_3-.Ltmp2, $3  }
0x6b: {  	s7 =	smul.u32 @!p0 $0x32, s7;
	_ =	sdelay $0x1  }
0x6c: {  	s7 =	ssub.s32 @!p0 s6, s7  }
0x6d: {  	s29 =	sand.u32 @!p0 $0xFFFE, s7  }
.Ltmp3:
0x6e: {  	(pc) =	sbr.rel .LBB2_5-.Ltmp3, $4  }
0x6f: {  	_ = 	snop  }
0x70: {  	_ =	swait.ge [sflag:s24], $0x1400  }
0x71: {  	s6 =	simm.s32 @p0 $0x5A0;
	s29 =	simm.s32 @p0 $0x28;
	[sflag:s24] =	ssyncset.done $0x0  }
0x72: {  	p1 =	por $0x0, $0x0;
	s26 =	smov.u32 s6;
	[sflag:s24] =	ssyncadd.s32 $0xFFFFEC00  }
.LBB2_3:
0x73: {  	p1 =	por @!p0 $0x1, $0x1  }
.LBB2_5:
0x74: {  	v23 =	vld [tilespmem:$0x1D150]  }
0x75: {  	v24 =	vld [tilespmem:$0x1D140]  }
0x76: {  	v27 =	vld [tilespmem:$0x1D100]  }
0x77: {  	v28 =	vld [tilespmem:$0x1D110]  }
0x78: {  	v32 =	vld [tilespmem:$0x1D180]  }
0x79: {  	v36 =	vld [tilespmem:$0x1D190]  }
0x7a: {  	v37 =	vld [tilespmem:$0x1D1C0]  }
0x7b: {  	v38 =	vld [tilespmem:$0x1D1D0]  }
0x7c: {  	v40 =	vld [tilespmem:$0x1D200]  }
0x7d: {  	v42 =	vld [tilespmem:$0x1D210]  }
0x7e: {  	v44 =	vld [tilespmem:$0x1D240]  }
0x7f: {  	v46 =	vld [tilespmem:$0x1D250]  }
0x80: {  	v48 =	vld [tilespmem:$0x1D280]  }
0x81: {  	v49 =	vld [tilespmem:$0x1D290]  }
0x82: {  	v51 =	vld [tilespmem:$0x1D2C0]  }
0x83: {  	v53 =	vld [tilespmem:$0x1D2D0]  }
0x84: {  	v55 =	vld [tilespmem:$0x1D300]  }
0x85: {  	s6 =	smulhi.u32 $0x51EB851F, s29;
	v56 =	vld [tilespmem:$0x1D310]  }
0x86: {  	v58 =	vld [tilespmem:$0x1D340]  }
0x87: {  	s30 =	simm.s32 $0xDC0;
	v59 =	vld [tilespmem:$0x1D350];
	s6 =	sshrl.u32 s6, $0x4  }
0x88: {  	v9 =	vld [tilespmem:s30+$0x120];
	s7 =	smul.u32 $0xFFFFCE00, s6  }
0x89: {  	s18 =	sshll.u32 s29, $0x6;
	v26 =	vld [tilespmem:s30+$0xFFFFFEC0]  }
0x8a: {  	v22 =	vld [tilespmem:s30+$0xFFFFFF00];
	s6 =	sadd.s32 $0x1C480, s18;
	s7 =	sshra.s32 s7, $0x2  }
0x8b: {  	v25 =	vld [tilespmem:s30+$0xFFFFFEE0];
	s7 =	sadd.s32 s7, s6  }
0x8c: {  	v29 =	vld [tilespmem:s7+$0x0]  }
0x8d: {  	v30 =	vld [tilespmem:s7+$0x10]  }
0x8e: {  	v61 =	vld [tilespmem:$0x1D390];
	v31 =	vunpack.i.l.bf16.f32 v26  }
0x8f: {  	v21 =	vld [tilespmem:s30+$0xFFFFFF20];
	v7 =	vunpack.i.u.bf16.f32 v9;
	v26 =	vunpack.i.u.bf16.f32 v26;
	v27 =	vmul.f32 v27, v31  }
0x90: {  	v63 =	vld [tilespmem:$0x1D3D0];
	v9 =	vunpack.i.l.bf16.f32 v9;
	v33 =	vunpack.i.l.bf16.f32 v25;
	v26 =	vmul.f32 v28, v26  }
0x91: {  	v20 =	vld [tilespmem:s30+$0xFFFFFF40];
	v25 =	vunpack.i.u.bf16.f32 v25;
	v24 =	vmul.f32 v24, v33;
	v27 =	vadd.f32 v27, v29  }
0x92: {  	v4 =	vld [tilespmem:s30+$0x100];
	v39 =	vunpack.i.l.bf16.f32 v22;
	v23 =	vmul.f32 v23, v25;
	v26 =	vadd.f32 v26, v30  }
0x93: {  	v19 =	vld [tilespmem:s30+$0xFFFFFF60];
	v22 =	vunpack.i.u.bf16.f32 v22;
	v41 =	vmul.f32 v32, v39;
	v24 =	vadd.f32 v24, v27  }
0x94: {  	v5 =	vld [tilespmem:s30+$0xE0];
	v43 =	vunpack.i.l.bf16.f32 v21;
	v22 =	vmul.f32 v36, v22;
	v23 =	vadd.f32 v23, v26  }
0x95: {  	v18 =	vld [tilespmem:s30+$0xFFFFFF80];
	v21 =	vunpack.i.u.bf16.f32 v21;
	v45 =	vmul.f32 v37, v43;
	v24 =	vadd.f32 v41, v24  }
0x96: {  	v6 =	vld [tilespmem:s30+$0xC0];
	v47 =	vunpack.i.l.bf16.f32 v20;
	v21 =	vmul.f32 v38, v21;
	v22 =	vadd.f32 v22, v23  }
0x97: {  	v17 =	vld [tilespmem:s30+$0xFFFFFFA0];
	v20 =	vunpack.i.u.bf16.f32 v20;
	v25 =	vmul.f32 v40, v47;
	v24 =	vadd.f32 v45, v24  }
0x98: {  	v8 =	vld [tilespmem:s30+$0xA0];
	v50 =	vunpack.i.l.bf16.f32 v19;
	v20 =	vmul.f32 v42, v20;
	v21 =	vadd.f32 v21, v22  }
0x99: {  	v16 =	vld [tilespmem:s30+$0xFFFFFFC0];
	v19 =	vunpack.i.u.bf16.f32 v19;
	v52 =	vmul.f32 v44, v50;
	v24 =	vadd.f32 v25, v24  }
0x9a: {  	v10 =	vld [tilespmem:s30+$0x80];
	v54 =	vunpack.i.l.bf16.f32 v18;
	v19 =	vmul.f32 v46, v19;
	v20 =	vadd.f32 v20, v21  }
0x9b: {  	v15 =	vld [tilespmem:s30+$0xFFFFFFE0];
	v18 =	vunpack.i.u.bf16.f32 v18;
	v23 =	vmul.f32 v48, v54;
	v24 =	vadd.f32 v52, v24  }
0x9c: {  	v11 =	vld [tilespmem:s30+$0x60];
	v57 =	vunpack.i.l.bf16.f32 v17;
	v18 =	vmul.f32 v49, v18;
	v19 =	vadd.f32 v19, v20  }
0x9d: {  	v14 =	vld [tilespmem:s30+$0x0];
	v17 =	vunpack.i.u.bf16.f32 v17;
	v22 =	vmul.f32 v51, v57;
	v23 =	vadd.f32 v23, v24  }
0x9e: {  	v60 =	vunpack.i.l.bf16.f32 v16;
	v17 =	vmul.f32 v53, v17;
	v18 =	vadd.f32 v18, v19;
	v19 =	vld [tilespmem:$0x1D380]  }
0x9f: {  	v13 =	vld [tilespmem:s30+$0x20];
	v16 =	vunpack.i.u.bf16.f32 v16;
	v21 =	vmul.f32 v55, v60;
	v22 =	vadd.f32 v22, v23  }
0xa0: {  	v62 =	vunpack.i.l.bf16.f32 v15;
	v16 =	vmul.f32 v56, v16;
	v17 =	vadd.f32 v17, v18;
	v18 =	vld [tilespmem:$0x1D3C0]  }
0xa1: {  	v12 =	vld [tilespmem:s30+$0x40];
	v15 =	vunpack.i.u.bf16.f32 v15;
	v20 =	vmul.f32 v58, v62;
	v21 =	vadd.f32 v21, v22  }
0xa2: {  	v28 =	vunpack.i.l.bf16.f32 v14;
	v15 =	vmul.f32 v59, v15;
	v16 =	vadd.f32 v16, v17;
	v17 =	vld [tilespmem:$0x1D400]  }
0xa3: {  	v14 =	vunpack.i.u.bf16.f32 v14;
	v29 =	vld [tilespmem:$0x1D410];
	v19 =	vmul.f32 v19, v28;
	v20 =	vadd.f32 v20, v21  }
0xa4: {  	v14 =	vmul.f32 v61, v14;
	v30 =	vunpack.i.l.bf16.f32 v13;
	v15 =	vadd.f32 v15, v16;
	v16 =	vld [tilespmem:$0x1D440]  }
0xa5: {  	v31 =	vld [tilespmem:$0x1D450];
	v13 =	vunpack.i.u.bf16.f32 v13;
	v18 =	vmul.f32 v18, v30;
	v19 =	vadd.f32 v19, v20  }
0xa6: {  	v32 =	vunpack.i.l.bf16.f32 v12;
	v13 =	vmul.f32 v63, v13;
	v14 =	vadd.f32 v14, v15;
	v15 =	vld [tilespmem:$0x1D480]  }
0xa7: {  	v12 =	vunpack.i.u.bf16.f32 v12;
	v17 =	vmul.f32 v17, v32;
	v18 =	vadd.f32 v18, v19;
	v19 =	vld [tilespmem:$0x1D490]  }
0xa8: {  	v33 =	vunpack.i.l.bf16.f32 v11;
	v12 =	vmul.f32 v29, v12;
	v13 =	vadd.f32 v13, v14;
	v14 =	vld [tilespmem:$0x1D4C0]  }
0xa9: {  	v11 =	vunpack.i.u.bf16.f32 v11;
	v16 =	vmul.f32 v16, v33;
	v17 =	vadd.f32 v17, v18;
	v18 =	vld [tilespmem:$0x1D4D0]  }
0xaa: {  	v34 =	vunpack.i.l.bf16.f32 v10;
	v11 =	vmul.f32 v31, v11;
	v12 =	vadd.f32 v12, v13;
	v13 =	vld [tilespmem:$0x1D500]  }
0xab: {  	v10 =	vunpack.i.u.bf16.f32 v10;
	v15 =	vmul.f32 v15, v34;
	v16 =	vadd.f32 v16, v17;
	v17 =	vld [tilespmem:$0x1D510]  }
0xac: {  	v35 =	vunpack.i.l.bf16.f32 v8;
	v11 =	vadd.f32 v11, v12;
	v12 =	vld [tilespmem:$0x1D540];
	v10 =	vmul.f32 v19, v10  }
0xad: {  	v8 =	vunpack.i.u.bf16.f32 v8;
	v14 =	vmul.f32 v14, v35;
	v15 =	vadd.f32 v15, v16;
	v16 =	vld [tilespmem:$0x1D550]  }
0xae: {  	v19 =	vunpack.i.l.bf16.f32 v6;
	v10 =	vadd.f32 v10, v11;
	v8 =	vmul.f32 v18, v8;
	v11 =	vld [tilespmem:$0x1D580]  }
0xaf: {  	v6 =	vunpack.i.u.bf16.f32 v6;
	v13 =	vmul.f32 v13, v19;
	v14 =	vadd.f32 v14, v15;
	v15 =	vld [tilespmem:$0x1D590]  }
0xb0: {  	v18 =	vunpack.i.l.bf16.f32 v5;
	v8 =	vadd.f32 v8, v10;
	v6 =	vmul.f32 v17, v6;
	v10 =	vld [tilespmem:$0x1D5C0]  }
0xb1: {  	v5 =	vunpack.i.u.bf16.f32 v5;
	v12 =	vmul.f32 v12, v18;
	v13 =	vadd.f32 v13, v14;
	v14 =	vld [tilespmem:$0x1D5D0]  }
0xb2: {  	v17 =	vunpack.i.l.bf16.f32 v4;
	v6 =	vadd.f32 v6, v8;
	v5 =	vmul.f32 v16, v5  }
0xb3: {  	s10 =	simm.s32 $0x0;
	v4 =	vunpack.i.u.bf16.f32 v4;
	v8 =	vadd.f32 v12, v13;
	v11 =	vmul.f32 v11, v17  }
0xb4: {  	v5 =	vadd.f32 v5, v6;
	v4 =	vmul.f32 v15, v4;
	v6 =	vor.u32 s10, v0  }
0xb5: {  	v8 =	vadd.f32 v11, v8;
	v9 =	vmul.f32 v10, v9;
	v10 =	vor.u32 s10, v1  }
0xb6: {  	v4 =	vadd.f32 v4, v5;
	v5 =	vmul.f32 v14, v7  }
0xb7: {  	v7 =	vadd.f32 v9, v8  }
0xb8: {  	v4 =	vadd.f32 v5, v4  }
0xb9: {  	[tilespmem:v6+s22+$0x0] =	vst.idx.msk $0xffff, v7  }
0xba: {  	[tilespmem:v10+s22+$0x0] =	vst.idx.msk $0xffff, v4  }
0xbb: {  	v4 =	vld [tilespmem:$0x1D220]  }
0xbc: {  	v5 =	vld [tilespmem:s30+$0xFFFFFF70]  }
0xbd: {  	v6 =	vld [tilespmem:s30+$0xFFFFFF90]  }
0xbe: {  	v7 =	vld [tilespmem:s30+$0xFFFFFFB0]  }
0xbf: {  	v8 =	vld [tilespmem:s30+$0xFFFFFFD0]  }
0xc0: {  	v9 =	vld [tilespmem:$0x1D1F0]  }
0xc1: {  	v10 =	vld [tilespmem:$0x1D1E0]  }
0xc2: {  	v11 =	vld [tilespmem:$0x1D1B0]  }
0xc3: {  	v12 =	vld [tilespmem:s7+$0x30]  }
0xc4: {  	v13 =	vld [tilespmem:$0x1D1A0]  }
0xc5: {  	v14 =	vld [tilespmem:s30+$0xFFFFFF30]  }
0xc6: {  	v15 =	vld [tilespmem:s7+$0x20]  }
0xc7: {  	v16 =	vld [tilespmem:s30+$0xFFFFFF50]  }
0xc8: {  	v17 =	vld [tilespmem:$0x1D170]  }
0xc9: {  	v18 =	vld [tilespmem:s30+$0xFFFFFF10]  }
0xca: {  	v19 =	vld [tilespmem:$0x1D160]  }
0xcb: {  	v36 =	vld [tilespmem:s30+$0xFFFFFEF0]  }
0xcc: {  	v37 =	vld [tilespmem:$0x1D130]  }
0xcd: {  	v38 =	vld [tilespmem:$0x1D120]  }
0xce: {  	v39 =	vld [tilespmem:s30+$0xFFFFFED0]  }
0xcf: {  	v40 =	vld [tilespmem:$0x1D230]  }
0xd0: {  	v41 =	vld [tilespmem:$0x1D260]  }
0xd1: {  	v42 =	vld [tilespmem:$0x1D270]  }
0xd2: {  	v44 =	vld [tilespmem:$0x1D2A0];
	v43 =	vunpack.i.u.bf16.f32 v14;
	v14 =	vunpack.i.l.bf16.f32 v14;
	v46 =	vunpack.i.l.bf16.f32 v16  }
0xd3: {  	v45 =	vld [tilespmem:$0x1D2B0];
	v47 =	vunpack.i.l.bf16.f32 v39;
	v50 =	vunpack.i.l.bf16.f32 v8;
	v51 =	vunpack.i.l.bf16.f32 v36  }
0xd4: {  	v48 =	vld [tilespmem:$0x1D2E0];
	v10 =	vmul.f32 v10, v14;
	v14 =	vunpack.i.u.bf16.f32 v18;
	v18 =	vunpack.i.l.bf16.f32 v18  }
0xd5: {  	v49 =	vld [tilespmem:$0x1D2F0];
	v22 =	vmul.f32 v38, v47;
	v13 =	vmul.f32 v13, v18;
	v18 =	vunpack.i.u.bf16.f32 v39  }
0xd6: {  	v52 =	vld [tilespmem:$0x1D320];
	v20 =	vunpack.i.u.bf16.f32 v36;
	v54 =	vunpack.i.u.bf16.f32 v7;
	v18 =	vmul.f32 v37, v18  }
0xd7: {  	v53 =	vld [tilespmem:$0x1D330];
	v7 =	vunpack.i.l.bf16.f32 v7;
	v19 =	vmul.f32 v19, v51;
	v15 =	vadd.f32 v22, v15  }
0xd8: {  	v55 =	vunpack.i.u.bf16.f32 v5;
	v17 =	vmul.f32 v17, v20;
	v12 =	vadd.f32 v18, v12;
	v18 =	vld [tilespmem:s30+$0x70]  }
0xd9: {  	v5 =	vunpack.i.l.bf16.f32 v5;
	v11 =	vmul.f32 v11, v14;
	v14 =	vadd.f32 v19, v15;
	v15 =	vld [tilespmem:s30+$0x50]  }
0xda: {  	v16 =	vunpack.i.u.bf16.f32 v16;
	v8 =	vunpack.i.u.bf16.f32 v8;
	v12 =	vadd.f32 v17, v12;
	v17 =	vld [tilespmem:s30+$0x30]  }
0xdb: {  	v9 =	vmul.f32 v9, v43;
	v4 =	vmul.f32 v4, v46;
	v13 =	vadd.f32 v13, v14;
	v14 =	vld [tilespmem:s30+$0x10]  }
0xdc: {  	v16 =	vmul.f32 v40, v16;
	v5 =	vmul.f32 v41, v5;
	v11 =	vadd.f32 v11, v12;
	v12 =	vld [tilespmem:s30+$0xFFFFFFF0]  }
0xdd: {  	v20 =	vmul.f32 v42, v55;
	v7 =	vmul.f32 v48, v7;
	v10 =	vadd.f32 v10, v13;
	v13 =	vld [tilespmem:$0x1D360]  }
0xde: {  	v23 =	vmul.f32 v49, v54;
	v21 =	vmul.f32 v52, v50;
	v9 =	vadd.f32 v9, v11;
	v11 =	vld [tilespmem:$0x1D370]  }
0xdf: {  	v19 =	vunpack.i.u.bf16.f32 v6;
	v6 =	vunpack.i.l.bf16.f32 v6;
	v4 =	vadd.f32 v4, v10;
	v10 =	vld [tilespmem:$0x1D3A0]  }
0xe0: {  	v22 =	vmul.f32 v53, v8;
	v6 =	vmul.f32 v44, v6;
	v9 =	vadd.f32 v16, v9;
	v16 =	vld [tilespmem:$0x1D3B0]  }
0xe1: {  	v19 =	vmul.f32 v45, v19;
	v56 =	vunpack.i.u.bf16.f32 v18;
	v4 =	vadd.f32 v5, v4;
	v5 =	vld [tilespmem:$0x1D3E0]  }
0xe2: {  	v18 =	vunpack.i.l.bf16.f32 v18;
	v57 =	vunpack.i.l.bf16.f32 v15;
	v8 =	vadd.f32 v20, v9;
	v9 =	vld [tilespmem:$0x1D3F0]  }
0xe3: {  	v15 =	vunpack.i.u.bf16.f32 v15;
	v58 =	vunpack.i.l.bf16.f32 v17;
	v4 =	vadd.f32 v6, v4;
	v6 =	vld [tilespmem:$0x1D420]  }
0xe4: {  	v59 =	vunpack.i.u.bf16.f32 v14;
	v14 =	vunpack.i.l.bf16.f32 v14;
	v8 =	vadd.f32 v19, v8;
	v19 =	vld [tilespmem:$0x1D430]  }
0xe5: {  	v60 =	vunpack.i.l.bf16.f32 v12;
	v12 =	vunpack.i.u.bf16.f32 v12;
	v4 =	vadd.f32 v7, v4;
	v7 =	vld [tilespmem:$0x1D460]  }
0xe6: {  	v62 =	vld [tilespmem:$0x1D470];
	v13 =	vmul.f32 v13, v60;
	v61 =	vmul.f32 v11, v12;
	v11 =	vadd.f32 v23, v8  }
0xe7: {  	v63 =	vmul.f32 v10, v14;
	v14 =	vunpack.i.u.bf16.f32 v17;
	v10 =	vadd.f32 v21, v4;
	v4 =	vld [tilespmem:s30+$0xB0]  }
0xe8: {  	v12 =	vmul.f32 v5, v58;
	v8 =	vmul.f32 v16, v59;
	v5 =	vadd.f32 v22, v11;
	v11 =	vld [tilespmem:s30+$0x90]  }
0xe9: {  	v9 =	vmul.f32 v9, v14;
	v14 =	vld [tilespmem:$0x1D4A0];
	v13 =	vadd.f32 v13, v10;
	v10 =	vmul.f32 v6, v57  }
0xea: {  	v6 =	vmul.f32 v19, v15;
	v15 =	vld [tilespmem:$0x1D4B0];
	v7 =	vmul.f32 v7, v18  }
0xeb: {  	s9 =	simm.s32 $0x1;
	s7 =	simm.s32 $0xDC0;
	v16 =	vadd.f32 v61, v5;
	v17 =	vadd.f32 v63, v13;
	v5 =	vmul.f32 v62, v56;
	v13 =	vld [tilespmem:$0x1D4E0]  }
.LBB2_6:
0xec: {  	v18 =	vld [tilespmem:$0x1D4F0];
	s6 =	sadd.s32 $0x40, s6;
	s29 =	sadd.s32 $0x1, s29;
	s30 =	sadd.s32 $0x280, s30  }
0xed: {  	p2 =	sne.s32 s9, $0x4F;
	v8 =	vadd.f32 v8, v16;
	s13 =	smov.u32 s9;
	s9 =	sadd.s32 $0x1, s9;
	v12 =	vadd.f32 v12, v17;
	v16 =	vunpack.i.l.bf16.f32 v11;
	v17 =	vld [tilespmem:s7+$0xF0]  }
0xee: {  	v11 =	vunpack.i.u.bf16.f32 v11;
	v14 =	vmul.f32 v14, v16;
	v16 =	vld [tilespmem:s7+$0xD0]  }
0xef: {  	v8 =	vadd.f32 v9, v8;
	v9 =	vmul.f32 v15, v11;
	v11 =	vunpack.i.l.bf16.f32 v4;
	v15 =	vld [tilespmem:$0x1D520]  }
0xf0: {  	v10 =	vadd.f32 v10, v12;
	v4 =	vunpack.i.u.bf16.f32 v4;
	v11 =	vmul.f32 v13, v11;
	v12 =	vld [tilespmem:$0x1D530]  }
0xf1: {  	v6 =	vadd.f32 v6, v8;
	v4 =	vmul.f32 v18, v4;
	v8 =	vld [tilespmem:$0x1D560]  }
0xf2: {  	v7 =	vadd.f32 v7, v10;
	v10 =	vunpack.i.l.bf16.f32 v17;
	v13 =	vld [tilespmem:$0x1D570]  }
0xf3: {  	v5 =	vadd.f32 v5, v6;
	v6 =	vunpack.i.u.bf16.f32 v16;
	v16 =	vunpack.i.l.bf16.f32 v16;
	v18 =	vld [tilespmem:s7+$0x130]  }
0xf4: {  	v7 =	vadd.f32 v14, v7;
	v14 =	vmul.f32 v15, v16;
	v15 =	vld [tilespmem:s7+$0x110];
	s7 =	smov.u32 s30  }
0xf5: {  	v5 =	vadd.f32 v9, v5;
	v9 =	vunpack.i.u.bf16.f32 v17;
	v6 =	vmul.f32 v12, v6;
	v12 =	vld [tilespmem:$0x1D5A0]  }
0xf6: {  	v7 =	vadd.f32 v11, v7;
	v8 =	vmul.f32 v8, v10;
	v10 =	vld [tilespmem:$0x1D5B0]  }
0xf7: {  	v4 =	vadd.f32 v4, v5;
	v5 =	vmul.f32 v13, v9;
	v9 =	vld [tilespmem:$0x1D5E0]  }
0xf8: {  	v7 =	vadd.f32 v14, v7;
	v11 =	vunpack.i.u.bf16.f32 v18;
	v13 =	vunpack.i.l.bf16.f32 v18;
	v14 =	vld [tilespmem:$0x1D5F0]  }
0xf9: {  	v4 =	vadd.f32 v6, v4;
	v6 =	vunpack.i.l.bf16.f32 v15  }
0xfa: {  	v7 =	vadd.f32 v8, v7;
	v8 =	vunpack.i.u.bf16.f32 v15;
	v6 =	vmul.f32 v12, v6  }
0xfb: {  	v4 =	vadd.f32 v5, v4;
	v5 =	vmul.f32 v10, v8;
	v8 =	vor.u32 s10, v2  }
0xfc: {  	v6 =	vadd.f32 v6, v7;
	v7 =	vmul.f32 v9, v13;
	v9 =	vor.u32 s10, v3  }
0xfd: {  	v4 =	vadd.f32 v5, v4;
	v5 =	vmul.f32 v14, v11  }
0xfe: {  	v6 =	vadd.f32 v7, v6  }
0xff: {  	v4 =	vadd.f32 v5, v4  }
0x100: {  	[tilespmem:v8+s22+$0x0] =	vst.idx.msk $0xffff, v6  }
0x101: {  	[tilespmem:v9+s22+$0x0] =	vst.idx.msk $0xffff, v4  }
0x102: {  	v5 =	vld [tilespmem:s30+$0x120]  }
0x103: {  	v7 =	vld [tilespmem:s30+$0x100]  }
0x104: {  	v9 =	vld [tilespmem:s30+$0xE0]  }
0x105: {  	v11 =	vld [tilespmem:s30+$0xC0]  }
0x106: {  	v13 =	vld [tilespmem:s30+$0xA0]  }
0x107: {  	v15 =	vld [tilespmem:s30+$0x80];
	v4 =	vunpack.i.u.bf16.f32 v5;
	v5 =	vunpack.i.l.bf16.f32 v5  }
0x108: {  	v18 =	vld [tilespmem:s30+$0x60];
	v6 =	vunpack.i.u.bf16.f32 v7;
	v7 =	vunpack.i.l.bf16.f32 v7  }
0x109: {  	v16 =	vld [tilespmem:s30+$0x40];
	v8 =	vunpack.i.u.bf16.f32 v9;
	v9 =	vunpack.i.l.bf16.f32 v9  }
0x10a: {  	v21 =	vld [tilespmem:s30+$0x20];
	v10 =	vunpack.i.u.bf16.f32 v11;
	v11 =	vunpack.i.l.bf16.f32 v11  }
0x10b: {  	v23 =	vld [tilespmem:s30+$0x0];
	v12 =	vunpack.i.u.bf16.f32 v13;
	v13 =	vunpack.i.l.bf16.f32 v13  }
0x10c: {  	v24 =	vld [tilespmem:s30+$0xFFFFFFE0];
	v14 =	vunpack.i.u.bf16.f32 v15;
	v15 =	vunpack.i.l.bf16.f32 v15  }
0x10d: {  	v25 =	vld [tilespmem:s30+$0xFFFFFFC0];
	v17 =	vunpack.i.u.bf16.f32 v18;
	v18 =	vunpack.i.l.bf16.f32 v18  }
0x10e: {  	v26 =	vld [tilespmem:s30+$0xFFFFFFA0];
	v19 =	vunpack.i.l.bf16.f32 v16  }
0x10f: {  	v27 =	vld [tilespmem:s30+$0xFFFFFF80];
	v20 =	vunpack.i.u.bf16.f32 v21;
	v21 =	vunpack.i.l.bf16.f32 v21  }
0x110: {  	v28 =	vld [tilespmem:s30+$0xFFFFFF60];
	v22 =	vunpack.i.u.bf16.f32 v23;
	v23 =	vunpack.i.l.bf16.f32 v23  }
0x111: {  	v29 =	vld [tilespmem:s30+$0xFFFFFF40];
	v30 =	vunpack.i.u.bf16.f32 v24;
	v24 =	vunpack.i.l.bf16.f32 v24  }
0x112: {  	v31 =	vld [tilespmem:s30+$0xFFFFFF20];
	v32 =	vunpack.i.l.bf16.f32 v25  }
0x113: {  	s10 =	smulhi.u32 $0x51EB851F, s29;
	v33 =	vld [tilespmem:s30+$0xFFFFFF00];
	v34 =	vunpack.i.l.bf16.f32 v26  }
0x114: {  	v35 =	vld [tilespmem:$0x1D150];
	v36 =	vunpack.i.l.bf16.f32 v27  }
0x115: {  	s10 =	sshrl.u32 s10, $0x4;
	v37 =	vld [tilespmem:$0x1D140];
	v38 =	vunpack.i.u.bf16.f32 v28;
	v28 =	vunpack.i.l.bf16.f32 v28  }
0x116: {  	s10 =	smul.u32 $0xFFFFCE00, s10;
	v39 =	vld [tilespmem:s30+$0xFFFFFEE0];
	v40 =	vunpack.i.u.bf16.f32 v29;
	v29 =	vunpack.i.l.bf16.f32 v29  }
0x117: {  	v41 =	vld [tilespmem:s30+$0xFFFFFEC0];
	v42 =	vunpack.i.u.bf16.f32 v31;
	v31 =	vunpack.i.l.bf16.f32 v31  }
0x118: {  	s10 =	sshra.s32 s10, $0x2;
	v43 =	vld [tilespmem:$0x1D100];
	v44 =	vunpack.i.u.bf16.f32 v33;
	v33 =	vunpack.i.l.bf16.f32 v33  }
0x119: {  	s18 =	sadd.s32 s10, s6;
	v45 =	vld [tilespmem:$0x1D110]  }
0x11a: {  	v46 =	vld [tilespmem:s18+$0x0]  }
0x11b: {  	v47 =	vld [tilespmem:s18+$0x10];
	v48 =	vunpack.i.u.bf16.f32 v39;
	v39 =	vunpack.i.l.bf16.f32 v39  }
0x11c: {  	v49 =	vunpack.i.u.bf16.f32 v41;
	v41 =	vunpack.i.l.bf16.f32 v41;
	v50 =	vld [tilespmem:$0x1D180]  }
0x11d: {  	v41 =	vmul.f32 v43, v41;
	v43 =	vld [tilespmem:$0x1D190]  }
0x11e: {  	v45 =	vmul.f32 v45, v49;
	v49 =	vld [tilespmem:$0x1D1C0]  }
0x11f: {  	v37 =	vmul.f32 v37, v39;
	v41 =	vadd.f32 v41, v46;
	v39 =	vld [tilespmem:$0x1D1D0]  }
0x120: {  	v35 =	vmul.f32 v35, v48;
	v45 =	vadd.f32 v45, v47;
	v46 =	vld [tilespmem:$0x1D200]  }
0x121: {  	v37 =	vadd.f32 v37, v41;
	v33 =	vmul.f32 v50, v33;
	v41 =	vld [tilespmem:$0x1D210]  }
0x122: {  	v35 =	vadd.f32 v35, v45;
	v43 =	vmul.f32 v43, v44;
	v44 =	vld [tilespmem:$0x1D240]  }
0x123: {  	v33 =	vadd.f32 v33, v37;
	v31 =	vmul.f32 v49, v31;
	v37 =	vld [tilespmem:$0x1D250]  }
0x124: {  	v35 =	vadd.f32 v43, v35;
	v39 =	vmul.f32 v39, v42;
	v42 =	vld [tilespmem:$0x1D280]  }
0x125: {  	v31 =	vadd.f32 v31, v33;
	v29 =	vmul.f32 v46, v29;
	v33 =	vld [tilespmem:$0x1D290]  }
0x126: {  	v35 =	vadd.f32 v39, v35;
	v39 =	vmul.f32 v41, v40;
	v40 =	vld [tilespmem:$0x1D2C0]  }
0x127: {  	v29 =	vadd.f32 v29, v31;
	v28 =	vmul.f32 v44, v28;
	v31 =	vld [tilespmem:$0x1D2D0]  }
0x128: {  	v35 =	vadd.f32 v39, v35;
	v37 =	vmul.f32 v37, v38;
	v38 =	vld [tilespmem:$0x1D300]  }
0x129: {  	v27 =	vunpack.i.u.bf16.f32 v27;
	v28 =	vadd.f32 v28, v29;
	v29 =	vmul.f32 v42, v36;
	v36 =	vld [tilespmem:$0x1D310]  }
0x12a: {  	v35 =	vadd.f32 v37, v35;
	v27 =	vmul.f32 v33, v27;
	v33 =	vld [tilespmem:$0x1D340]  }
0x12b: {  	v26 =	vunpack.i.u.bf16.f32 v26;
	v28 =	vadd.f32 v29, v28;
	v29 =	vmul.f32 v40, v34;
	v34 =	vld [tilespmem:$0x1D350]  }
0x12c: {  	v27 =	vadd.f32 v27, v35;
	v26 =	vmul.f32 v31, v26;
	v31 =	vld [tilespmem:$0x1D380]  }
0x12d: {  	v25 =	vunpack.i.u.bf16.f32 v25;
	v28 =	vadd.f32 v29, v28;
	v29 =	vmul.f32 v38, v32;
	v32 =	vld [tilespmem:$0x1D390]  }
0x12e: {  	v26 =	vadd.f32 v26, v27;
	v25 =	vmul.f32 v36, v25;
	v27 =	vld [tilespmem:$0x1D3C0]  }
0x12f: {  	v28 =	vadd.f32 v29, v28;
	v24 =	vmul.f32 v33, v24;
	v29 =	vld [tilespmem:$0x1D3D0]  }
0x130: {  	v25 =	vadd.f32 v25, v26;
	v26 =	vmul.f32 v34, v30;
	v30 =	vld [tilespmem:$0x1D400]  }
0x131: {  	v24 =	vadd.f32 v24, v28;
	v23 =	vmul.f32 v31, v23;
	v28 =	vld [tilespmem:$0x1D410]  }
0x132: {  	v25 =	vadd.f32 v26, v25;
	v22 =	vmul.f32 v32, v22;
	v26 =	vld [tilespmem:$0x1D440]  }
0x133: {  	v23 =	vadd.f32 v23, v24;
	v21 =	vmul.f32 v27, v21;
	v24 =	vld [tilespmem:$0x1D450]  }
0x134: {  	v22 =	vadd.f32 v22, v25;
	v20 =	vmul.f32 v29, v20;
	v25 =	vld [tilespmem:$0x1D480]  }
0x135: {  	v16 =	vunpack.i.u.bf16.f32 v16;
	v21 =	vadd.f32 v21, v23;
	v19 =	vmul.f32 v30, v19;
	v23 =	vld [tilespmem:$0x1D490]  }
0x136: {  	v20 =	vadd.f32 v20, v22;
	v16 =	vmul.f32 v28, v16;
	v22 =	vld [tilespmem:$0x1D4C0]  }
0x137: {  	v19 =	vadd.f32 v19, v21;
	v18 =	vmul.f32 v26, v18;
	v21 =	vld [tilespmem:$0x1D4D0]  }
0x138: {  	v16 =	vadd.f32 v16, v20;
	v17 =	vmul.f32 v24, v17;
	v20 =	vld [tilespmem:$0x1D500]  }
0x139: {  	v18 =	vadd.f32 v18, v19;
	v15 =	vmul.f32 v25, v15;
	v19 =	vld [tilespmem:$0x1D510]  }
0x13a: {  	v16 =	vadd.f32 v17, v16;
	v14 =	vmul.f32 v23, v14;
	v17 =	vld [tilespmem:$0x1D540]  }
0x13b: {  	v15 =	vadd.f32 v15, v18;
	v13 =	vmul.f32 v22, v13;
	v18 =	vld [tilespmem:$0x1D550]  }
0x13c: {  	v14 =	vadd.f32 v14, v16;
	v12 =	vmul.f32 v21, v12;
	v16 =	vld [tilespmem:$0x1D580]  }
0x13d: {  	v13 =	vadd.f32 v13, v15;
	v11 =	vmul.f32 v20, v11;
	v15 =	vld [tilespmem:$0x1D590]  }
0x13e: {  	v12 =	vadd.f32 v12, v14;
	v10 =	vmul.f32 v19, v10;
	v14 =	vld [tilespmem:$0x1D5C0]  }
0x13f: {  	v11 =	vadd.f32 v11, v13;
	v9 =	vmul.f32 v17, v9;
	v13 =	vld [tilespmem:$0x1D5D0]  }
0x140: {  	v10 =	vadd.f32 v10, v12;
	v8 =	vmul.f32 v18, v8  }
0x141: {  	s10 =	sshll.u32 s13, $0x6;
	v9 =	vadd.f32 v9, v11;
	v7 =	vmul.f32 v16, v7  }
0x142: {  	v8 =	vadd.f32 v8, v10;
	v6 =	vmul.f32 v15, v6;
	v10 =	vor.u32 s10, v0  }
0x143: {  	v7 =	vadd.f32 v7, v9;
	v5 =	vmul.f32 v14, v5;
	v9 =	vor.u32 s10, v1  }
0x144: {  	v6 =	vadd.f32 v6, v8;
	v4 =	vmul.f32 v13, v4  }
0x145: {  	v5 =	vadd.f32 v5, v7  }
0x146: {  	v4 =	vadd.f32 v4, v6  }
0x147: {  	[tilespmem:v10+s22+$0x0] =	vst.idx.msk $0xffff, v5  }
0x148: {  	[tilespmem:v9+s22+$0x0] =	vst.idx.msk $0xffff, v4  }
0x149: {  	v4 =	vld [tilespmem:$0x1D220]  }
0x14a: {  	v5 =	vld [tilespmem:s30+$0xFFFFFF70]  }
0x14b: {  	v6 =	vld [tilespmem:s30+$0xFFFFFF90]  }
0x14c: {  	v7 =	vld [tilespmem:s30+$0xFFFFFFB0]  }
0x14d: {  	v8 =	vld [tilespmem:s30+$0xFFFFFFD0]  }
0x14e: {  	v9 =	vld [tilespmem:$0x1D1F0]  }
0x14f: {  	v10 =	vld [tilespmem:$0x1D1E0]  }
0x150: {  	v11 =	vld [tilespmem:$0x1D1B0]  }
0x151: {  	v12 =	vld [tilespmem:s18+$0x30]  }
0x152: {  	v13 =	vld [tilespmem:$0x1D1A0]  }
0x153: {  	v14 =	vld [tilespmem:s30+$0xFFFFFF30]  }
0x154: {  	v15 =	vld [tilespmem:s18+$0x20]  }
0x155: {  	v16 =	vld [tilespmem:s30+$0xFFFFFF50]  }
0x156: {  	v17 =	vld [tilespmem:$0x1D170]  }
0x157: {  	v18 =	vld [tilespmem:s30+$0xFFFFFF10]  }
0x158: {  	v19 =	vld [tilespmem:$0x1D160];
	v20 =	vunpack.i.u.bf16.f32 v14;
	v14 =	vunpack.i.l.bf16.f32 v14  }
0x159: {  	v21 =	vld [tilespmem:s30+$0xFFFFFEF0];
	v10 =	vmul.f32 v10, v14;
	v9 =	vmul.f32 v9, v20  }
0x15a: {  	v14 =	vld [tilespmem:$0x1D130]  }
0x15b: {  	v20 =	vld [tilespmem:$0x1D120]  }
0x15c: {  	v24 =	vunpack.i.l.bf16.f32 v16;
	v22 =	vld [tilespmem:s30+$0xFFFFFED0];
	v23 =	vunpack.i.u.bf16.f32 v18;
	v18 =	vunpack.i.l.bf16.f32 v18  }
0x15d: {  	v25 =	vunpack.i.l.bf16.f32 v8;
	v13 =	vmul.f32 v13, v18;
	v18 =	vld [tilespmem:$0x1D230]  }
0x15e: {  	v28 =	vunpack.i.u.bf16.f32 v7;
	v7 =	vunpack.i.l.bf16.f32 v7;
	v26 =	vunpack.i.l.bf16.f32 v21;
	v27 =	vld [tilespmem:$0x1D260]  }
0x15f: {  	v29 =	vunpack.i.u.bf16.f32 v6;
	v6 =	vunpack.i.l.bf16.f32 v6;
	v11 =	vmul.f32 v11, v23;
	v23 =	vld [tilespmem:$0x1D270]  }
0x160: {  	v30 =	vunpack.i.u.bf16.f32 v5;
	v5 =	vunpack.i.l.bf16.f32 v5;
	v31 =	vld [tilespmem:$0x1D2A0]  }
0x161: {  	v16 =	vunpack.i.u.bf16.f32 v16;
	v4 =	vmul.f32 v4, v24;
	v32 =	vunpack.i.l.bf16.f32 v22;
	v24 =	vld [tilespmem:$0x1D2B0]  }
0x162: {  	v19 =	vmul.f32 v19, v26;
	v22 =	vunpack.i.u.bf16.f32 v22;
	v16 =	vmul.f32 v18, v16;
	v18 =	vld [tilespmem:$0x1D2E0]  }
0x163: {  	v20 =	vmul.f32 v20, v32;
	v5 =	vmul.f32 v27, v5;
	v26 =	vld [tilespmem:$0x1D2F0]  }
0x164: {  	v21 =	vunpack.i.u.bf16.f32 v21;
	v14 =	vmul.f32 v14, v22;
	v22 =	vmul.f32 v23, v30;
	v23 =	vld [tilespmem:$0x1D320]  }
0x165: {  	v15 =	vadd.f32 v20, v15;
	v6 =	vmul.f32 v31, v6;
	v20 =	vld [tilespmem:$0x1D330]  }
0x166: {  	v12 =	vadd.f32 v14, v12;
	v14 =	vmul.f32 v17, v21;
	v17 =	vmul.f32 v24, v29;
	v21 =	vld [tilespmem:s30+$0x70]  }
0x167: {  	v15 =	vadd.f32 v19, v15;
	v7 =	vmul.f32 v18, v7;
	v18 =	vld [tilespmem:s30+$0x50]  }
0x168: {  	v12 =	vadd.f32 v14, v12;
	v14 =	vmul.f32 v26, v28;
	v19 =	vld [tilespmem:s30+$0x30]  }
0x169: {  	v8 =	vunpack.i.u.bf16.f32 v8;
	v13 =	vadd.f32 v13, v15;
	v15 =	vmul.f32 v23, v25;
	v23 =	vld [tilespmem:s30+$0x10]  }
0x16a: {  	v11 =	vadd.f32 v11, v12;
	v20 =	vmul.f32 v20, v8;
	v8 =	vld [tilespmem:s30+$0xFFFFFFF0]  }
0x16b: {  	v10 =	vadd.f32 v10, v13;
	v12 =	vld [tilespmem:$0x1D360];
	v13 =	vunpack.i.u.bf16.f32 v21;
	v21 =	vunpack.i.l.bf16.f32 v21  }
0x16c: {  	v9 =	vadd.f32 v9, v11;
	v11 =	vld [tilespmem:$0x1D370];
	v24 =	vunpack.i.l.bf16.f32 v18  }
0x16d: {  	v4 =	vadd.f32 v4, v10;
	v10 =	vld [tilespmem:$0x1D3A0];
	v25 =	vunpack.i.l.bf16.f32 v19  }
0x16e: {  	v9 =	vadd.f32 v16, v9;
	v16 =	vunpack.i.u.bf16.f32 v23;
	v23 =	vunpack.i.l.bf16.f32 v23;
	v26 =	vld [tilespmem:$0x1D3B0]  }
0x16f: {  	v4 =	vadd.f32 v5, v4;
	v5 =	vunpack.i.l.bf16.f32 v8;
	v27 =	vld [tilespmem:$0x1D3E0]  }
0x170: {  	v9 =	vadd.f32 v22, v9;
	v8 =	vunpack.i.u.bf16.f32 v8;
	v5 =	vmul.f32 v12, v5;
	v22 =	vld [tilespmem:$0x1D3F0]  }
0x171: {  	v4 =	vadd.f32 v6, v4;
	v28 =	vmul.f32 v11, v8;
	v6 =	vld [tilespmem:$0x1D420]  }
0x172: {  	v9 =	vadd.f32 v17, v9;
	v17 =	vmul.f32 v10, v23;
	v23 =	vld [tilespmem:$0x1D430]  }
0x173: {  	v4 =	vadd.f32 v7, v4;
	v8 =	vmul.f32 v26, v16;
	v7 =	vld [tilespmem:$0x1D460]  }
0x174: {  	v10 =	vadd.f32 v14, v9;
	v9 =	vunpack.i.u.bf16.f32 v19;
	v12 =	vmul.f32 v27, v25;
	v19 =	vld [tilespmem:$0x1D470]  }
.Ltmp4:
0x175: {  	v14 =	vadd.f32 v15, v4;
	v9 =	vmul.f32 v22, v9;
	v4 =	vld [tilespmem:s30+$0xB0];
	(pc) =	sbr.rel @p2 .LBB2_6-.Ltmp4, $4  }
0x176: {  	v16 =	vunpack.i.u.bf16.f32 v18;
	v15 =	vadd.f32 v20, v10;
	v10 =	vmul.f32 v6, v24;
	v11 =	vld [tilespmem:s30+$0x90]  }
0x177: {  	v5 =	vadd.f32 v5, v14;
	v6 =	vmul.f32 v23, v16;
	v14 =	vld [tilespmem:$0x1D4A0]  }
0x178: {  	v16 =	vadd.f32 v28, v15;
	v7 =	vmul.f32 v7, v21;
	v15 =	vld [tilespmem:$0x1D4B0]  }
0x179: {  	v17 =	vadd.f32 v17, v5;
	v5 =	vmul.f32 v19, v13;
	v13 =	vld [tilespmem:$0x1D4E0]  }
0x17a: {  	v18 =	vld [tilespmem:$0x1D4F0]  }
0x17b: {  	v8 =	vadd.f32 v8, v16;
	v16 =	vld [tilespmem:s7+$0xF0]  }
0x17c: {  	v12 =	vadd.f32 v12, v17;
	v17 =	vld [tilespmem:s7+$0xD0]  }
0x17d: {  	v8 =	vadd.f32 v9, v8;
	v9 =	vld [tilespmem:$0x1D520]  }
0x17e: {  	v19 =	vunpack.i.l.bf16.f32 v11;
	v10 =	vadd.f32 v10, v12;
	v12 =	vld [tilespmem:$0x1D530]  }
0x17f: {  	v11 =	vunpack.i.u.bf16.f32 v11;
	v14 =	vmul.f32 v14, v19;
	v6 =	vadd.f32 v6, v8;
	v8 =	vld [tilespmem:$0x1D560]  }
0x180: {  	v11 =	vmul.f32 v15, v11;
	v15 =	vunpack.i.l.bf16.f32 v4;
	v7 =	vadd.f32 v7, v10;
	v10 =	vld [tilespmem:$0x1D570]  }
0x181: {  	v4 =	vunpack.i.u.bf16.f32 v4;
	v13 =	vmul.f32 v13, v15;
	v5 =	vadd.f32 v5, v6;
	v6 =	vld [tilespmem:s7+$0x130]  }
0x182: {  	v4 =	vmul.f32 v18, v4;
	v15 =	vunpack.i.l.bf16.f32 v16;
	v7 =	vadd.f32 v14, v7;
	v14 =	vld [tilespmem:s7+$0x110]  }
0x183: {  	v18 =	vunpack.i.u.bf16.f32 v17;
	v17 =	vunpack.i.l.bf16.f32 v17;
	v5 =	vadd.f32 v11, v5;
	v11 =	vld [tilespmem:$0x1D5A0]  }
0x184: {  	v16 =	vunpack.i.u.bf16.f32 v16;
	v9 =	vmul.f32 v9, v17;
	v7 =	vadd.f32 v13, v7;
	v13 =	vld [tilespmem:$0x1D5B0]  }
0x185: {  	v12 =	vmul.f32 v12, v18;
	v8 =	vmul.f32 v8, v15;
	v4 =	vadd.f32 v4, v5;
	v5 =	vld [tilespmem:$0x1D5E0]  }
0x186: {  	v15 =	vld [tilespmem:$0x1D5F0];
	v10 =	vmul.f32 v10, v16;
	v7 =	vadd.f32 v9, v7;
	v9 =	vunpack.i.u.bf16.f32 v6  }
0x187: {  	v6 =	vunpack.i.l.bf16.f32 v6;
	v4 =	vadd.f32 v12, v4;
	v12 =	vunpack.i.l.bf16.f32 v14  }
0x188: {  	v7 =	vadd.f32 v8, v7;
	v8 =	vunpack.i.u.bf16.f32 v14;
	v11 =	vmul.f32 v11, v12  }
0x189: {  	v4 =	vadd.f32 v10, v4;
	v8 =	vmul.f32 v13, v8;
	v10 =	vor.u32 s10, v2  }
0x18a: {  	v7 =	vadd.f32 v11, v7;
	v5 =	vmul.f32 v5, v6;
	v6 =	vor.u32 s10, v3  }
0x18b: {  	v4 =	vadd.f32 v8, v4;
	v8 =	vmul.f32 v15, v9  }
0x18c: {  	s6 =	sadd.s32 s8, s26;
	v5 =	vadd.f32 v5, v7  }
0x18d: {  	s6 =	sshll.u32 s6, $0x3;
	v4 =	vadd.f32 v8, v4  }
0x18e: {  	s6 =	sand.u32 $0x1FFFFF00, s6;
	[tilespmem:v10+s22+$0x0] =	vst.idx.msk $0xffff, v5  }
0x18f: {  	p2 =	sne.s32 s25, $0x9;
	s6 =	sadd.s32 s2, s6;
	[tilespmem:v6+s22+$0x0] =	vst.idx.msk $0xffff, v4  }
0x190: {  	[hbm4b:s6+s3] =	stream.linear.scatter [tilespmem:s22], [sflag:$0x5], $0x1400, $0x38;
	[tilespmem:$0x1D600] =	vst v63  }
0x191: {  	s6 =	simm.s32 @p2 $0x3  }
0x192: {  	_ =	swait.ge @p2 [sflag:s6], $0x640  }
0x193: {  	s9 =	simm.s32 @p2 $0xC80;
	[sflag:s6] =	ssyncset.done @p2 $0x0  }
0x194: {  	s7 =	simm.s32 @p2 $0x0;
	[sflag:s6] =	ssyncadd.s32 @p2 $0xFFFFF9C0;
	s6 =	simm.s32 @p2 $0x80  }
0x195: {  	[tilespmem:s9], [sflag:$0x1] =	stream.indirect.gather @p2 [hbm4b:s5+s6], $0x20, s7, s6, $0xb8;
	[tilespmem:$0x1D600] =	vst v63  }
0x196: {  	s9 =	simm.s32 @p2 $0x1C80  }
0x197: {  	[tilespmem:s9], [sflag:$0x1] =	stream.indirect.gather @p2 [hbm4b:s5+s6], $0x20, s6, s6, $0xb8;
	[tilespmem:$0x1D600] =	vst v63  }
0x198: {  	s10 =	simm.s32 @p2 $0x2C80;
	s9 =	simm.s32 @p2 $0x100  }
0x199: {  	[tilespmem:s10], [sflag:$0x1] =	stream.indirect.gather @p2 [hbm4b:s5+s6], $0x20, s9, s6, $0xb8;
	[tilespmem:$0x1D600] =	vst v63  }
0x19a: {  	s9 =	simm.s32 @p2 $0x180;
	s10 =	simm.s32 @p2 $0x3C80  }
0x19b: {  	[tilespmem:s10], [sflag:$0x1] =	stream.indirect.gather @p2 [hbm4b:s5+s6], $0x20, s9, s6, $0xb8;
	[tilespmem:$0x1D600] =	vst v63  }
0x19c: {  	s9 =	simm.s32 @p2 $0x200;
	s10 =	simm.s32 @p2 $0x4C80  }
0x19d: {  	[tilespmem:s10], [sflag:$0x1] =	stream.indirect.gather @p2 [hbm4b:s5+s6], $0x20, s9, s6, $0xb8;
	[tilespmem:$0x1D600] =	vst v63  }
0x19e: {  	s9 =	simm.s32 @p2 $0x280;
	s10 =	simm.s32 @p2 $0x5C80  }
0x19f: {  	[tilespmem:s10], [sflag:$0x1] =	stream.indirect.gather @p2 [hbm4b:s5+s6], $0x20, s9, s6, $0xb8;
	[tilespmem:$0x1D600] =	vst v63  }
0x1a0: {  	s9 =	simm.s32 @p2 $0x300;
	s10 =	simm.s32 @p2 $0x6C80  }
0x1a1: {  	[tilespmem:s10], [sflag:$0x1] =	stream.indirect.gather @p2 [hbm4b:s5+s6], $0x20, s9, s6, $0xb8;
	[tilespmem:$0x1D600] =	vst v63  }
0x1a2: {  	s9 =	simm.s32 @p2 $0x380;
	s10 =	simm.s32 @p2 $0x7C80  }
0x1a3: {  	[tilespmem:s10], [sflag:$0x1] =	stream.indirect.gather @p2 [hbm4b:s5+s6], $0x20, s9, s6, $0xb8;
	[tilespmem:$0x1D600] =	vst v63  }
0x1a4: {  	s9 =	simm.s32 @p2 $0x400;
	s10 =	simm.s32 @p2 $0x8C80  }
0x1a5: {  	[tilespmem:s10], [sflag:$0x1] =	stream.indirect.gather @p2 [hbm4b:s5+s6], $0x20, s9, s6, $0xb8;
	[tilespmem:$0x1D600] =	vst v63  }
0x1a6: {  	s9 =	simm.s32 @p2 $0x480;
	s10 =	simm.s32 @p2 $0x9C80  }
0x1a7: {  	[tilespmem:s10], [sflag:$0x1] =	stream.indirect.gather @p2 [hbm4b:s5+s6], $0x20, s9, s6, $0xb8;
	[tilespmem:$0x1D600] =	vst v63  }
0x1a8: {  	s9 =	simm.s32 @p2 $0x500;
	s10 =	simm.s32 @p2 $0xAC80  }
0x1a9: {  	[tilespmem:s10], [sflag:$0x1] =	stream.indirect.gather @p2 [hbm4b:s5+s6], $0x20, s9, s6, $0xb8;
	[tilespmem:$0x1D600] =	vst v63  }
0x1aa: {  	s9 =	simm.s32 @p2 $0x580;
	s10 =	simm.s32 @p2 $0xBC80  }
0x1ab: {  	[tilespmem:s10], [sflag:$0x1] =	stream.indirect.gather @p2 [hbm4b:s5+s6], $0x20, s9, s6, $0xb8;
	[tilespmem:$0x1D600] =	vst v63  }
0x1ac: {  	s6 =	simm.s32 @p2 $0x40;
	s9 =	simm.s32 @p2 $0x600;
	s10 =	simm.s32 @p2 $0xCC80  }
0x1ad: {  	[tilespmem:s10], [sflag:$0x1] =	stream.indirect.gather @p2 [hbm4b:s5+s6], $0x20, s9, s6, $0xb8;
	[tilespmem:$0x1D600] =	vst v63  }
0x1ae: {  	s6 =	sadd.s32 @p2 s26, s12  }
0x1af: {  	s9 =	simm.s32 @p2 $0x2;
	s6 =	smul.u32 @p2 $0x14, s6  }
0x1b0: {  	_ =	swait.ge @p2 [sflag:s9], $0xC800  }
0x1b1: {  	[sflag:s9] =	ssyncset.done @p2 $0x0;
	s6 =	sshrl.u32 @p2 s6, $0x3  }
0x1b2: {  	[sflag:s9] =	ssyncadd.s32 @p2 $0xFFFF3800;
	s9 =	simm.s32 @p2 $0x640;
	s6 =	sadd.s32 @p2 s4, s6  }
0x1b3: {  	[tilespmem:s9], [sflag:$0x4] =	stream.linear.gather @p2 [hbm4b:s6+s7], $0x640, $0x38;
	[tilespmem:$0x1D600] =	vst v63  }
0x1b4: {  	s6 =	simm.s32 @!p2 $0x2  }
0x1b5: {  	_ =	swait.ge @!p2 [sflag:s6], $0xC800  }
0x1b6: {  	[sflag:s6] =	ssyncset.done @!p2 $0x0  }
0x1b7: {  	[sflag:s6] =	ssyncadd.s32 @!p2 $0xFFFF3800;
	s6 =	simm.s32 @!p1 $0x6  }
0x1b8: {  	_ =	swait.ge @!p1 [sflag:s6], $0x1400  }
0x1b9: {  	[sflag:s6] =	ssyncset.done @!p1 $0x0  }
0x1ba: {  	s30 =	simm.s32 $0xD5C0;
	[sflag:s6] =	ssyncadd.s32 @!p1 $0xFFFFEC00  }
0x1bb: {  	v10 =	vld [tilespmem:s30+$0x120]  }
0x1bc: {  	v4 =	vld [tilespmem:s30+$0x100]  }
0x1bd: {  	v5 =	vld [tilespmem:s30+$0xE0]  }
0x1be: {  	v6 =	vld [tilespmem:s30+$0xC0]  }
0x1bf: {  	v7 =	vld [tilespmem:s30+$0xA0]  }
0x1c0: {  	v9 =	vld [tilespmem:s30+$0x80]  }
0x1c1: {  	v11 =	vld [tilespmem:s30+$0x60]  }
0x1c2: {  	v12 =	vld [tilespmem:s30+$0x40]  }
0x1c3: {  	v13 =	vld [tilespmem:s30+$0x20]  }
0x1c4: {  	s29 =	sadd.s32 $0x50, s26;
	v14 =	vld [tilespmem:s30+$0x0]  }
0x1c5: {  	s10 =	smulhi.u32 $0x51EB851F, s29;
	v15 =	vld [tilespmem:s30+$0xFFFFFFE0]  }
0x1c6: {  	v16 =	vld [tilespmem:s30+$0xFFFFFFC0]  }
0x1c7: {  	s13 =	sshrl.u32 s10, $0x4;
	v17 =	vld [tilespmem:s30+$0xFFFFFFA0]  }
0x1c8: {  	s6 =	smul.u32 $0x32, s13;
	v18 =	vld [tilespmem:s30+$0xFFFFFF80]  }
0x1c9: {  	v19 =	vld [tilespmem:s30+$0xFFFFFF60]  }
0x1ca: {  	v20 =	vld [tilespmem:s30+$0xFFFFFF40];
	s6 =	ssub.s32 s29, s6  }
0x1cb: {  	v21 =	vld [tilespmem:s30+$0xFFFFFF20];
	s15 =	smulhi.u32 $0x51EB851F, s6  }
0x1cc: {  	v22 =	vld [tilespmem:s30+$0xFFFFFF00]  }
0x1cd: {  	s7 =	smul.u32 $0xFFFFCE00, s13;
	v23 =	vld [tilespmem:$0x1D150];
	s9 =	sshrl.u32 s15, $0x4  }
0x1ce: {  	v24 =	vld [tilespmem:$0x1D140];
	s9 =	smul.u32 $0xFFFFCE00, s9  }
0x1cf: {  	s26 =	sshll.u32 s26, $0x8;
	s7 =	sshra.s32 s7, $0x2;
	v25 =	vld [tilespmem:s30+$0xFFFFFEE0]  }
0x1d0: {  	s18 =	sadd.s32 $0x0, s26;
	s7 =	sadd.s32 $0x1C480, s7;
	v26 =	vld [tilespmem:s30+$0xFFFFFEC0];
	s9 =	sshra.s32 s9, $0x2  }
0x1d1: {  	s10 =	sshra.s32 s18, $0x2;
	v27 =	vld [tilespmem:$0x1D100];
	s9 =	sadd.s32 s9, s7  }
0x1d2: {  	v28 =	vld [tilespmem:$0x1D110];
	s9 =	sadd.s32 s10, s9  }
0x1d3: {  	v29 =	vld [tilespmem:s9+$0x1400]  }
0x1d4: {  	v30 =	vld [tilespmem:s9+$0x1410]  }
0x1d5: {  	v32 =	vld [tilespmem:$0x1D180];
	v31 =	vunpack.i.l.bf16.f32 v26  }
0x1d6: {  	v56 =	vld [tilespmem:$0x1D190];
	v8 =	vunpack.i.u.bf16.f32 v10;
	v26 =	vunpack.i.u.bf16.f32 v26;
	v27 =	vmul.f32 v27, v31  }
0x1d7: {  	v57 =	vld [tilespmem:$0x1D1C0];
	v10 =	vunpack.i.l.bf16.f32 v10;
	v33 =	vunpack.i.l.bf16.f32 v25;
	v26 =	vmul.f32 v28, v26  }
0x1d8: {  	v58 =	vld [tilespmem:$0x1D1D0];
	v25 =	vunpack.i.u.bf16.f32 v25;
	v24 =	vmul.f32 v24, v33;
	v27 =	vadd.f32 v27, v29  }
0x1d9: {  	v60 =	vld [tilespmem:$0x1D200];
	v59 =	vunpack.i.l.bf16.f32 v22;
	v23 =	vmul.f32 v23, v25;
	v26 =	vadd.f32 v26, v30  }
0x1da: {  	v62 =	vld [tilespmem:$0x1D210];
	v22 =	vunpack.i.u.bf16.f32 v22;
	v61 =	vmul.f32 v32, v59;
	v24 =	vadd.f32 v24, v27  }
0x1db: {  	v35 =	vld [tilespmem:$0x1D240];
	v63 =	vunpack.i.l.bf16.f32 v21;
	v22 =	vmul.f32 v56, v22;
	v23 =	vadd.f32 v23, v26  }
0x1dc: {  	v37 =	vld [tilespmem:$0x1D250];
	v21 =	vunpack.i.u.bf16.f32 v21;
	v36 =	vmul.f32 v57, v63;
	v24 =	vadd.f32 v61, v24  }
0x1dd: {  	v39 =	vld [tilespmem:$0x1D280];
	v38 =	vunpack.i.l.bf16.f32 v20;
	v21 =	vmul.f32 v58, v21;
	v22 =	vadd.f32 v22, v23  }
0x1de: {  	v40 =	vld [tilespmem:$0x1D290];
	v20 =	vunpack.i.u.bf16.f32 v20;
	v25 =	vmul.f32 v60, v38;
	v24 =	vadd.f32 v36, v24  }
0x1df: {  	v42 =	vld [tilespmem:$0x1D2C0];
	v41 =	vunpack.i.l.bf16.f32 v19;
	v20 =	vmul.f32 v62, v20;
	v21 =	vadd.f32 v21, v22  }
0x1e0: {  	v44 =	vld [tilespmem:$0x1D2D0];
	v19 =	vunpack.i.u.bf16.f32 v19;
	v43 =	vmul.f32 v35, v41;
	v24 =	vadd.f32 v25, v24  }
0x1e1: {  	v46 =	vld [tilespmem:$0x1D300];
	v45 =	vunpack.i.l.bf16.f32 v18;
	v19 =	vmul.f32 v37, v19;
	v20 =	vadd.f32 v20, v21  }
0x1e2: {  	v47 =	vld [tilespmem:$0x1D310];
	v18 =	vunpack.i.u.bf16.f32 v18;
	v23 =	vmul.f32 v39, v45;
	v24 =	vadd.f32 v43, v24  }
0x1e3: {  	v49 =	vld [tilespmem:$0x1D340];
	v48 =	vunpack.i.l.bf16.f32 v17;
	v18 =	vmul.f32 v40, v18;
	v19 =	vadd.f32 v19, v20  }
0x1e4: {  	v50 =	vld [tilespmem:$0x1D350];
	v17 =	vunpack.i.u.bf16.f32 v17;
	v22 =	vmul.f32 v42, v48;
	v23 =	vadd.f32 v23, v24  }
0x1e5: {  	v51 =	vunpack.i.l.bf16.f32 v16;
	v17 =	vmul.f32 v44, v17;
	v18 =	vadd.f32 v18, v19;
	v19 =	vld [tilespmem:$0x1D380]  }
0x1e6: {  	v52 =	vld [tilespmem:$0x1D390];
	v16 =	vunpack.i.u.bf16.f32 v16;
	v21 =	vmul.f32 v46, v51;
	v22 =	vadd.f32 v22, v23  }
0x1e7: {  	v53 =	vunpack.i.l.bf16.f32 v15;
	v16 =	vmul.f32 v47, v16;
	v17 =	vadd.f32 v17, v18;
	v18 =	vld [tilespmem:$0x1D3C0]  }
0x1e8: {  	v54 =	vld [tilespmem:$0x1D3D0];
	v15 =	vunpack.i.u.bf16.f32 v15;
	v20 =	vmul.f32 v49, v53;
	v21 =	vadd.f32 v21, v22  }
0x1e9: {  	v55 =	vunpack.i.l.bf16.f32 v14;
	v15 =	vmul.f32 v50, v15;
	v16 =	vadd.f32 v16, v17;
	v17 =	vld [tilespmem:$0x1D400]  }
0x1ea: {  	v14 =	vunpack.i.u.bf16.f32 v14;
	v56 =	vld [tilespmem:$0x1D410];
	v19 =	vmul.f32 v19, v55;
	v20 =	vadd.f32 v20, v21  }
0x1eb: {  	v57 =	vunpack.i.l.bf16.f32 v13;
	v14 =	vmul.f32 v52, v14;
	v15 =	vadd.f32 v15, v16;
	v16 =	vld [tilespmem:$0x1D440]  }
0x1ec: {  	v13 =	vunpack.i.u.bf16.f32 v13;
	v58 =	vld [tilespmem:$0x1D450];
	v18 =	vmul.f32 v18, v57;
	v19 =	vadd.f32 v19, v20  }
0x1ed: {  	v59 =	vunpack.i.l.bf16.f32 v12;
	v13 =	vmul.f32 v54, v13;
	v14 =	vadd.f32 v14, v15;
	v15 =	vld [tilespmem:$0x1D480]  }
0x1ee: {  	v12 =	vunpack.i.u.bf16.f32 v12;
	v17 =	vmul.f32 v17, v59;
	v18 =	vadd.f32 v18, v19;
	v19 =	vld [tilespmem:$0x1D490]  }
0x1ef: {  	v60 =	vunpack.i.l.bf16.f32 v11;
	v12 =	vmul.f32 v56, v12;
	v13 =	vadd.f32 v13, v14;
	v14 =	vld [tilespmem:$0x1D4C0]  }
0x1f0: {  	v11 =	vunpack.i.u.bf16.f32 v11;
	v16 =	vmul.f32 v16, v60;
	v17 =	vadd.f32 v17, v18;
	v18 =	vld [tilespmem:$0x1D4D0]  }
0x1f1: {  	v11 =	vmul.f32 v58, v11;
	v61 =	vunpack.i.l.bf16.f32 v9;
	v12 =	vadd.f32 v12, v13;
	v13 =	vld [tilespmem:$0x1D500]  }
0x1f2: {  	v9 =	vunpack.i.u.bf16.f32 v9;
	v15 =	vmul.f32 v15, v61;
	v16 =	vadd.f32 v16, v17;
	v17 =	vld [tilespmem:$0x1D510]  }
0x1f3: {  	v62 =	vunpack.i.l.bf16.f32 v7;
	v11 =	vadd.f32 v11, v12;
	v12 =	vld [tilespmem:$0x1D540];
	v9 =	vmul.f32 v19, v9  }
0x1f4: {  	v7 =	vunpack.i.u.bf16.f32 v7;
	v14 =	vmul.f32 v14, v62;
	v15 =	vadd.f32 v15, v16;
	v16 =	vld [tilespmem:$0x1D550]  }
0x1f5: {  	v19 =	vunpack.i.l.bf16.f32 v6;
	v9 =	vadd.f32 v9, v11;
	v7 =	vmul.f32 v18, v7;
	v11 =	vld [tilespmem:$0x1D580]  }
0x1f6: {  	v6 =	vunpack.i.u.bf16.f32 v6;
	v13 =	vmul.f32 v13, v19;
	v14 =	vadd.f32 v14, v15;
	v15 =	vld [tilespmem:$0x1D590]  }
0x1f7: {  	v18 =	vunpack.i.l.bf16.f32 v5;
	v7 =	vadd.f32 v7, v9;
	v6 =	vmul.f32 v17, v6;
	v9 =	vld [tilespmem:$0x1D5C0]  }
0x1f8: {  	v5 =	vunpack.i.u.bf16.f32 v5;
	v12 =	vmul.f32 v12, v18;
	v13 =	vadd.f32 v13, v14;
	v14 =	vld [tilespmem:$0x1D5D0]  }
0x1f9: {  	v17 =	vunpack.i.l.bf16.f32 v4;
	v6 =	vadd.f32 v6, v7;
	v5 =	vmul.f32 v16, v5  }
0x1fa: {  	s18 =	simm.s32 $0x0;
	v4 =	vunpack.i.u.bf16.f32 v4;
	v7 =	vadd.f32 v12, v13;
	v11 =	vmul.f32 v11, v17  }
0x1fb: {  	v5 =	vadd.f32 v5, v6;
	v4 =	vmul.f32 v15, v4;
	v6 =	vor.u32 s18, v0  }
0x1fc: {  	v7 =	vadd.f32 v11, v7;
	v9 =	vmul.f32 v9, v10;
	v10 =	vor.u32 s18, v1  }
0x1fd: {  	v4 =	vadd.f32 v4, v5;
	v5 =	vmul.f32 v14, v8  }
0x1fe: {  	v7 =	vadd.f32 v9, v7  }
0x1ff: {  	v4 =	vadd.f32 v5, v4  }
0x200: {  	[tilespmem:v6+s23+$0x0] =	vst.idx.msk $0xffff, v7  }
0x201: {  	[tilespmem:v10+s23+$0x0] =	vst.idx.msk $0xffff, v4  }
0x202: {  	v4 =	vld [tilespmem:$0x1D220]  }
0x203: {  	v5 =	vld [tilespmem:s30+$0xFFFFFF70]  }
0x204: {  	v6 =	vld [tilespmem:s30+$0xFFFFFF90]  }
0x205: {  	v7 =	vld [tilespmem:s30+$0xFFFFFFB0]  }
0x206: {  	v8 =	vld [tilespmem:s30+$0xFFFFFFD0]  }
0x207: {  	v9 =	vld [tilespmem:$0x1D1F0]  }
0x208: {  	v10 =	vld [tilespmem:$0x1D1E0]  }
0x209: {  	v11 =	vld [tilespmem:s9+$0x1430]  }
0x20a: {  	v12 =	vld [tilespmem:$0x1D1B0]  }
0x20b: {  	v13 =	vld [tilespmem:$0x1D1A0]  }
0x20c: {  	v14 =	vld [tilespmem:s30+$0xFFFFFF30]  }
0x20d: {  	v15 =	vld [tilespmem:s9+$0x1420]  }
0x20e: {  	v16 =	vld [tilespmem:s30+$0xFFFFFF50]  }
0x20f: {  	v17 =	vld [tilespmem:$0x1D170]  }
0x210: {  	v18 =	vld [tilespmem:s30+$0xFFFFFF10]  }
0x211: {  	v19 =	vld [tilespmem:$0x1D160]  }
0x212: {  	v63 =	vld [tilespmem:s30+$0xFFFFFEF0]  }
0x213: {  	v36 =	vld [tilespmem:$0x1D130]  }
0x214: {  	v37 =	vld [tilespmem:$0x1D120]  }
0x215: {  	v38 =	vld [tilespmem:s30+$0xFFFFFED0]  }
0x216: {  	v39 =	vld [tilespmem:$0x1D230]  }
0x217: {  	v40 =	vld [tilespmem:$0x1D260]  }
0x218: {  	v41 =	vld [tilespmem:$0x1D270]  }
0x219: {  	v43 =	vld [tilespmem:$0x1D2A0];
	v42 =	vunpack.i.u.bf16.f32 v14;
	v14 =	vunpack.i.l.bf16.f32 v14  }
0x21a: {  	v44 =	vld [tilespmem:$0x1D2B0];
	v45 =	vunpack.i.u.bf16.f32 v18;
	v18 =	vunpack.i.l.bf16.f32 v18;
	v46 =	vunpack.i.u.bf16.f32 v38  }
0x21b: {  	v54 =	vld [tilespmem:s30+$0x50];
	v48 =	vunpack.i.u.bf16.f32 v8;
	v23 =	vunpack.i.l.bf16.f32 v38;
	v8 =	vunpack.i.l.bf16.f32 v8  }
0x21c: {  	v47 =	vld [tilespmem:$0x1D2E0];
	v50 =	vunpack.i.u.bf16.f32 v63;
	v20 =	vunpack.i.l.bf16.f32 v63;
	v21 =	vmul.f32 v36, v46  }
0x21d: {  	v49 =	vld [tilespmem:$0x1D2F0];
	v53 =	vunpack.i.u.bf16.f32 v7;
	v7 =	vunpack.i.l.bf16.f32 v7;
	v22 =	vmul.f32 v37, v23  }
0x21e: {  	v51 =	vld [tilespmem:$0x1D320];
	v55 =	vunpack.i.u.bf16.f32 v5;
	v17 =	vmul.f32 v17, v50;
	v11 =	vadd.f32 v21, v11  }
0x21f: {  	v52 =	vld [tilespmem:$0x1D330];
	v5 =	vunpack.i.l.bf16.f32 v5;
	v19 =	vmul.f32 v19, v20;
	v15 =	vadd.f32 v22, v15  }
0x220: {  	v58 =	vld [tilespmem:$0x1D420];
	v57 =	vunpack.i.u.bf16.f32 v54;
	v12 =	vmul.f32 v12, v45;
	v11 =	vadd.f32 v17, v11  }
0x221: {  	v61 =	vld [tilespmem:$0x1D470];
	v10 =	vmul.f32 v10, v14;
	v13 =	vmul.f32 v13, v18;
	v15 =	vadd.f32 v19, v15  }
0x222: {  	v9 =	vmul.f32 v9, v42;
	v14 =	vunpack.i.l.bf16.f32 v16;
	v17 =	vld [tilespmem:s30+$0x30];
	v11 =	vadd.f32 v12, v11  }
0x223: {  	v18 =	vunpack.i.u.bf16.f32 v6;
	v16 =	vunpack.i.u.bf16.f32 v16;
	v19 =	vld [tilespmem:s30+$0x10];
	v13 =	vadd.f32 v13, v15  }
0x224: {  	v4 =	vmul.f32 v4, v14;
	v14 =	vmul.f32 v39, v16;
	v12 =	vld [tilespmem:s30+$0xFFFFFFF0];
	v9 =	vadd.f32 v9, v11  }
0x225: {  	v6 =	vunpack.i.l.bf16.f32 v6;
	v5 =	vmul.f32 v40, v5;
	v15 =	vld [tilespmem:$0x1D360];
	v10 =	vadd.f32 v10, v13  }
0x226: {  	v7 =	vmul.f32 v47, v7;
	v16 =	vmul.f32 v41, v55;
	v11 =	vld [tilespmem:$0x1D370];
	v9 =	vadd.f32 v14, v9  }
0x227: {  	v56 =	vmul.f32 v49, v53;
	v8 =	vmul.f32 v51, v8;
	v13 =	vld [tilespmem:$0x1D3A0];
	v4 =	vadd.f32 v4, v10  }
0x228: {  	v20 =	vunpack.i.l.bf16.f32 v54;
	v18 =	vmul.f32 v44, v18;
	v14 =	vld [tilespmem:$0x1D3B0];
	v9 =	vadd.f32 v16, v9  }
0x229: {  	v6 =	vmul.f32 v43, v6;
	v21 =	vmul.f32 v52, v48;
	v10 =	vld [tilespmem:$0x1D3E0];
	v4 =	vadd.f32 v5, v4  }
0x22a: {  	v59 =	vunpack.i.u.bf16.f32 v19;
	v19 =	vunpack.i.l.bf16.f32 v19;
	v16 =	vld [tilespmem:$0x1D3F0];
	v9 =	vadd.f32 v18, v9  }
0x22b: {  	v60 =	vunpack.i.l.bf16.f32 v12;
	v5 =	vunpack.i.l.bf16.f32 v17;
	v18 =	vld [tilespmem:$0x1D430];
	v4 =	vadd.f32 v6, v4  }
0x22c: {  	v62 =	vld [tilespmem:s30+$0x70];
	v15 =	vmul.f32 v15, v60;
	v6 =	vunpack.i.u.bf16.f32 v12;
	v9 =	vadd.f32 v56, v9  }
0x22d: {  	v63 =	vmul.f32 v11, v6;
	v6 =	vmul.f32 v13, v19;
	v19 =	vld [tilespmem:$0x1D460];
	v4 =	vadd.f32 v7, v4  }
0x22e: {  	v12 =	vld [tilespmem:s30+$0x90];
	v14 =	vmul.f32 v14, v59;
	v7 =	vunpack.i.u.bf16.f32 v17;
	v13 =	vadd.f32 v21, v9  }
0x22f: {  	v5 =	vmul.f32 v10, v5;
	v11 =	vmul.f32 v16, v7;
	v7 =	vadd.f32 v8, v4;
	v9 =	vld [tilespmem:$0x1D4A0]  }
0x230: {  	v4 =	vmul.f32 v58, v20;
	v10 =	vmul.f32 v18, v57;
	v8 =	vadd.f32 v63, v13;
	v13 =	vld [tilespmem:$0x1D4B0]  }
0x231: {  	v18 =	vunpack.i.l.bf16.f32 v62;
	v16 =	vadd.f32 v15, v7;
	v15 =	vunpack.i.u.bf16.f32 v62;
	v7 =	vld [tilespmem:s30+$0xB0]  }
0x232: {  	s13 =	simm.s32 $0x100;
	s10 =	simm.s32 $0x0;
	s9 =	simm.s32 $0xD5C0;
	v15 =	vmul.f32 v61, v15;
	v17 =	vadd.f32 v14, v8;
	v8 =	vmul.f32 v19, v18;
	v14 =	vld [tilespmem:$0x1D4E0]  }
.LBB2_8:
0x233: {  	v6 =	vadd.f32 v6, v16;
	v16 =	vunpack.i.u.bf16.f32 v12;
	v12 =	vunpack.i.l.bf16.f32 v12;
	v18 =	vld [tilespmem:$0x1D4F0];
	s10 =	sadd.s32 $0x1, s10;
	s6 =	sadd.s32 $0x1, s6;
	s30 =	sadd.s32 $0x280, s30  }
0x234: {  	p1 =	sne.s32 s13, $0x4F00;
	s15 =	smov.u32 s13;
	s13 =	sadd.s32 $0x100, s13;
	v11 =	vadd.f32 v11, v17;
	v9 =	vmul.f32 v9, v12;
	v12 =	vld [tilespmem:s9+$0xF0]  }
0x235: {  	v5 =	vadd.f32 v5, v6;
	v6 =	vmul.f32 v13, v16;
	v13 =	vld [tilespmem:s9+$0xD0]  }
0x236: {  	v10 =	vadd.f32 v10, v11;
	v11 =	vunpack.i.l.bf16.f32 v7;
	v16 =	vld [tilespmem:$0x1D520]  }
0x237: {  	v4 =	vadd.f32 v4, v5;
	v5 =	vunpack.i.u.bf16.f32 v7;
	v7 =	vmul.f32 v14, v11;
	v11 =	vld [tilespmem:$0x1D530]  }
0x238: {  	v10 =	vadd.f32 v15, v10;
	v5 =	vmul.f32 v18, v5;
	v14 =	vld [tilespmem:$0x1D560]  }
0x239: {  	v4 =	vadd.f32 v8, v4;
	v8 =	vunpack.i.l.bf16.f32 v12;
	v15 =	vld [tilespmem:$0x1D570]  }
0x23a: {  	v6 =	vadd.f32 v6, v10;
	v10 =	vunpack.i.l.bf16.f32 v13;
	v17 =	vld [tilespmem:s9+$0x110]  }
0x23b: {  	v4 =	vadd.f32 v9, v4;
	v9 =	vunpack.i.u.bf16.f32 v13;
	v10 =	vmul.f32 v16, v10;
	v13 =	vld [tilespmem:$0x1D5B0]  }
0x23c: {  	v5 =	vadd.f32 v5, v6;
	v6 =	vmul.f32 v11, v9;
	v9 =	vld [tilespmem:$0x1D5A0]  }
0x23d: {  	v4 =	vadd.f32 v7, v4;
	v7 =	vunpack.i.u.bf16.f32 v12;
	v8 =	vmul.f32 v14, v8;
	v11 =	vld [tilespmem:s9+$0x130];
	s9 =	smov.u32 s30  }
0x23e: {  	v5 =	vadd.f32 v6, v5;
	v6 =	vmul.f32 v15, v7;
	v7 =	vld [tilespmem:$0x1D5E0]  }
0x23f: {  	v4 =	vadd.f32 v10, v4;
	v10 =	vunpack.i.u.bf16.f32 v17;
	v12 =	vunpack.i.l.bf16.f32 v17;
	v14 =	vld [tilespmem:$0x1D5F0]  }
0x240: {  	v5 =	vadd.f32 v6, v5;
	v6 =	vmul.f32 v13, v10  }
0x241: {  	v4 =	vadd.f32 v8, v4;
	v8 =	vmul.f32 v9, v12;
	v9 =	vor.u32 s18, v2  }
0x242: {  	v5 =	vadd.f32 v6, v5;
	v6 =	vunpack.i.u.bf16.f32 v11;
	v10 =	vunpack.i.l.bf16.f32 v11  }
0x243: {  	v4 =	vadd.f32 v8, v4;
	v7 =	vmul.f32 v7, v10;
	v8 =	vor.u32 s18, v3  }
0x244: {  	v6 =	vmul.f32 v14, v6  }
0x245: {  	v4 =	vadd.f32 v7, v4  }
0x246: {  	v5 =	vadd.f32 v6, v5  }
0x247: {  	[tilespmem:v9+s23+$0x0] =	vst.idx.msk $0xffff, v4  }
0x248: {  	[tilespmem:v8+s23+$0x0] =	vst.idx.msk $0xffff, v5  }
0x249: {  	v5 =	vld [tilespmem:s30+$0x120]  }
0x24a: {  	v7 =	vld [tilespmem:s30+$0x100]  }
0x24b: {  	v10 =	vld [tilespmem:s30+$0xE0]  }
0x24c: {  	v8 =	vld [tilespmem:s30+$0xC0]  }
0x24d: {  	v13 =	vld [tilespmem:s30+$0xA0]  }
0x24e: {  	v16 =	vld [tilespmem:s30+$0x80];
	v4 =	vunpack.i.u.bf16.f32 v5;
	v5 =	vunpack.i.l.bf16.f32 v5  }
0x24f: {  	v14 =	vld [tilespmem:s30+$0x60];
	v6 =	vunpack.i.u.bf16.f32 v7;
	v7 =	vunpack.i.l.bf16.f32 v7  }
0x250: {  	v19 =	vld [tilespmem:s30+$0x40];
	v9 =	vunpack.i.u.bf16.f32 v10;
	v10 =	vunpack.i.l.bf16.f32 v10  }
0x251: {  	v22 =	vld [tilespmem:s30+$0x20];
	v11 =	vunpack.i.l.bf16.f32 v8  }
0x252: {  	v20 =	vld [tilespmem:s30+$0x0];
	v12 =	vunpack.i.u.bf16.f32 v13;
	v13 =	vunpack.i.l.bf16.f32 v13  }
0x253: {  	v24 =	vld [tilespmem:s30+$0xFFFFFFE0];
	v15 =	vunpack.i.u.bf16.f32 v16;
	v16 =	vunpack.i.l.bf16.f32 v16  }
0x254: {  	v25 =	vld [tilespmem:s30+$0xFFFFFFC0];
	v17 =	vunpack.i.l.bf16.f32 v14  }
0x255: {  	v26 =	vld [tilespmem:s30+$0xFFFFFFA0];
	v18 =	vunpack.i.u.bf16.f32 v19;
	v19 =	vunpack.i.l.bf16.f32 v19  }
0x256: {  	v27 =	vld [tilespmem:s30+$0xFFFFFF80];
	v21 =	vunpack.i.u.bf16.f32 v22;
	v22 =	vunpack.i.l.bf16.f32 v22  }
0x257: {  	v28 =	vld [tilespmem:s30+$0xFFFFFF60];
	v23 =	vunpack.i.l.bf16.f32 v20  }
0x258: {  	v29 =	vld [tilespmem:s30+$0xFFFFFF40];
	v30 =	vunpack.i.u.bf16.f32 v24;
	v24 =	vunpack.i.l.bf16.f32 v24  }
0x259: {  	s18 =	smulhi.u32 $0x51EB851F, s6;
	v31 =	vld [tilespmem:s30+$0xFFFFFF20];
	v32 =	vunpack.i.u.bf16.f32 v25;
	v25 =	vunpack.i.l.bf16.f32 v25  }
0x25a: {  	v33 =	vld [tilespmem:s30+$0xFFFFFF00];
	v34 =	vunpack.i.u.bf16.f32 v26;
	v26 =	vunpack.i.l.bf16.f32 v26  }
0x25b: {  	s18 =	sshrl.u32 s18, $0x4;
	v35 =	vld [tilespmem:$0x1D150];
	v36 =	vunpack.i.l.bf16.f32 v27  }
0x25c: {  	s18 =	smul.u32 $0xFFFFCE00, s18;
	v37 =	vld [tilespmem:$0x1D140];
	v38 =	vunpack.i.u.bf16.f32 v28;
	v28 =	vunpack.i.l.bf16.f32 v28  }
0x25d: {  	v39 =	vld [tilespmem:s30+$0xFFFFFEE0];
	v40 =	vunpack.i.u.bf16.f32 v29;
	v29 =	vunpack.i.l.bf16.f32 v29  }
0x25e: {  	s15 =	sadd.s32 s15, s26;
	s18 =	sshra.s32 s18, $0x2;
	v41 =	vld [tilespmem:s30+$0xFFFFFEC0];
	v42 =	vunpack.i.u.bf16.f32 v31;
	v31 =	vunpack.i.l.bf16.f32 v31  }
0x25f: {  	s15 =	sshra.s32 s15, $0x2;
	s18 =	sadd.s32 s18, s7;
	v43 =	vld [tilespmem:$0x1D100];
	v44 =	vunpack.i.u.bf16.f32 v33;
	v33 =	vunpack.i.l.bf16.f32 v33  }
0x260: {  	s15 =	sadd.s32 s15, s18;
	v45 =	vld [tilespmem:$0x1D110]  }
0x261: {  	v46 =	vld [tilespmem:s15+$0x1400]  }
0x262: {  	v47 =	vld [tilespmem:s15+$0x1410];
	v48 =	vunpack.i.u.bf16.f32 v39;
	v39 =	vunpack.i.l.bf16.f32 v39  }
0x263: {  	v49 =	vunpack.i.u.bf16.f32 v41;
	v41 =	vunpack.i.l.bf16.f32 v41;
	v50 =	vld [tilespmem:$0x1D180]  }
0x264: {  	v41 =	vmul.f32 v43, v41;
	v43 =	vld [tilespmem:$0x1D190]  }
0x265: {  	v45 =	vmul.f32 v45, v49;
	v49 =	vld [tilespmem:$0x1D1C0]  }
0x266: {  	v37 =	vmul.f32 v37, v39;
	v41 =	vadd.f32 v41, v46;
	v39 =	vld [tilespmem:$0x1D1D0]  }
0x267: {  	v35 =	vmul.f32 v35, v48;
	v45 =	vadd.f32 v45, v47;
	v46 =	vld [tilespmem:$0x1D200]  }
0x268: {  	v37 =	vadd.f32 v37, v41;
	v33 =	vmul.f32 v50, v33;
	v41 =	vld [tilespmem:$0x1D210]  }
0x269: {  	v35 =	vadd.f32 v35, v45;
	v43 =	vmul.f32 v43, v44;
	v44 =	vld [tilespmem:$0x1D240]  }
0x26a: {  	v33 =	vadd.f32 v33, v37;
	v31 =	vmul.f32 v49, v31;
	v37 =	vld [tilespmem:$0x1D250]  }
0x26b: {  	v35 =	vadd.f32 v43, v35;
	v39 =	vmul.f32 v39, v42;
	v42 =	vld [tilespmem:$0x1D280]  }
0x26c: {  	v31 =	vadd.f32 v31, v33;
	v29 =	vmul.f32 v46, v29;
	v33 =	vld [tilespmem:$0x1D290]  }
0x26d: {  	v35 =	vadd.f32 v39, v35;
	v39 =	vmul.f32 v41, v40;
	v40 =	vld [tilespmem:$0x1D2C0]  }
0x26e: {  	v29 =	vadd.f32 v29, v31;
	v28 =	vmul.f32 v44, v28;
	v31 =	vld [tilespmem:$0x1D2D0]  }
0x26f: {  	v35 =	vadd.f32 v39, v35;
	v37 =	vmul.f32 v37, v38;
	v38 =	vld [tilespmem:$0x1D300]  }
0x270: {  	v27 =	vunpack.i.u.bf16.f32 v27;
	v28 =	vadd.f32 v28, v29;
	v29 =	vmul.f32 v42, v36;
	v36 =	vld [tilespmem:$0x1D310]  }
0x271: {  	v35 =	vadd.f32 v37, v35;
	v27 =	vmul.f32 v33, v27;
	v33 =	vld [tilespmem:$0x1D340]  }
0x272: {  	v28 =	vadd.f32 v29, v28;
	v26 =	vmul.f32 v40, v26;
	v29 =	vld [tilespmem:$0x1D350]  }
0x273: {  	v27 =	vadd.f32 v27, v35;
	v31 =	vmul.f32 v31, v34;
	v34 =	vld [tilespmem:$0x1D380]  }
0x274: {  	v26 =	vadd.f32 v26, v28;
	v25 =	vmul.f32 v38, v25;
	v28 =	vld [tilespmem:$0x1D390]  }
0x275: {  	v27 =	vadd.f32 v31, v27;
	v31 =	vmul.f32 v36, v32;
	v32 =	vld [tilespmem:$0x1D3C0]  }
0x276: {  	v25 =	vadd.f32 v25, v26;
	v24 =	vmul.f32 v33, v24;
	v26 =	vld [tilespmem:$0x1D3D0]  }
0x277: {  	v27 =	vadd.f32 v31, v27;
	v29 =	vmul.f32 v29, v30;
	v30 =	vld [tilespmem:$0x1D400]  }
0x278: {  	v20 =	vunpack.i.u.bf16.f32 v20;
	v24 =	vadd.f32 v24, v25;
	v23 =	vmul.f32 v34, v23;
	v25 =	vld [tilespmem:$0x1D410]  }
0x279: {  	v27 =	vadd.f32 v29, v27;
	v20 =	vmul.f32 v28, v20;
	v28 =	vld [tilespmem:$0x1D440]  }
0x27a: {  	v23 =	vadd.f32 v23, v24;
	v22 =	vmul.f32 v32, v22;
	v24 =	vld [tilespmem:$0x1D450]  }
0x27b: {  	v20 =	vadd.f32 v20, v27;
	v21 =	vmul.f32 v26, v21;
	v26 =	vld [tilespmem:$0x1D480]  }
0x27c: {  	v22 =	vadd.f32 v22, v23;
	v19 =	vmul.f32 v30, v19;
	v23 =	vld [tilespmem:$0x1D490]  }
0x27d: {  	v20 =	vadd.f32 v21, v20;
	v18 =	vmul.f32 v25, v18;
	v21 =	vld [tilespmem:$0x1D4C0]  }
0x27e: {  	v14 =	vunpack.i.u.bf16.f32 v14;
	v19 =	vadd.f32 v19, v22;
	v17 =	vmul.f32 v28, v17;
	v22 =	vld [tilespmem:$0x1D4D0]  }
0x27f: {  	v18 =	vadd.f32 v18, v20;
	v14 =	vmul.f32 v24, v14;
	v20 =	vld [tilespmem:$0x1D500]  }
0x280: {  	v17 =	vadd.f32 v17, v19;
	v16 =	vmul.f32 v26, v16;
	v19 =	vld [tilespmem:$0x1D510]  }
0x281: {  	v14 =	vadd.f32 v14, v18;
	v15 =	vmul.f32 v23, v15;
	v18 =	vld [tilespmem:$0x1D540]  }
0x282: {  	v16 =	vadd.f32 v16, v17;
	v13 =	vmul.f32 v21, v13;
	v17 =	vld [tilespmem:$0x1D550]  }
0x283: {  	v14 =	vadd.f32 v15, v14;
	v12 =	vmul.f32 v22, v12;
	v15 =	vld [tilespmem:$0x1D580]  }
0x284: {  	v8 =	vunpack.i.u.bf16.f32 v8;
	v13 =	vadd.f32 v13, v16;
	v11 =	vmul.f32 v20, v11;
	v16 =	vld [tilespmem:$0x1D590]  }
0x285: {  	v12 =	vadd.f32 v12, v14;
	v8 =	vmul.f32 v19, v8;
	v14 =	vld [tilespmem:$0x1D5C0]  }
0x286: {  	v11 =	vadd.f32 v11, v13;
	v10 =	vmul.f32 v18, v10;
	v13 =	vld [tilespmem:$0x1D5D0]  }
0x287: {  	v8 =	vadd.f32 v8, v12;
	v9 =	vmul.f32 v17, v9  }
0x288: {  	s18 =	sshll.u32 s10, $0x6;
	v10 =	vadd.f32 v10, v11;
	v7 =	vmul.f32 v15, v7  }
0x289: {  	v8 =	vadd.f32 v9, v8;
	v6 =	vmul.f32 v16, v6;
	v9 =	vor.u32 s18, v0  }
0x28a: {  	v7 =	vadd.f32 v7, v10;
	v5 =	vmul.f32 v14, v5;
	v10 =	vor.u32 s18, v1  }
0x28b: {  	v6 =	vadd.f32 v6, v8;
	v4 =	vmul.f32 v13, v4  }
0x28c: {  	v5 =	vadd.f32 v5, v7  }
0x28d: {  	v4 =	vadd.f32 v4, v6  }
0x28e: {  	[tilespmem:v9+s23+$0x0] =	vst.idx.msk $0xffff, v5  }
0x28f: {  	[tilespmem:v10+s23+$0x0] =	vst.idx.msk $0xffff, v4  }
0x290: {  	v4 =	vld [tilespmem:$0x1D220]  }
0x291: {  	v5 =	vld [tilespmem:s30+$0xFFFFFF70]  }
0x292: {  	v6 =	vld [tilespmem:s30+$0xFFFFFF90]  }
0x293: {  	v7 =	vld [tilespmem:s30+$0xFFFFFFB0]  }
0x294: {  	v8 =	vld [tilespmem:s30+$0xFFFFFFD0]  }
0x295: {  	v9 =	vld [tilespmem:$0x1D1F0]  }
0x296: {  	v10 =	vld [tilespmem:$0x1D1E0]  }
0x297: {  	v11 =	vld [tilespmem:s15+$0x1430]  }
0x298: {  	v12 =	vld [tilespmem:$0x1D1B0]  }
0x299: {  	v13 =	vld [tilespmem:$0x1D1A0]  }
0x29a: {  	v14 =	vld [tilespmem:s30+$0xFFFFFF30]  }
0x29b: {  	v15 =	vld [tilespmem:s15+$0x1420]  }
0x29c: {  	v16 =	vld [tilespmem:s30+$0xFFFFFF50]  }
0x29d: {  	v17 =	vld [tilespmem:$0x1D170]  }
0x29e: {  	v18 =	vld [tilespmem:s30+$0xFFFFFF10]  }
0x29f: {  	v19 =	vld [tilespmem:$0x1D160];
	v20 =	vunpack.i.u.bf16.f32 v14;
	v14 =	vunpack.i.l.bf16.f32 v14  }
0x2a0: {  	v21 =	vld [tilespmem:s30+$0xFFFFFEF0];
	v10 =	vmul.f32 v10, v14;
	v9 =	vmul.f32 v9, v20  }
0x2a1: {  	v14 =	vld [tilespmem:$0x1D130]  }
0x2a2: {  	v22 =	vunpack.i.l.bf16.f32 v16;
	v20 =	vld [tilespmem:$0x1D120]  }
0x2a3: {  	v23 =	vld [tilespmem:s30+$0xFFFFFED0];
	v24 =	vunpack.i.u.bf16.f32 v18;
	v18 =	vunpack.i.l.bf16.f32 v18  }
0x2a4: {  	v26 =	vunpack.i.u.bf16.f32 v8;
	v8 =	vunpack.i.l.bf16.f32 v8;
	v25 =	vld [tilespmem:$0x1D230]  }
0x2a5: {  	v29 =	vunpack.i.u.bf16.f32 v7;
	v7 =	vunpack.i.l.bf16.f32 v7;
	v27 =	vunpack.i.l.bf16.f32 v21;
	v28 =	vld [tilespmem:$0x1D260]  }
0x2a6: {  	v30 =	vunpack.i.u.bf16.f32 v6;
	v6 =	vunpack.i.l.bf16.f32 v6;
	v13 =	vmul.f32 v13, v18;
	v18 =	vld [tilespmem:$0x1D270]  }
0x2a7: {  	v19 =	vmul.f32 v19, v27;
	v27 =	vunpack.i.u.bf16.f32 v5;
	v5 =	vunpack.i.l.bf16.f32 v5;
	v31 =	vld [tilespmem:$0x1D2A0]  }
0x2a8: {  	v16 =	vunpack.i.u.bf16.f32 v16;
	v4 =	vmul.f32 v4, v22;
	v32 =	vunpack.i.l.bf16.f32 v23;
	v22 =	vld [tilespmem:$0x1D2B0]  }
0x2a9: {  	v12 =	vmul.f32 v12, v24;
	v23 =	vunpack.i.u.bf16.f32 v23;
	v16 =	vmul.f32 v25, v16;
	v24 =	vld [tilespmem:$0x1D2E0]  }
0x2aa: {  	v21 =	vunpack.i.u.bf16.f32 v21;
	v14 =	vmul.f32 v14, v23;
	v5 =	vmul.f32 v28, v5;
	v23 =	vld [tilespmem:$0x1D2F0]  }
0x2ab: {  	v20 =	vmul.f32 v20, v32;
	v18 =	vmul.f32 v18, v27;
	v25 =	vld [tilespmem:$0x1D320]  }
0x2ac: {  	v11 =	vadd.f32 v14, v11;
	v14 =	vmul.f32 v17, v21;
	v17 =	vmul.f32 v31, v6;
	v6 =	vld [tilespmem:$0x1D330]  }
0x2ad: {  	v15 =	vadd.f32 v20, v15;
	v20 =	vmul.f32 v22, v30;
	v21 =	vld [tilespmem:s30+$0x50]  }
0x2ae: {  	v11 =	vadd.f32 v14, v11;
	v7 =	vmul.f32 v24, v7;
	v14 =	vld [tilespmem:s30+$0x30]  }
0x2af: {  	v15 =	vadd.f32 v19, v15;
	v19 =	vmul.f32 v23, v29;
	v22 =	vld [tilespmem:s30+$0x10]  }
0x2b0: {  	v11 =	vadd.f32 v12, v11;
	v8 =	vmul.f32 v25, v8;
	v12 =	vld [tilespmem:s30+$0xFFFFFFF0]  }
0x2b1: {  	v13 =	vadd.f32 v13, v15;
	v15 =	vmul.f32 v6, v26;
	v6 =	vld [tilespmem:$0x1D360]  }
0x2b2: {  	v9 =	vadd.f32 v9, v11;
	v11 =	vld [tilespmem:$0x1D370];
	v23 =	vunpack.i.u.bf16.f32 v21;
	v21 =	vunpack.i.l.bf16.f32 v21  }
0x2b3: {  	v10 =	vadd.f32 v10, v13;
	v13 =	vld [tilespmem:$0x1D3A0];
	v24 =	vunpack.i.l.bf16.f32 v14  }
0x2b4: {  	v9 =	vadd.f32 v16, v9;
	v16 =	vunpack.i.u.bf16.f32 v22;
	v22 =	vunpack.i.l.bf16.f32 v22;
	v25 =	vld [tilespmem:$0x1D3B0]  }
0x2b5: {  	v4 =	vadd.f32 v4, v10;
	v10 =	vunpack.i.u.bf16.f32 v12;
	v12 =	vunpack.i.l.bf16.f32 v12;
	v26 =	vld [tilespmem:$0x1D3E0]  }
0x2b6: {  	v9 =	vadd.f32 v18, v9;
	v18 =	vmul.f32 v6, v12;
	v12 =	vld [tilespmem:$0x1D3F0]  }
0x2b7: {  	v4 =	vadd.f32 v5, v4;
	v27 =	vmul.f32 v11, v10;
	v10 =	vld [tilespmem:$0x1D420]  }
0x2b8: {  	v5 =	vadd.f32 v20, v9;
	v6 =	vmul.f32 v13, v22;
	v9 =	vld [tilespmem:$0x1D430]  }
0x2b9: {  	v4 =	vadd.f32 v17, v4;
	v17 =	vmul.f32 v25, v16;
	v20 =	vld [tilespmem:$0x1D470]  }
0x2ba: {  	v11 =	vunpack.i.u.bf16.f32 v14;
	v13 =	vadd.f32 v19, v5;
	v5 =	vmul.f32 v26, v24;
	v14 =	vld [tilespmem:s30+$0x70]  }
0x2bb: {  	v7 =	vadd.f32 v7, v4;
	v11 =	vmul.f32 v12, v11;
	v19 =	vld [tilespmem:$0x1D460]  }
.Ltmp5:
0x2bc: {  	v13 =	vadd.f32 v15, v13;
	v4 =	vmul.f32 v10, v21;
	v12 =	vld [tilespmem:s30+$0x90];
	(pc) =	sbr.rel @p1 .LBB2_8-.Ltmp5, $4  }
0x2bd: {  	v7 =	vadd.f32 v8, v7;
	v10 =	vmul.f32 v9, v23;
	v9 =	vld [tilespmem:$0x1D4A0]  }
0x2be: {  	v8 =	vadd.f32 v27, v13;
	v13 =	vld [tilespmem:$0x1D4B0]  }
0x2bf: {  	v16 =	vadd.f32 v18, v7;
	v15 =	vunpack.i.u.bf16.f32 v14;
	v14 =	vunpack.i.l.bf16.f32 v14;
	v7 =	vld [tilespmem:s30+$0xB0]  }
0x2c0: {  	v17 =	vadd.f32 v17, v8;
	v8 =	vmul.f32 v19, v14;
	v15 =	vmul.f32 v20, v15;
	v14 =	vld [tilespmem:$0x1D4E0]  }
0x2c1: {  	v6 =	vadd.f32 v6, v16;
	v40 =	vld [tilespmem:$0x1D4F0]  }
0x2c2: {  	v41 =	vld [tilespmem:s9+$0xF0]  }
0x2c3: {  	v42 =	vld [tilespmem:s9+$0xD0];
	v5 =	vadd.f32 v5, v6  }
0x2c4: {  	v43 =	vld [tilespmem:$0x1D520];
	v11 =	vadd.f32 v11, v17  }
0x2c5: {  	v18 =	vunpack.i.u.bf16.f32 v12;
	v45 =	vld [tilespmem:$0x1D560];
	v4 =	vadd.f32 v4, v5  }
0x2c6: {  	v44 =	vunpack.i.l.bf16.f32 v12;
	v47 =	vld [tilespmem:$0x1D570];
	v61 =	vor.u32 s18, v2;
	v10 =	vadd.f32 v10, v11  }
0x2c7: {  	v63 =	vor.u32 s18, v3;
	v9 =	vmul.f32 v9, v44;
	v5 =	vld [tilespmem:$0x1D530];
	v4 =	vadd.f32 v8, v4  }
0x2c8: {  	v49 =	vld [tilespmem:s9+$0x110];
	v13 =	vmul.f32 v13, v18;
	v48 =	vunpack.i.l.bf16.f32 v7;
	v10 =	vadd.f32 v15, v10  }
0x2c9: {  	v51 =	vld [tilespmem:$0x1D5B0];
	v46 =	vunpack.i.u.bf16.f32 v7;
	v7 =	vmul.f32 v14, v48;
	v4 =	vadd.f32 v9, v4  }
0x2ca: {  	v52 =	vld [tilespmem:$0x1D5A0];
	v12 =	vmul.f32 v40, v46;
	v6 =	vunpack.i.l.bf16.f32 v42;
	v10 =	vadd.f32 v13, v10  }
0x2cb: {  	v54 =	vld [tilespmem:s9+$0x130];
	v50 =	vunpack.i.u.bf16.f32 v42;
	v6 =	vmul.f32 v43, v6;
	v4 =	vadd.f32 v7, v4  }
0x2cc: {  	v56 =	vld [tilespmem:$0x1D5E0];
	v55 =	vunpack.i.l.bf16.f32 v41;
	v10 =	vadd.f32 v12, v10;
	v5 =	vmul.f32 v5, v50  }
0x2cd: {  	v58 =	vld [tilespmem:$0x1D5F0];
	v53 =	vunpack.i.u.bf16.f32 v41;
	v57 =	vmul.f32 v45, v55;
	v4 =	vadd.f32 v6, v4  }
0x2ce: {  	v13 =	vunpack.i.l.bf16.f32 v49;
	v7 =	vmul.f32 v47, v53;
	v5 =	vadd.f32 v5, v10  }
0x2cf: {  	v59 =	vunpack.i.u.bf16.f32 v49;
	v9 =	vmul.f32 v52, v13;
	v4 =	vadd.f32 v57, v4  }
0x2d0: {  	v11 =	vunpack.i.l.bf16.f32 v54;
	v60 =	vmul.f32 v51, v59;
	v5 =	vadd.f32 v7, v5  }
0x2d1: {  	v62 =	vunpack.i.u.bf16.f32 v54;
	v8 =	vmul.f32 v56, v11;
	v4 =	vadd.f32 v9, v4  }
0x2d2: {  	v6 =	vmul.f32 v58, v62;
	v5 =	vadd.f32 v60, v5  }
.Ltmp6:
0x2d3: {  	s6 =	sadd.s32 s8, s29;
	v4 =	vadd.f32 v8, v4;
	(pc) =	sbr.rel @p0 .LBB2_11-.Ltmp6, $4  }
0x2d4: {  	s6 =	sshll.u32 s6, $0x3;
	v5 =	vadd.f32 v6, v5  }
0x2d5: {  	s6 =	sand.u32 $0x1FFFFF80, s6;
	[tilespmem:v61+s23+$0x0] =	vst.idx.msk $0xffff, v4  }
0x2d6: {  	s6 =	sadd.s32 s2, s6;
	[tilespmem:v63+s23+$0x0] =	vst.idx.msk $0xffff, v5  }
0x2d7: {  	[hbm4b:s6+s3] =	stream.linear.scatter [tilespmem:s23], [sflag:$0x6], $0x1400, $0x38;
	[tilespmem:$0x1D600] =	vst v63  }
0x2d8: {  	_ =	swait.ge [sflag:s31], $0x640  }
0x2d9: {  	[sflag:s31] =	ssyncset.done $0x0  }
0x2da: {  	s6 =	simm.s32 $0xD480;
	[sflag:s31] =	ssyncadd.s32 $0xFFFFF9C0  }
0x2db: {  	[tilespmem:s6], [sflag:$0x2] =	stream.indirect.gather [hbm4b:s5+s19], $0x20, s17, s19, $0xb8;
	[tilespmem:$0x1D600] =	vst v63  }
0x2dc: {  	s30 =	simm.s32 $0x6C0;
	s7 =	simm.s32 $0xE480  }
0x2dd: {  	[tilespmem:s7], [sflag:$0x2] =	stream.indirect.gather [hbm4b:s5+s19], $0x20, s30, s19, $0xb8;
	[tilespmem:$0x1D600] =	vst v63  }
0x2de: {  	s9 =	simm.s32 $0x740;
	s10 =	simm.s32 $0xF480  }
0x2df: {  	[tilespmem:s10], [sflag:$0x2] =	stream.indirect.gather [hbm4b:s5+s19], $0x20, s9, s19, $0xb8;
	[tilespmem:$0x1D600] =	vst v63  }
0x2e0: {  	s13 =	simm.s32 $0x7C0;
	s15 =	simm.s32 $0x10480  }
0x2e1: {  	[tilespmem:s15], [sflag:$0x2] =	stream.indirect.gather [hbm4b:s5+s19], $0x20, s13, s19, $0xb8;
	[tilespmem:$0x1D600] =	vst v63  }
0x2e2: {  	s18 =	simm.s32 $0x840;
	s26 =	simm.s32 $0x11480  }
0x2e3: {  	[tilespmem:s26], [sflag:$0x2] =	stream.indirect.gather [hbm4b:s5+s19], $0x20, s18, s19, $0xb8;
	[tilespmem:$0x1D600] =	vst v63  }
0x2e4: {  	s29 =	simm.s32 $0x8C0;
	s30 =	simm.s32 $0x12480  }
0x2e5: {  	[tilespmem:s30], [sflag:$0x2] =	stream.indirect.gather [hbm4b:s5+s19], $0x20, s29, s19, $0xb8;
	[tilespmem:$0x1D600] =	vst v63  }
0x2e6: {  	s7 =	simm.s32 $0x940;
	s9 =	simm.s32 $0x13480  }
0x2e7: {  	[tilespmem:s9], [sflag:$0x2] =	stream.indirect.gather [hbm4b:s5+s19], $0x20, s7, s19, $0xb8;
	[tilespmem:$0x1D600] =	vst v63  }
0x2e8: {  	s10 =	simm.s32 $0x9C0;
	s13 =	simm.s32 $0x14480  }
0x2e9: {  	[tilespmem:s13], [sflag:$0x2] =	stream.indirect.gather [hbm4b:s5+s19], $0x20, s10, s19, $0xb8;
	[tilespmem:$0x1D600] =	vst v63  }
0x2ea: {  	s15 =	simm.s32 $0xA40;
	s18 =	simm.s32 $0x15480  }
0x2eb: {  	[tilespmem:s18], [sflag:$0x2] =	stream.indirect.gather [hbm4b:s5+s19], $0x20, s15, s19, $0xb8;
	[tilespmem:$0x1D600] =	vst v63  }
0x2ec: {  	s26 =	simm.s32 $0xAC0;
	s29 =	simm.s32 $0x16480  }
0x2ed: {  	[tilespmem:s29], [sflag:$0x2] =	stream.indirect.gather [hbm4b:s5+s19], $0x20, s26, s19, $0xb8;
	[tilespmem:$0x1D600] =	vst v63  }
0x2ee: {  	s30 =	simm.s32 $0xB40  }
0x2ef: {  	[tilespmem:s0], [sflag:$0x2] =	stream.indirect.gather [hbm4b:s5+s19], $0x20, s30, s19, $0xb8;
	[tilespmem:$0x1D600] =	vst v63  }
.Ltmp7:
0x2f0: {  	_ = 	snop;
	(pc) =	sbr.rel .LBB2_2-.Ltmp7, $4  }
0x2f1: {  	_ = 	snop  }
0x2f2: {  	[tilespmem:s14], [sflag:$0x2] =	stream.indirect.gather [hbm4b:s5+s19], $0x20, s1, s19, $0xb8;
	[tilespmem:$0x1D600] =	vst v63  }
0x2f3: {  	s25 =	sadd.s32 $0x1, s25  }
0x2f4: {  	[tilespmem:s20], [sflag:$0x2] =	stream.indirect.gather [hbm4b:s5+s28], $0x20, s16, s28, $0xb8;
	[tilespmem:$0x1D600] =	vst v63  }
.LBB2_12:
0x2f5: {  	_ =	sfence.sel $0x180000  }
0x2f6: {  	[bflag:$0x0] =	sbarrier.arrive $0xFFFF  }
0x2f7: {  	_ =	strace $0x90000047  }
0x2f8: {  	s0 =	stileid.u32;
	[bflag:$0x2] =	sbarrier.arrive $0xFFFF  }
0x2f9: {  	p0 =	sne.s32 s0, $0x0;
	s0 =	rddreg [dreg:$0x2]  }
0x2fa: {  	s0 =	sadd.s32 @!p0 $0x100000, s0  }
0x2fb: {  	[sflag:s0] =	ssyncadd.tile.s32 @!p0 $0x1;
	_ =	shalt  }
.Lfunc_end2:
_tile_overlayer_lowered:
.L_overlay_start_2:
0x2fc: {  	(tag) =	ssettag $0x2  }
0x2fd: {  	s0 =	rddreg [dreg:$0x0];
	s2 =	stileid.u32  }
0x2fe: {  	s1 =	rddreg [dreg:$0x1];
	p0 =	sne.s32 s2, $0x0  }
0x2ff: {  	s3 =	rddreg [dreg:$0x2];
	[bflag:$0x3] =	sbarrier.arrive $0xFFFF;
	s2 =	simm.s32 @!p0 $0x1C07  }
0x300: {  	[timem:s3], [sflag:s2] =	dma.local @!p0 [hbm:s0], s1  }
0x301: {  	s0 =	simm.s32 @!p0 $0x7  }
0x302: {  	_ =	swait.ge @!p0 [sflag:s0], s1  }
0x303: {  	s1 =	ssub.s32 @!p0 $0x0, s1;
	[sflag:s0] =	ssyncset.done @!p0 $0x0  }
0x304: {  	[sflag:s0] =	ssyncadd.s32 @!p0 s1  }
0x305: {  	[bflag:$0x3] =	sbarrier.arrive $0xFFFF  }
0x306: {  	_ =	shalt  }

</sc_bundles>
